<compile_context>
chip_gen: v7x
topology: tpu7x:2x2x1
jax: 0.10.2.dev20260603
libtpu: 0.0.44.dev20260713+nightly
codegen_flags: <defaults>
</compile_context>

<pallas_src>
import functools

import jax
import jax.numpy as jnp
from jax import lax
from jax.experimental import pallas as pl
from jax.experimental.pallas import tpu as pltpu
from jax.experimental.pallas import tpu_sc as plsc

_N = 10000
_H = 128
_E = 320000
_G = 64
_D = 64

_NC = 2
_NS = 16
_NW = _NC * _NS
_EPW = _E // _NW
_C = 80
_NCHUNK = _EPW // _C
_RA = 632
_RL = 520
_ZR = 8

_NR = 2
_DW = 128
_BN = 1000
_NB = _N // _BN

_mesh = plsc.VectorSubcoreMesh(core_axis_name="c", subcore_axis_name="s")



@functools.partial(
    pl.kernel,
    mesh=_mesh,
    out_type=jax.ShapeDtypeStruct((_NC, _N, _DW), jnp.float32),
    scratch_types=[
        pltpu.VMEM((_NCHUNK, _C), jnp.int32),
        pltpu.VMEM((_C, _DW), jnp.float32),
        pltpu.VMEM((_ZR, _DW), jnp.float32),
        pltpu.VMEM_SHARED((_N, _DW), jnp.float32),
        pltpu.SemaphoreType.DMA,
    ],
)
def _deg_kernel(dst_hbm, out_hbm, dst_t, ones_v, zbuf_v, acc_sh, sem_i):
    c = lax.axis_index("c")
    s = lax.axis_index("s")
    wid = c * _NS + s
    base = s * _RA

    hi = pltpu.async_copy(dst_hbm.at[wid], dst_t, sem_i)

    one16 = jnp.ones((16,), jnp.float32)
    zero16 = jnp.zeros((16,), jnp.float32)

    def _fill_ones(i, carry):
        for j in range(_DW // 16):
            ones_v[i, pl.ds(j * 16, 16)] = one16
        return carry

    lax.fori_loop(0, _C, _fill_ones, 0)

    def _fill_zero(i, carry):
        for j in range(_DW // 16):
            zbuf_v[i, pl.ds(j * 16, 16)] = zero16
        return carry

    lax.fori_loop(0, _ZR, _fill_zero, 0)

    def _zero_copy(i, carry):
        pltpu.sync_copy(zbuf_v, acc_sh.at[pl.ds(base + i * _ZR, _ZR)])
        return carry

    lax.fori_loop(0, _RL // _ZR, _zero_copy, 0)

    @pl.when(s < _NS - 1)
    def _zero_tail():
        def _zc(i, carry):
            pltpu.sync_copy(zbuf_v,
                            acc_sh.at[pl.ds(base + _RL + i * _ZR, _ZR)])
            return carry
        lax.fori_loop(0, (_RA - _RL) // _ZR, _zc, 0)

    plsc.subcore_barrier()
    hi.wait()

    def _chunk(k, carry):
        pltpu.sync_copy(ones_v, acc_sh.at[dst_t.at[k]], add=True)
        return carry

    lax.fori_loop(0, _NCHUNK, _chunk, 0)

    plsc.subcore_barrier()
    pltpu.sync_copy(acc_sh.at[pl.ds(base, _RL)],
                    out_hbm.at[c, pl.ds(base, _RL)])

    @pl.when(s < _NS - 1)
    def _out_tail():
        pltpu.sync_copy(acc_sh.at[pl.ds(base + _RL, _RA - _RL)],
                        out_hbm.at[c, pl.ds(base + _RL, _RA - _RL)])


@functools.partial(
    pl.kernel,
    mesh=_mesh,
    out_type=jax.ShapeDtypeStruct((_NC, _N, _H), jnp.float32),
    scratch_types=[
        pltpu.VMEM((_NCHUNK, _C), jnp.int32),
    ] + [pltpu.VMEM((_C,), jnp.int32) for _ in range(_NR)]
      + [pltpu.VMEM((_C, _H), jnp.float32) for _ in range(_NR)]
      + [
        pltpu.VMEM((_ZR, _H), jnp.float32),
        pltpu.VMEM_SHARED((_N, _H), jnp.float32),
    ] + [pltpu.SemaphoreType.DMA for _ in range(2 * _NR + 1)],
)
def _scatter_kernel(g_hbm, src_hbm, dst_hbm_flat, out_hbm, src_t, *refs):
    dsts = refs[:_NR]
    rows = refs[_NR:2 * _NR]
    zbuf_v = refs[2 * _NR]
    acc_sh = refs[2 * _NR + 1]
    sems = refs[2 * _NR + 2:3 * _NR + 2]
    dsems = refs[3 * _NR + 2:4 * _NR + 2]
    sem_i = refs[4 * _NR + 2]
    c = lax.axis_index("c")
    s = lax.axis_index("s")
    wid = c * _NS + s
    base = s * _RA
    ebase = wid * _EPW

    hi1 = pltpu.async_copy(src_hbm.at[wid], src_t, sem_i)

    zero16 = jnp.zeros((16,), jnp.float32)

    def _fill_zero(i, carry):
        for j in range(_H // 16):
            zbuf_v[i, pl.ds(j * 16, 16)] = zero16
        return carry

    lax.fori_loop(0, _ZR, _fill_zero, 0)

    def _zero_copy(i, carry):
        pltpu.sync_copy(zbuf_v, acc_sh.at[pl.ds(base + i * _ZR, _ZR)])
        return carry

    lax.fori_loop(0, _RL // _ZR, _zero_copy, 0)

    @pl.when(s < _NS - 1)
    def _zero_tail():
        def _zc(i, carry):
            pltpu.sync_copy(zbuf_v,
                            acc_sh.at[pl.ds(base + _RL + i * _ZR, _ZR)])
            return carry
        lax.fori_loop(0, (_RA - _RL) // _ZR, _zc, 0)

    plsc.subcore_barrier()
    hi1.wait()

    def _dst_load(k, b):
        return pltpu.async_copy(
            dst_hbm_flat.at[pl.ds(ebase + k * _C, _C)], dsts[b], dsems[b])

    for b in range(_NR):
        pltpu.async_copy(g_hbm.at[src_t.at[b]], rows[b], sems[b])
        _dst_load(b, b)

    def _group(j, carry):
        for b in range(_NR):
            k = _NR * j + b
            pltpu.make_async_copy(g_hbm.at[src_t.at[k]], rows[b],
                                  sems[b]).wait()
            pltpu.make_async_copy(
                dst_hbm_flat.at[pl.ds(ebase + k * _C, _C)], dsts[b],
                dsems[b]).wait()
            pltpu.sync_copy(rows[b], acc_sh.at[dsts[b]], add=True)

            @pl.when(k + _NR < _NCHUNK)
            def _refill():
                pltpu.async_copy(g_hbm.at[src_t.at[k + _NR]], rows[b],
                                 sems[b])
                _dst_load(k + _NR, b)
        return carry

    lax.fori_loop(0, _NCHUNK // _NR, _group, 0)

    for k in range((_NCHUNK // _NR) * _NR, _NCHUNK):
        b = k % _NR
        pltpu.make_async_copy(g_hbm.at[src_t.at[k]], rows[b],
                              sems[b]).wait()
        pltpu.make_async_copy(dst_hbm_flat.at[pl.ds(ebase + k * _C, _C)],
                              dsts[b], dsems[b]).wait()
        pltpu.sync_copy(rows[b], acc_sh.at[dsts[b]], add=True)

    plsc.subcore_barrier()
    pltpu.sync_copy(acc_sh.at[pl.ds(base, _RL)],
                    out_hbm.at[c, pl.ds(base, _RL)])

    @pl.when(s < _NS - 1)
    def _out_tail():
        pltpu.sync_copy(acc_sh.at[pl.ds(base + _RL, _RA - _RL)],
                        out_hbm.at[c, pl.ds(base + _RL, _RA - _RL)])



def _prologue_body(x_ref, we_ref, be_ref, w0_ref, deg_ref, g_ref, dis_ref):
    h = jnp.dot(x_ref[...], we_ref[...],
                preferred_element_type=jnp.float32) + be_ref[...]
    dsum = deg_ref[0] + deg_ref[1]
    dis = lax.rsqrt(dsum[:, 0:1] + 1.0)
    g_ref[...] = jnp.dot(h, w0_ref[...],
                         preferred_element_type=jnp.float32) * dis
    dis_ref[...] = dis


def _tc_prologue(x, w_enc, b_enc, w0, deg_pair):
    return pl.pallas_call(
        _prologue_body,
        grid=(_NB,),
        in_specs=[
            pl.BlockSpec((_BN, _H), lambda i: (i, 0)),
            pl.BlockSpec((_H, _H), lambda i: (0, 0)),
            pl.BlockSpec((1, _H), lambda i: (0, 0)),
            pl.BlockSpec((_H, _H), lambda i: (0, 0)),
            pl.BlockSpec((_NC, _BN, _DW), lambda i: (0, i, 0)),
        ],
        out_specs=[
            pl.BlockSpec((_BN, _H), lambda i: (i, 0)),
            pl.BlockSpec((_BN, 1), lambda i: (i, 0)),
        ],
        out_shape=[
            jax.ShapeDtypeStruct((_N, _H), jnp.float32),
            jax.ShapeDtypeStruct((_N, 1), jnp.float32),
        ],
    )(x, w_enc, b_enc, w0, deg_pair)


def _mid_body(p_ref, g_ref, dis_ref, b_ref, w_ref, gn_ref):
    dis = dis_ref[...]
    ssum = (p_ref[0] + p_ref[1] + g_ref[...]) * dis + b_ref[...]
    h = jnp.maximum(ssum, 0.0)
    gn_ref[...] = jnp.dot(h, w_ref[...],
                          preferred_element_type=jnp.float32) * dis


def _tc_mid(p, g, dis, b_prev, w_next):
    return pl.pallas_call(
        _mid_body,
        grid=(_NB,),
        in_specs=[
            pl.BlockSpec((_NC, _BN, _H), lambda i: (0, i, 0)),
            pl.BlockSpec((_BN, _H), lambda i: (i, 0)),
            pl.BlockSpec((_BN, 1), lambda i: (i, 0)),
            pl.BlockSpec((1, _H), lambda i: (0, 0)),
            pl.BlockSpec((_H, _H), lambda i: (0, 0)),
        ],
        out_specs=pl.BlockSpec((_BN, _H), lambda i: (i, 0)),
        out_shape=jax.ShapeDtypeStruct((_N, _H), jnp.float32),
    )(p, g, dis, b_prev, w_next)


def _final_body(p_ref, g_ref, dis_ref, b_ref, batch_ref, wp_ref, bp_ref,
                lng_ref, lnb_ref, y_ref, sums_ref, cnt_ref):
    i = pl.program_id(0)

    @pl.when(i == 0)
    def _init():
        sums_ref[...] = jnp.zeros((_G, _H), jnp.float32)
        cnt_ref[...] = jnp.zeros((_G, 1), jnp.float32)

    dis = dis_ref[...]
    ssum = (p_ref[0] + p_ref[1] + g_ref[...]) * dis + b_ref[...]
    h = jnp.maximum(ssum, 0.0)

    b2d = batch_ref[0]
    gid = lax.broadcasted_iota(jnp.int32, (_G, _BN), 0)
    mask = (gid == b2d).astype(jnp.float32)
    sums_ref[...] += jnp.dot(mask, h, preferred_element_type=jnp.float32)
    cnt_ref[...] += jnp.sum(mask, axis=1, keepdims=True)

    @pl.when(i == _NB - 1)
    def _head():
        mol = sums_ref[...] / jnp.maximum(cnt_ref[...], 1.0)
        y = jnp.dot(mol, wp_ref[...],
                    preferred_element_type=jnp.float32) + bp_ref[...]
        mu = jnp.mean(y, axis=1, keepdims=True)
        var = jnp.mean((y - mu) * (y - mu), axis=1, keepdims=True)
        y = (y - mu) * lax.rsqrt(var + 1e-5)
        y_ref[...] = y * lng_ref[...] + lnb_ref[...]


def _tc_final(p, g, dis, b_prev, batch3, w_proj, b_proj, ln_g, ln_b):
    return pl.pallas_call(
        _final_body,
        grid=(_NB,),
        in_specs=[
            pl.BlockSpec((_NC, _BN, _H), lambda i: (0, i, 0)),
            pl.BlockSpec((_BN, _H), lambda i: (i, 0)),
            pl.BlockSpec((_BN, 1), lambda i: (i, 0)),
            pl.BlockSpec((1, _H), lambda i: (0, 0)),
            pl.BlockSpec((1, 1, _BN), lambda i: (i, 0, 0)),
            pl.BlockSpec((_H, _D), lambda i: (0, 0)),
            pl.BlockSpec((1, _D), lambda i: (0, 0)),
            pl.BlockSpec((1, _D), lambda i: (0, 0)),
            pl.BlockSpec((1, _D), lambda i: (0, 0)),
        ],
        out_specs=pl.BlockSpec((_G, _D), lambda i: (0, 0)),
        out_shape=jax.ShapeDtypeStruct((_G, _D), jnp.float32),
        scratch_shapes=[
            pltpu.VMEM((_G, _H), jnp.float32),
            pltpu.VMEM((_G, 1), jnp.float32),
        ],
    )(p, g, dis, b_prev, batch3, w_proj, b_proj, ln_g, ln_b)



def kernel(x, edge_index, batch, W_enc, b_enc, W_convs, b_convs,
           W_proj, b_proj, ln_g, ln_b):
    src = edge_index[0].reshape(_NW, _NCHUNK, _C)
    dst_flat = edge_index[1]
    dst = dst_flat.reshape(_NW, _NCHUNK, _C)

    deg_pair = _deg_kernel(dst)

    g1, dis = _tc_prologue(x, W_enc, b_enc.reshape(1, _H), W_convs[0],
                           deg_pair)
    p1 = _scatter_kernel(g1, src, dst_flat)
    g2 = _tc_mid(p1, g1, dis, b_convs[0].reshape(1, _H), W_convs[1])
    p2 = _scatter_kernel(g2, src, dst_flat)
    g3 = _tc_mid(p2, g2, dis, b_convs[1].reshape(1, _H), W_convs[2])
    p3 = _scatter_kernel(g3, src, dst_flat)

    batch3 = batch.reshape(_NB, 1, _BN)
    y = _tc_final(p3, g3, dis, b_convs[2].reshape(1, _H), batch3,
                  W_proj, b_proj.reshape(1, _D),
                  ln_g.reshape(1, _D), ln_b.reshape(1, _D))
    return y

# --- scband reference (transcript-rebuilt; emitter-appended) ---
"""Pipeline reference for scband-simple-gcnencoder-31851477467888 (READ-ONLY COPY).

The authoritative reference and input builder live on the scoring server;
editing this copy changes nothing except your own understanding.
"""

import jax, jax.numpy as jnp
import numpy as np

N = 10000
E = 320000
ATOM_DIM = 128
HIDDEN = 128
NODE_DIM = 64
NUM_LAYERS = 3
NUM_GRAPHS = 64


def setup_inputs(seed: int = 0):
    key = jax.random.key(seed)
    ks = jax.random.split(key, 12)
    x = jax.random.normal(ks[0], (N, ATOM_DIM), dtype=jnp.float32)
    edge_index = jax.random.randint(ks[1], (2, E), 0, N, dtype=jnp.int32)
    batch = jnp.sort(jax.random.randint(ks[2], (N,), 0, NUM_GRAPHS, dtype=jnp.int32))
    W_enc = jax.random.normal(ks[3], (ATOM_DIM, HIDDEN), dtype=jnp.float32) * 0.05
    b_enc = jnp.zeros((HIDDEN,), dtype=jnp.float32)
    W_convs = jax.random.normal(ks[4], (NUM_LAYERS, HIDDEN, HIDDEN), dtype=jnp.float32) * 0.05
    b_convs = jnp.zeros((NUM_LAYERS, HIDDEN), dtype=jnp.float32)
    W_proj = jax.random.normal(ks[5], (HIDDEN, NODE_DIM), dtype=jnp.float32) * 0.05
    b_proj = jnp.zeros((NODE_DIM,), dtype=jnp.float32)
    ln_g = jnp.ones((NODE_DIM,), dtype=jnp.float32)
    ln_b = jnp.zeros((NODE_DIM,), dtype=jnp.float32)
    return {"x": x, "edge_index": edge_index, "batch": batch,
            "W_enc": W_enc, "b_enc": b_enc, "W_convs": W_convs, "b_convs": b_convs,
            "W_proj": W_proj, "b_proj": b_proj, "ln_g": ln_g, "ln_b": ln_b}


def _forward(x, edge_index, batch, W_enc, b_enc, W_convs, b_convs, W_proj, b_proj, ln_g, ln_b):
    n = x.shape[0]
    loop = jnp.arange(n, dtype=edge_index.dtype)
    src = jnp.concatenate([edge_index[0], loop])
    dst = jnp.concatenate([edge_index[1], loop])
    # symmetric GCN normalization with self-loops (torch_geometric GCNConv default)
    deg = jax.ops.segment_sum(jnp.ones_like(dst, dtype=x.dtype), dst, num_segments=n)
    dis = jnp.where(deg > 0, jax.lax.rsqrt(jnp.maximum(deg, 1e-12)), 0.0)
    norm = (dis[src] * dis[dst])[:, None]
    h = x @ W_enc + b_enc
    for i in range(NUM_LAYERS):
        hw = h @ W_convs[i]
        msg = hw[src] * norm
        h = jax.ops.segment_sum(msg, dst, num_segments=n) + b_convs[i]
        h = jax.nn.relu(h)
        # dropout p=0.0 -> identity
    sums = jax.ops.segment_sum(h, batch, num_segments=NUM_GRAPHS)
    cnt = jax.ops.segment_sum(jnp.ones((n,), dtype=h.dtype), batch, num_segments=NUM_GRAPHS)
    mol = sums / jnp.maximum(cnt, 1.0)[:, None]
    y = mol @ W_proj + b_proj
    mu = jnp.mean(y, axis=-1, keepdims=True)
    var = jnp.var(y, axis=-1, keepdims=True)
    y = (y - mu) * jax.lax.rsqrt(var + 1e-5)
    return y * ln_g + ln_b


def reference(x, edge_index, batch, W_enc, b_enc, W_convs, b_convs, W_proj, b_proj, ln_g, ln_b):
    return _forward(x, edge_index, batch, W_enc, b_enc, W_convs, b_convs, W_proj, b_proj, ln_g, ln_b)

if __name__ == "__main__":
    import jax
    _d = setup_inputs()
    print(jax.jit(kernel)(*tuple(_d.values())))

</pallas_src>

<mosaic_0001>
#map = affine_map<(d0, d1) -> (0, 0, 0)>
module attributes {stable_mosaic.version = 14 : i64} {
  func.func @_deg_kernel(%arg0: i32, %arg1: i32, %arg2: memref<32x125x80xi32, #tpu.memory_space<hbm>>, %arg3: memref<2x10000x128xf32, #tpu.memory_space<hbm>>, %arg4: memref<125x80xi32, #tpu.memory_space<vmem>>, %arg5: memref<80x128xf32, #tpu.memory_space<vmem>>, %arg6: memref<8x128xf32, #tpu.memory_space<vmem>>, %arg7: memref<10000x128xf32, #tpu.memory_space<vmem_shared>>, %arg8: memref<!tpu.dma_semaphore, #tpu.memory_space<semaphore_mem>>) attributes {dimension_semantics = [#tpu.dimension_semantics<core_parallel>, #tpu.dimension_semantics<subcore_parallel>], iteration_bounds = array<i64: 2, 16>, scalar_prefetch = 0 : i64, scratch_operands = 5 : i64, tpu.core_type = #tpu.core_type<sc_vector_subcore>, window_params = [{transform_indices = #map}, {transform_indices = #map}]} {
    %mul3A = arith.constant 16 : i32
    %mul3A_0 = arith.muli %arg0, %mul3A : i32
    %add3A = arith.addi %mul3A_0, %arg1 : i32
    %mul3A_1 = arith.constant 632 : i32
    %mul3A_2 = arith.muli %arg1, %mul3A_1 : i32
    %dma_start3A = arith.constant 0 : i32
    %dma_start3A_3 = arith.constant 0 : i32
    %dma_start3A_4 = tpu.memref_slice %arg2[%add3A, %dma_start3A, %dma_start3A_3] : memref<32x125x80xi32, #tpu.memory_space<hbm>> -> memref<1x125x80xi32, #tpu.memory_space<hbm>>
    %dma_start3A_5 = tpu.memref_squeeze %dma_start3A_4 : memref<1x125x80xi32, #tpu.memory_space<hbm>> -> memref<125x80xi32, #tpu.memory_space<hbm>>
    %dma_start3A_6 = arith.constant 0 : i32
    %dma_start3A_7 = arith.constant 0 : i32
    %dma_start3A_8 = tpu.memref_slice %arg2[%add3A, %dma_start3A_6, %dma_start3A_7] : memref<32x125x80xi32, #tpu.memory_space<hbm>> -> memref<1x125x80xi32, #tpu.memory_space<hbm>>
    %dma_start3A_9 = tpu.memref_squeeze %dma_start3A_8 : memref<1x125x80xi32, #tpu.memory_space<hbm>> -> memref<125x80xi32, #tpu.memory_space<hbm>>
    tpu.enqueue_dma source(%dma_start3A_9 : memref<125x80xi32, #tpu.memory_space<hbm>>) target(%arg4 : memref<125x80xi32, #tpu.memory_space<vmem>>) target_semaphore(%arg8 : memref<!tpu.dma_semaphore, #tpu.memory_space<semaphore_mem>>)
    %broadcast_in_dim3A = arith.constant 1.000000e+00 : f32
    %broadcast_in_dim3A_10 = vector.broadcast %broadcast_in_dim3A : f32 to vector<16xf32>
    %broadcast_in_dim3A_11 = arith.constant 0.000000e+00 : f32
    %broadcast_in_dim3A_12 = vector.broadcast %broadcast_in_dim3A_11 : f32 to vector<16xf32>
    %scan3A = arith.constant 0 : i32
    %scan3A_13 = arith.constant 0 : i32
    %scan3A_14 = arith.constant 80 : i32
    %scan3A_15 = arith.addi %scan3A_13, %scan3A_14 : i32
    %scan3A_16 = arith.constant 1 : i32
    scf.for %scan3A_51 = %scan3A_13 to %scan3A_15 step %scan3A_16  : i32 {
      %swap3A = arith.index_cast %scan3A_51 : i32 to index
      %swap3A_52 = arith.constant 0 : index
      %swap3A_53 = tpu.vector_load %arg5[%swap3A, %swap3A_52] {strides = array<i32>} : memref<80x128xf32, #tpu.memory_space<vmem>>, vector<1x16xf32>,
      %swap3A_54 = vector.shape_cast %swap3A_53 : vector<1x16xf32> to vector<16xf32>
      %swap3A_55 = vector.shape_cast %broadcast_in_dim3A_10 : vector<16xf32> to vector<1x16xf32>
      tpu.vector_store %arg5[%swap3A, %swap3A_52], %swap3A_55 {strides = array<i32>} : memref<80x128xf32, #tpu.memory_space<vmem>>, vector<1x16xf32>,
      %swap3A_56 = arith.index_cast %scan3A_51 : i32 to index
      %swap3A_57 = arith.constant 16 : index
      %swap3A_58 = tpu.vector_load %arg5[%swap3A_56, %swap3A_57] {strides = array<i32>} : memref<80x128xf32, #tpu.memory_space<vmem>>, vector<1x16xf32>,
      %swap3A_59 = vector.shape_cast %swap3A_58 : vector<1x16xf32> to vector<16xf32>
      %swap3A_60 = vector.shape_cast %broadcast_in_dim3A_10 : vector<16xf32> to vector<1x16xf32>
      tpu.vector_store %arg5[%swap3A_56, %swap3A_57], %swap3A_60 {strides = array<i32>} : memref<80x128xf32, #tpu.memory_space<vmem>>, vector<1x16xf32>,
      %swap3A_61 = arith.index_cast %scan3A_51 : i32 to index
      %swap3A_62 = arith.constant 32 : index
      %swap3A_63 = tpu.vector_load %arg5[%swap3A_61, %swap3A_62] {strides = array<i32>} : memref<80x128xf32, #tpu.memory_space<vmem>>, vector<1x16xf32>,
      %swap3A_64 = vector.shape_cast %swap3A_63 : vector<1x16xf32> to vector<16xf32>
      %swap3A_65 = vector.shape_cast %broadcast_in_dim3A_10 : vector<16xf32> to vector<1x16xf32>
      tpu.vector_store %arg5[%swap3A_61, %swap3A_62], %swap3A_65 {strides = array<i32>} : memref<80x128xf32, #tpu.memory_space<vmem>>, vector<1x16xf32>,
      %swap3A_66 = arith.index_cast %scan3A_51 : i32 to index
      %swap3A_67 = arith.constant 48 : index
      %swap3A_68 = tpu.vector_load %arg5[%swap3A_66, %swap3A_67] {strides = array<i32>} : memref<80x128xf32, #tpu.memory_space<vmem>>, vector<1x16xf32>,
      %swap3A_69 = vector.shape_cast %swap3A_68 : vector<1x16xf32> to vector<16xf32>
      %swap3A_70 = vector.shape_cast %broadcast_in_dim3A_10 : vector<16xf32> to vector<1x16xf32>
      tpu.vector_store %arg5[%swap3A_66, %swap3A_67], %swap3A_70 {strides = array<i32>} : memref<80x128xf32, #tpu.memory_space<vmem>>, vector<1x16xf32>,
      %swap3A_71 = arith.index_cast %scan3A_51 : i32 to index
      %swap3A_72 = arith.constant 64 : index
      %swap3A_73 = tpu.vector_load %arg5[%swap3A_71, %swap3A_72] {strides = array<i32>} : memref<80x128xf32, #tpu.memory_space<vmem>>, vector<1x16xf32>,
      %swap3A_74 = vector.shape_cast %swap3A_73 : vector<1x16xf32> to vector<16xf32>
      %swap3A_75 = vector.shape_cast %broadcast_in_dim3A_10 : vector<16xf32> to vector<1x16xf32>
      tpu.vector_store %arg5[%swap3A_71, %swap3A_72], %swap3A_75 {strides = array<i32>} : memref<80x128xf32, #tpu.memory_space<vmem>>, vector<1x16xf32>,
      %swap3A_76 = arith.index_cast %scan3A_51 : i32 to index
      %swap3A_77 = arith.constant 80 : index
      %swap3A_78 = tpu.vector_load %arg5[%swap3A_76, %swap3A_77] {strides = array<i32>} : memref<80x128xf32, #tpu.memory_space<vmem>>, vector<1x16xf32>,
      %swap3A_79 = vector.shape_cast %swap3A_78 : vector<1x16xf32> to vector<16xf32>
      %swap3A_80 = vector.shape_cast %broadcast_in_dim3A_10 : vector<16xf32> to vector<1x16xf32>
      tpu.vector_store %arg5[%swap3A_76, %swap3A_77], %swap3A_80 {strides = array<i32>} : memref<80x128xf32, #tpu.memory_space<vmem>>, vector<1x16xf32>,
      %swap3A_81 = arith.index_cast %scan3A_51 : i32 to index
      %swap3A_82 = arith.constant 96 : index
      %swap3A_83 = tpu.vector_load %arg5[%swap3A_81, %swap3A_82] {strides = array<i32>} : memref<80x128xf32, #tpu.memory_space<vmem>>, vector<1x16xf32>,
      %swap3A_84 = vector.shape_cast %swap3A_83 : vector<1x16xf32> to vector<16xf32>
      %swap3A_85 = vector.shape_cast %broadcast_in_dim3A_10 : vector<16xf32> to vector<1x16xf32>
      tpu.vector_store %arg5[%swap3A_81, %swap3A_82], %swap3A_85 {strides = array<i32>} : memref<80x128xf32, #tpu.memory_space<vmem>>, vector<1x16xf32>,
      %swap3A_86 = arith.index_cast %scan3A_51 : i32 to index
      %swap3A_87 = arith.constant 112 : index
      %swap3A_88 = tpu.vector_load %arg5[%swap3A_86, %swap3A_87] {strides = array<i32>} : memref<80x128xf32, #tpu.memory_space<vmem>>, vector<1x16xf32>,
      %swap3A_89 = vector.shape_cast %swap3A_88 : vector<1x16xf32> to vector<16xf32>
      %swap3A_90 = vector.shape_cast %broadcast_in_dim3A_10 : vector<16xf32> to vector<1x16xf32>
      tpu.vector_store %arg5[%swap3A_86, %swap3A_87], %swap3A_90 {strides = array<i32>} : memref<80x128xf32, #tpu.memory_space<vmem>>, vector<1x16xf32>,
    }
    %scan3A_17 = arith.constant 80 : i32
    %scan3A_18 = arith.constant 0 : i32
    %scan3A_19 = arith.constant 0 : i32
    %scan3A_20 = arith.constant 8 : i32
    %scan3A_21 = arith.addi %scan3A_19, %scan3A_20 : i32
    %scan3A_22 = arith.constant 1 : i32
    scf.for %scan3A_51 = %scan3A_19 to %scan3A_21 step %scan3A_22  : i32 {
      %swap3A = arith.index_cast %scan3A_51 : i32 to index
      %swap3A_52 = arith.constant 0 : index
      %swap3A_53 = tpu.vector_load %arg6[%swap3A, %swap3A_52] {strides = array<i32>} : memref<8x128xf32, #tpu.memory_space<vmem>>, vector<1x16xf32>,
      %swap3A_54 = vector.shape_cast %swap3A_53 : vector<1x16xf32> to vector<16xf32>
      %swap3A_55 = vector.shape_cast %broadcast_in_dim3A_12 : vector<16xf32> to vector<1x16xf32>
      tpu.vector_store %arg6[%swap3A, %swap3A_52], %swap3A_55 {strides = array<i32>} : memref<8x128xf32, #tpu.memory_space<vmem>>, vector<1x16xf32>,
      %swap3A_56 = arith.index_cast %scan3A_51 : i32 to index
      %swap3A_57 = arith.constant 16 : index
      %swap3A_58 = tpu.vector_load %arg6[%swap3A_56, %swap3A_57] {strides = array<i32>} : memref<8x128xf32, #tpu.memory_space<vmem>>, vector<1x16xf32>,
      %swap3A_59 = vector.shape_cast %swap3A_58 : vector<1x16xf32> to vector<16xf32>
      %swap3A_60 = vector.shape_cast %broadcast_in_dim3A_12 : vector<16xf32> to vector<1x16xf32>
      tpu.vector_store %arg6[%swap3A_56, %swap3A_57], %swap3A_60 {strides = array<i32>} : memref<8x128xf32, #tpu.memory_space<vmem>>, vector<1x16xf32>,
      %swap3A_61 = arith.index_cast %scan3A_51 : i32 to index
      %swap3A_62 = arith.constant 32 : index
      %swap3A_63 = tpu.vector_load %arg6[%swap3A_61, %swap3A_62] {strides = array<i32>} : memref<8x128xf32, #tpu.memory_space<vmem>>, vector<1x16xf32>,
      %swap3A_64 = vector.shape_cast %swap3A_63 : vector<1x16xf32> to vector<16xf32>
      %swap3A_65 = vector.shape_cast %broadcast_in_dim3A_12 : vector<16xf32> to vector<1x16xf32>
      tpu.vector_store %arg6[%swap3A_61, %swap3A_62], %swap3A_65 {strides = array<i32>} : memref<8x128xf32, #tpu.memory_space<vmem>>, vector<1x16xf32>,
      %swap3A_66 = arith.index_cast %scan3A_51 : i32 to index
      %swap3A_67 = arith.constant 48 : index
      %swap3A_68 = tpu.vector_load %arg6[%swap3A_66, %swap3A_67] {strides = array<i32>} : memref<8x128xf32, #tpu.memory_space<vmem>>, vector<1x16xf32>,
      %swap3A_69 = vector.shape_cast %swap3A_68 : vector<1x16xf32> to vector<16xf32>
      %swap3A_70 = vector.shape_cast %broadcast_in_dim3A_12 : vector<16xf32> to vector<1x16xf32>
      tpu.vector_store %arg6[%swap3A_66, %swap3A_67], %swap3A_70 {strides = array<i32>} : memref<8x128xf32, #tpu.memory_space<vmem>>, vector<1x16xf32>,
      %swap3A_71 = arith.index_cast %scan3A_51 : i32 to index
      %swap3A_72 = arith.constant 64 : index
      %swap3A_73 = tpu.vector_load %arg6[%swap3A_71, %swap3A_72] {strides = array<i32>} : memref<8x128xf32, #tpu.memory_space<vmem>>, vector<1x16xf32>,
      %swap3A_74 = vector.shape_cast %swap3A_73 : vector<1x16xf32> to vector<16xf32>
      %swap3A_75 = vector.shape_cast %broadcast_in_dim3A_12 : vector<16xf32> to vector<1x16xf32>
      tpu.vector_store %arg6[%swap3A_71, %swap3A_72], %swap3A_75 {strides = array<i32>} : memref<8x128xf32, #tpu.memory_space<vmem>>, vector<1x16xf32>,
      %swap3A_76 = arith.index_cast %scan3A_51 : i32 to index
      %swap3A_77 = arith.constant 80 : index
      %swap3A_78 = tpu.vector_load %arg6[%swap3A_76, %swap3A_77] {strides = array<i32>} : memref<8x128xf32, #tpu.memory_space<vmem>>, vector<1x16xf32>,
      %swap3A_79 = vector.shape_cast %swap3A_78 : vector<1x16xf32> to vector<16xf32>
      %swap3A_80 = vector.shape_cast %broadcast_in_dim3A_12 : vector<16xf32> to vector<1x16xf32>
      tpu.vector_store %arg6[%swap3A_76, %swap3A_77], %swap3A_80 {strides = array<i32>} : memref<8x128xf32, #tpu.memory_space<vmem>>, vector<1x16xf32>,
      %swap3A_81 = arith.index_cast %scan3A_51 : i32 to index
      %swap3A_82 = arith.constant 96 : index
      %swap3A_83 = tpu.vector_load %arg6[%swap3A_81, %swap3A_82] {strides = array<i32>} : memref<8x128xf32, #tpu.memory_space<vmem>>, vector<1x16xf32>,
      %swap3A_84 = vector.shape_cast %swap3A_83 : vector<1x16xf32> to vector<16xf32>
      %swap3A_85 = vector.shape_cast %broadcast_in_dim3A_12 : vector<16xf32> to vector<1x16xf32>
      tpu.vector_store %arg6[%swap3A_81, %swap3A_82], %swap3A_85 {strides = array<i32>} : memref<8x128xf32, #tpu.memory_space<vmem>>, vector<1x16xf32>,
      %swap3A_86 = arith.index_cast %scan3A_51 : i32 to index
      %swap3A_87 = arith.constant 112 : index
      %swap3A_88 = tpu.vector_load %arg6[%swap3A_86, %swap3A_87] {strides = array<i32>} : memref<8x128xf32, #tpu.memory_space<vmem>>, vector<1x16xf32>,
      %swap3A_89 = vector.shape_cast %swap3A_88 : vector<1x16xf32> to vector<16xf32>
      %swap3A_90 = vector.shape_cast %broadcast_in_dim3A_12 : vector<16xf32> to vector<1x16xf32>
      tpu.vector_store %arg6[%swap3A_86, %swap3A_87], %swap3A_90 {strides = array<i32>} : memref<8x128xf32, #tpu.memory_space<vmem>>, vector<1x16xf32>,
    }
    %scan3A_23 = arith.constant 8 : i32
    %scan3A_24 = arith.constant 0 : i32
    %scan3A_25 = arith.constant 0 : i32
    %scan3A_26 = arith.constant 65 : i32
    %scan3A_27 = arith.addi %scan3A_25, %scan3A_26 : i32
    %scan3A_28 = arith.constant 1 : i32
    scf.for %scan3A_51 = %scan3A_25 to %scan3A_27 step %scan3A_28  : i32 {
      %mul3A_52 = arith.constant 8 : i32
      %mul3A_53 = arith.muli %scan3A_51, %mul3A_52 : i32
      %add3A_54 = arith.addi %mul3A_2, %mul3A_53 : i32
      "tpu.region"() ({
        %run_scoped3A = tpu.sem_alloc : memref<!tpu.dma_semaphore, #tpu.memory_space<semaphore_mem>>
        %dma_start3A_55 = arith.constant 0 : i32
        %dma_start3A_56 = tpu.memref_slice %arg7[%add3A_54, %dma_start3A_55] : memref<10000x128xf32, #tpu.memory_space<vmem_shared>> -> memref<8x128xf32, #tpu.memory_space<vmem_shared>>
        %dma_start3A_57 = arith.constant 0 : i32
        %dma_start3A_58 = tpu.memref_slice %arg7[%add3A_54, %dma_start3A_57] : memref<10000x128xf32, #tpu.memory_space<vmem_shared>> -> memref<8x128xf32, #tpu.memory_space<vmem_shared>>
        tpu.enqueue_dma source(%arg6 : memref<8x128xf32, #tpu.memory_space<vmem>>) target(%dma_start3A_58 : memref<8x128xf32, #tpu.memory_space<vmem_shared>>) target_semaphore(%run_scoped3A : memref<!tpu.dma_semaphore, #tpu.memory_space<semaphore_mem>>)
        %dma_wait3A_59 = arith.constant 0 : i32
        %dma_wait3A_60 = tpu.memref_slice %arg7[%add3A_54, %dma_wait3A_59] : memref<10000x128xf32, #tpu.memory_space<vmem_shared>> -> memref<8x128xf32, #tpu.memory_space<vmem_shared>>
        %dma_wait3A_61 = arith.constant 0 : i32
        %dma_wait3A_62 = tpu.memref_slice %arg7[%add3A_54, %dma_wait3A_61] : memref<10000x128xf32, #tpu.memory_space<vmem_shared>> -> memref<8x128xf32, #tpu.memory_space<vmem_shared>>
        tpu.wait_dma2 semaphore(%run_scoped3A : memref<!tpu.dma_semaphore, #tpu.memory_space<semaphore_mem>>) src(%arg6 : memref<8x128xf32, #tpu.memory_space<vmem>>) dst(%dma_wait3A_62 : memref<8x128xf32, #tpu.memory_space<vmem_shared>>)
        tpu.yield
      }) : () -> ()
    }
    %scan3A_29 = arith.constant 65 : i32
    %lt3A = arith.constant 15 : i32
    %lt3A_30 = arith.cmpi slt, %arg1, %lt3A : i32
    %convert_element_type3A = arith.extui %lt3A_30 : i1 to i32
    %cond3A = arith.constant 0 : i32
    %cond3A_31 = arith.cmpi ne, %convert_element_type3A, %cond3A : i32
    scf.if %cond3A_31 {
      %scan3A_51 = arith.constant 0 : i32
      %scan3A_52 = arith.constant 0 : i32
      %scan3A_53 = arith.constant 14 : i32
      %scan3A_54 = arith.addi %scan3A_52, %scan3A_53 : i32
      %scan3A_55 = arith.constant 1 : i32
      scf.for %scan3A_57 = %scan3A_52 to %scan3A_54 step %scan3A_55  : i32 {
        %add3A_58 = arith.constant 520 : i32
        %add3A_59 = arith.addi %mul3A_2, %add3A_58 : i32
        %mul3A_60 = arith.constant 8 : i32
        %mul3A_61 = arith.muli %scan3A_57, %mul3A_60 : i32
        %add3A_62 = arith.addi %add3A_59, %mul3A_61 : i32
        "tpu.region"() ({
          %run_scoped3A = tpu.sem_alloc : memref<!tpu.dma_semaphore, #tpu.memory_space<semaphore_mem>>
          %dma_start3A_63 = arith.constant 0 : i32
          %dma_start3A_64 = tpu.memref_slice %arg7[%add3A_62, %dma_start3A_63] : memref<10000x128xf32, #tpu.memory_space<vmem_shared>> -> memref<8x128xf32, #tpu.memory_space<vmem_shared>>
          %dma_start3A_65 = arith.constant 0 : i32
          %dma_start3A_66 = tpu.memref_slice %arg7[%add3A_62, %dma_start3A_65] : memref<10000x128xf32, #tpu.memory_space<vmem_shared>> -> memref<8x128xf32, #tpu.memory_space<vmem_shared>>
          tpu.enqueue_dma source(%arg6 : memref<8x128xf32, #tpu.memory_space<vmem>>) target(%dma_start3A_66 : memref<8x128xf32, #tpu.memory_space<vmem_shared>>) target_semaphore(%run_scoped3A : memref<!tpu.dma_semaphore, #tpu.memory_space<semaphore_mem>>)
          %dma_wait3A_67 = arith.constant 0 : i32
          %dma_wait3A_68 = tpu.memref_slice %arg7[%add3A_62, %dma_wait3A_67] : memref<10000x128xf32, #tpu.memory_space<vmem_shared>> -> memref<8x128xf32, #tpu.memory_space<vmem_shared>>
          %dma_wait3A_69 = arith.constant 0 : i32
          %dma_wait3A_70 = tpu.memref_slice %arg7[%add3A_62, %dma_wait3A_69] : memref<10000x128xf32, #tpu.memory_space<vmem_shared>> -> memref<8x128xf32, #tpu.memory_space<vmem_shared>>
          tpu.wait_dma2 semaphore(%run_scoped3A : memref<!tpu.dma_semaphore, #tpu.memory_space<semaphore_mem>>) src(%arg6 : memref<8x128xf32, #tpu.memory_space<vmem>>) dst(%dma_wait3A_70 : memref<8x128xf32, #tpu.memory_space<vmem_shared>>)
          tpu.yield
        }) : () -> ()
      }
      %scan3A_56 = arith.constant 14 : i32
    } else {
    }
    %barrier3A = arith.constant 0 : index
    tpu.barrier barrier_id(%barrier3A)
    %dma_wait3A = arith.constant 0 : i32
    %dma_wait3A_32 = arith.constant 0 : i32
    %dma_wait3A_33 = tpu.memref_slice %arg2[%add3A, %dma_wait3A, %dma_wait3A_32] : memref<32x125x80xi32, #tpu.memory_space<hbm>> -> memref<1x125x80xi32, #tpu.memory_space<hbm>>
    %dma_wait3A_34 = tpu.memref_squeeze %dma_wait3A_33 : memref<1x125x80xi32, #tpu.memory_space<hbm>> -> memref<125x80xi32, #tpu.memory_space<hbm>>
    %dma_wait3A_35 = arith.constant 0 : i32
    %dma_wait3A_36 = arith.constant 0 : i32
    %dma_wait3A_37 = tpu.memref_slice %arg2[%add3A, %dma_wait3A_35, %dma_wait3A_36] : memref<32x125x80xi32, #tpu.memory_space<hbm>> -> memref<1x125x80xi32, #tpu.memory_space<hbm>>
    %dma_wait3A_38 = tpu.memref_squeeze %dma_wait3A_37 : memref<1x125x80xi32, #tpu.memory_space<hbm>> -> memref<125x80xi32, #tpu.memory_space<hbm>>
    tpu.wait_dma2 semaphore(%arg8 : memref<!tpu.dma_semaphore, #tpu.memory_space<semaphore_mem>>) src(%dma_wait3A_38 : memref<125x80xi32, #tpu.memory_space<hbm>>) dst(%arg4 : memref<125x80xi32, #tpu.memory_space<vmem>>)
    %scan3A_39 = arith.constant 0 : i32
    %scan3A_40 = arith.constant 0 : i32
    %scan3A_41 = arith.constant 125 : i32
    %scan3A_42 = arith.addi %scan3A_40, %scan3A_41 : i32
    %scan3A_43 = arith.constant 1 : i32
    scf.for %scan3A_51 = %scan3A_40 to %scan3A_42 step %scan3A_43  : i32 {
      "tpu.region"() ({
        %run_scoped3A = tpu.sem_alloc : memref<!tpu.dma_semaphore, #tpu.memory_space<semaphore_mem>>
        %dma_start3A_52 = arith.constant 0 : i32
        %dma_start3A_53 = tpu.memref_slice %arg4[%scan3A_51, %dma_start3A_52] : memref<125x80xi32, #tpu.memory_space<vmem>> -> memref<1x80xi32, #tpu.memory_space<vmem>>
        %dma_start3A_54 = tpu.memref_squeeze %dma_start3A_53 : memref<1x80xi32, #tpu.memory_space<vmem>> -> memref<80xi32, #tpu.memory_space<vmem>>
        %dma_start3A_55 = arith.constant 0 : i32
        %dma_start3A_56 = arith.constant 0 : i32
        %dma_start3A_57 = tpu.memref_slice %arg7[%dma_start3A_55, %dma_start3A_56] : memref<10000x128xf32, #tpu.memory_space<vmem_shared>> -> memref<10000x128xf32, #tpu.memory_space<vmem_shared>>
        tpu.enqueue_indirect_dma source(%arg5 : memref<80x128xf32, #tpu.memory_space<vmem>>) target(%dma_start3A_57 : memref<10000x128xf32, #tpu.memory_space<vmem_shared>>) offsets(%dma_start3A_54 : memref<80xi32, #tpu.memory_space<vmem>>) semaphore(%run_scoped3A : memref<!tpu.dma_semaphore, #tpu.memory_space<semaphore_mem>>) {add = true}
        %dma_wait3A_58 = arith.constant 0 : i32
        %dma_wait3A_59 = tpu.memref_slice %arg4[%scan3A_51, %dma_wait3A_58] : memref<125x80xi32, #tpu.memory_space<vmem>> -> memref<1x80xi32, #tpu.memory_space<vmem>>
        %dma_wait3A_60 = tpu.memref_squeeze %dma_wait3A_59 : memref<1x80xi32, #tpu.memory_space<vmem>> -> memref<80xi32, #tpu.memory_space<vmem>>
        %dma_wait3A_61 = arith.constant 0 : i32
        %dma_wait3A_62 = arith.constant 0 : i32
        %dma_wait3A_63 = tpu.memref_slice %arg7[%dma_wait3A_61, %dma_wait3A_62] : memref<10000x128xf32, #tpu.memory_space<vmem_shared>> -> memref<10000x128xf32, #tpu.memory_space<vmem_shared>>
        tpu.wait_indirect_dma semaphore(%run_scoped3A : memref<!tpu.dma_semaphore, #tpu.memory_space<semaphore_mem>>) src(%arg5 : memref<80x128xf32, #tpu.memory_space<vmem>>) dst(%dma_wait3A_63 : memref<10000x128xf32, #tpu.memory_space<vmem_shared>>)
        tpu.yield
      }) : () -> ()
    }
    %scan3A_44 = arith.constant 125 : i32
    %barrier3A_45 = arith.constant 0 : index
    tpu.barrier barrier_id(%barrier3A_45)
    "tpu.region"() ({
      %run_scoped3A = tpu.sem_alloc : memref<!tpu.dma_semaphore, #tpu.memory_space<semaphore_mem>>
      %dma_start3A_51 = arith.constant 0 : i32
      %dma_start3A_52 = tpu.memref_slice %arg3[%arg0, %mul3A_2, %dma_start3A_51] : memref<2x10000x128xf32, #tpu.memory_space<hbm>> -> memref<1x520x128xf32, #tpu.memory_space<hbm>>
      %dma_start3A_53 = tpu.memref_squeeze %dma_start3A_52 : memref<1x520x128xf32, #tpu.memory_space<hbm>> -> memref<520x128xf32, #tpu.memory_space<hbm>>
      %dma_start3A_54 = arith.constant 0 : i32
      %dma_start3A_55 = tpu.memref_slice %arg7[%mul3A_2, %dma_start3A_54] : memref<10000x128xf32, #tpu.memory_space<vmem_shared>> -> memref<520x128xf32, #tpu.memory_space<vmem_shared>>
      tpu.enqueue_dma source(%dma_start3A_55 : memref<520x128xf32, #tpu.memory_space<vmem_shared>>) target(%dma_start3A_53 : memref<520x128xf32, #tpu.memory_space<hbm>>) target_semaphore(%run_scoped3A : memref<!tpu.dma_semaphore, #tpu.memory_space<semaphore_mem>>)
      %dma_wait3A_56 = arith.constant 0 : i32
      %dma_wait3A_57 = tpu.memref_slice %arg3[%arg0, %mul3A_2, %dma_wait3A_56] : memref<2x10000x128xf32, #tpu.memory_space<hbm>> -> memref<1x520x128xf32, #tpu.memory_space<hbm>>
      %dma_wait3A_58 = tpu.memref_squeeze %dma_wait3A_57 : memref<1x520x128xf32, #tpu.memory_space<hbm>> -> memref<520x128xf32, #tpu.memory_space<hbm>>
      %dma_wait3A_59 = arith.constant 0 : i32
      %dma_wait3A_60 = tpu.memref_slice %arg7[%mul3A_2, %dma_wait3A_59] : memref<10000x128xf32, #tpu.memory_space<vmem_shared>> -> memref<520x128xf32, #tpu.memory_space<vmem_shared>>
      tpu.wait_dma2 semaphore(%run_scoped3A : memref<!tpu.dma_semaphore, #tpu.memory_space<semaphore_mem>>) src(%dma_wait3A_60 : memref<520x128xf32, #tpu.memory_space<vmem_shared>>) dst(%dma_wait3A_58 : memref<520x128xf32, #tpu.memory_space<hbm>>)
      tpu.yield
    }) : () -> ()
    %lt3A_46 = arith.constant 15 : i32
    %lt3A_47 = arith.cmpi slt, %arg1, %lt3A_46 : i32
    %convert_element_type3A_48 = arith.extui %lt3A_47 : i1 to i32
    %cond3A_49 = arith.constant 0 : i32
    %cond3A_50 = arith.cmpi ne, %convert_element_type3A_48, %cond3A_49 : i32
    scf.if %cond3A_50 {
      %add3A_51 = arith.constant 520 : i32
      %add3A_52 = arith.addi %mul3A_2, %add3A_51 : i32
      %add3A_53 = arith.constant 520 : i32
      %add3A_54 = arith.addi %mul3A_2, %add3A_53 : i32
      "tpu.region"() ({
        %run_scoped3A = tpu.sem_alloc : memref<!tpu.dma_semaphore, #tpu.memory_space<semaphore_mem>>
        %dma_start3A_55 = arith.constant 0 : i32
        %dma_start3A_56 = tpu.memref_slice %arg3[%arg0, %add3A_54, %dma_start3A_55] : memref<2x10000x128xf32, #tpu.memory_space<hbm>> -> memref<1x112x128xf32, #tpu.memory_space<hbm>>
        %dma_start3A_57 = tpu.memref_squeeze %dma_start3A_56 : memref<1x112x128xf32, #tpu.memory_space<hbm>> -> memref<112x128xf32, #tpu.memory_space<hbm>>
        %dma_start3A_58 = arith.constant 0 : i32
        %dma_start3A_59 = tpu.memref_slice %arg7[%add3A_52, %dma_start3A_58] : memref<10000x128xf32, #tpu.memory_space<vmem_shared>> -> memref<112x128xf32, #tpu.memory_space<vmem_shared>>
        tpu.enqueue_dma source(%dma_start3A_59 : memref<112x128xf32, #tpu.memory_space<vmem_shared>>) target(%dma_start3A_57 : memref<112x128xf32, #tpu.memory_space<hbm>>) target_semaphore(%run_scoped3A : memref<!tpu.dma_semaphore, #tpu.memory_space<semaphore_mem>>)
        %dma_wait3A_60 = arith.constant 0 : i32
        %dma_wait3A_61 = tpu.memref_slice %arg3[%arg0, %add3A_54, %dma_wait3A_60] : memref<2x10000x128xf32, #tpu.memory_space<hbm>> -> memref<1x112x128xf32, #tpu.memory_space<hbm>>
        %dma_wait3A_62 = tpu.memref_squeeze %dma_wait3A_61 : memref<1x112x128xf32, #tpu.memory_space<hbm>> -> memref<112x128xf32, #tpu.memory_space<hbm>>
        %dma_wait3A_63 = arith.constant 0 : i32
        %dma_wait3A_64 = tpu.memref_slice %arg7[%add3A_52, %dma_wait3A_63] : memref<10000x128xf32, #tpu.memory_space<vmem_shared>> -> memref<112x128xf32, #tpu.memory_space<vmem_shared>>
        tpu.wait_dma2 semaphore(%run_scoped3A : memref<!tpu.dma_semaphore, #tpu.memory_space<semaphore_mem>>) src(%dma_wait3A_64 : memref<112x128xf32, #tpu.memory_space<vmem_shared>>) dst(%dma_wait3A_62 : memref<112x128xf32, #tpu.memory_space<hbm>>)
        tpu.yield
      }) : () -> ()
    } else {
    }
    return
  }
}

#map = affine_map<(d0, d1) -> (0, 0)>
#map1 = affine_map<(d0, d1) -> (0, 0, 0)>
#map2 = affine_map<(d0, d1) -> (0)>
module attributes {stable_mosaic.version = 14 : i64} {
  func.func @_scatter_kernel(%arg0: i32, %arg1: i32, %arg2: memref<10000x128xf32, #tpu.memory_space<hbm>>, %arg3: memref<32x125x80xi32, #tpu.memory_space<hbm>>, %arg4: memref<320000xi32, #tpu.memory_space<hbm>>, %arg5: memref<2x10000x128xf32, #tpu.memory_space<hbm>>, %arg6: memref<125x80xi32, #tpu.memory_space<vmem>>, %arg7: memref<80xi32, #tpu.memory_space<vmem>>, %arg8: memref<80xi32, #tpu.memory_space<vmem>>, %arg9: memref<80x128xf32, #tpu.memory_space<vmem>>, %arg10: memref<80x128xf32, #tpu.memory_space<vmem>>, %arg11: memref<8x128xf32, #tpu.memory_space<vmem>>, %arg12: memref<10000x128xf32, #tpu.memory_space<vmem_shared>>, %arg13: memref<!tpu.dma_semaphore, #tpu.memory_space<semaphore_mem>>, %arg14: memref<!tpu.dma_semaphore, #tpu.memory_space<semaphore_mem>>, %arg15: memref<!tpu.dma_semaphore, #tpu.memory_space<semaphore_mem>>, %arg16: memref<!tpu.dma_semaphore, #tpu.memory_space<semaphore_mem>>, %arg17: memref<!tpu.dma_semaphore, #tpu.memory_space<semaphore_mem>>) attributes {dimension_semantics = [#tpu.dimension_semantics<core_parallel>, #tpu.dimension_semantics<subcore_parallel>], iteration_bounds = array<i64: 2, 16>, scalar_prefetch = 0 : i64, scratch_operands = 12 : i64, tpu.core_type = #tpu.core_type<sc_vector_subcore>, window_params = [{transform_indices = #map}, {transform_indices = #map1}, {transform_indices = #map2}, {transform_indices = #map1}]} {
    %mul3A = arith.constant 16 : i32
    %mul3A_0 = arith.muli %arg0, %mul3A : i32
    %add3A = arith.addi %mul3A_0, %arg1 : i32
    %mul3A_1 = arith.constant 632 : i32
    %mul3A_2 = arith.muli %arg1, %mul3A_1 : i32
    %mul3A_3 = arith.constant 10000 : i32
    %mul3A_4 = arith.muli %add3A, %mul3A_3 : i32
    %dma_start3A = arith.constant 0 : i32
    %dma_start3A_5 = arith.constant 0 : i32
    %dma_start3A_6 = tpu.memref_slice %arg3[%add3A, %dma_start3A, %dma_start3A_5] : memref<32x125x80xi32, #tpu.memory_space<hbm>> -> memref<1x125x80xi32, #tpu.memory_space<hbm>>
    %dma_start3A_7 = tpu.memref_squeeze %dma_start3A_6 : memref<1x125x80xi32, #tpu.memory_space<hbm>> -> memref<125x80xi32, #tpu.memory_space<hbm>>
    %dma_start3A_8 = arith.constant 0 : i32
    %dma_start3A_9 = arith.constant 0 : i32
    %dma_start3A_10 = tpu.memref_slice %arg3[%add3A, %dma_start3A_8, %dma_start3A_9] : memref<32x125x80xi32, #tpu.memory_space<hbm>> -> memref<1x125x80xi32, #tpu.memory_space<hbm>>
    %dma_start3A_11 = tpu.memref_squeeze %dma_start3A_10 : memref<1x125x80xi32, #tpu.memory_space<hbm>> -> memref<125x80xi32, #tpu.memory_space<hbm>>
    tpu.enqueue_dma source(%dma_start3A_11 : memref<125x80xi32, #tpu.memory_space<hbm>>) target(%arg6 : memref<125x80xi32, #tpu.memory_space<vmem>>) target_semaphore(%arg17 : memref<!tpu.dma_semaphore, #tpu.memory_space<semaphore_mem>>)
    %broadcast_in_dim3A = arith.constant 0.000000e+00 : f32
    %broadcast_in_dim3A_12 = vector.broadcast %broadcast_in_dim3A : f32 to vector<16xf32>
    %scan3A = arith.constant 0 : i32
    %scan3A_13 = arith.constant 0 : i32
    %scan3A_14 = arith.constant 8 : i32
    %scan3A_15 = arith.addi %scan3A_13, %scan3A_14 : i32
    %scan3A_16 = arith.constant 1 : i32
    scf.for %scan3A_78 = %scan3A_13 to %scan3A_15 step %scan3A_16  : i32 {
      %swap3A = arith.index_cast %scan3A_78 : i32 to index
      %swap3A_79 = arith.constant 0 : index
      %swap3A_80 = tpu.vector_load %arg11[%swap3A, %swap3A_79] {strides = array<i32>} : memref<8x128xf32, #tpu.memory_space<vmem>>, vector<1x16xf32>,
      %swap3A_81 = vector.shape_cast %swap3A_80 : vector<1x16xf32> to vector<16xf32>
      %swap3A_82 = vector.shape_cast %broadcast_in_dim3A_12 : vector<16xf32> to vector<1x16xf32>
      tpu.vector_store %arg11[%swap3A, %swap3A_79], %swap3A_82 {strides = array<i32>} : memref<8x128xf32, #tpu.memory_space<vmem>>, vector<1x16xf32>,
      %swap3A_83 = arith.index_cast %scan3A_78 : i32 to index
      %swap3A_84 = arith.constant 16 : index
      %swap3A_85 = tpu.vector_load %arg11[%swap3A_83, %swap3A_84] {strides = array<i32>} : memref<8x128xf32, #tpu.memory_space<vmem>>, vector<1x16xf32>,
      %swap3A_86 = vector.shape_cast %swap3A_85 : vector<1x16xf32> to vector<16xf32>
      %swap3A_87 = vector.shape_cast %broadcast_in_dim3A_12 : vector<16xf32> to vector<1x16xf32>
      tpu.vector_store %arg11[%swap3A_83, %swap3A_84], %swap3A_87 {strides = array<i32>} : memref<8x128xf32, #tpu.memory_space<vmem>>, vector<1x16xf32>,
      %swap3A_88 = arith.index_cast %scan3A_78 : i32 to index
      %swap3A_89 = arith.constant 32 : index
      %swap3A_90 = tpu.vector_load %arg11[%swap3A_88, %swap3A_89] {strides = array<i32>} : memref<8x128xf32, #tpu.memory_space<vmem>>, vector<1x16xf32>,
      %swap3A_91 = vector.shape_cast %swap3A_90 : vector<1x16xf32> to vector<16xf32>
      %swap3A_92 = vector.shape_cast %broadcast_in_dim3A_12 : vector<16xf32> to vector<1x16xf32>
      tpu.vector_store %arg11[%swap3A_88, %swap3A_89], %swap3A_92 {strides = array<i32>} : memref<8x128xf32, #tpu.memory_space<vmem>>, vector<1x16xf32>,
      %swap3A_93 = arith.index_cast %scan3A_78 : i32 to index
      %swap3A_94 = arith.constant 48 : index
      %swap3A_95 = tpu.vector_load %arg11[%swap3A_93, %swap3A_94] {strides = array<i32>} : memref<8x128xf32, #tpu.memory_space<vmem>>, vector<1x16xf32>,
      %swap3A_96 = vector.shape_cast %swap3A_95 : vector<1x16xf32> to vector<16xf32>
      %swap3A_97 = vector.shape_cast %broadcast_in_dim3A_12 : vector<16xf32> to vector<1x16xf32>
      tpu.vector_store %arg11[%swap3A_93, %swap3A_94], %swap3A_97 {strides = array<i32>} : memref<8x128xf32, #tpu.memory_space<vmem>>, vector<1x16xf32>,
      %swap3A_98 = arith.index_cast %scan3A_78 : i32 to index
      %swap3A_99 = arith.constant 64 : index
      %swap3A_100 = tpu.vector_load %arg11[%swap3A_98, %swap3A_99] {strides = array<i32>} : memref<8x128xf32, #tpu.memory_space<vmem>>, vector<1x16xf32>,
      %swap3A_101 = vector.shape_cast %swap3A_100 : vector<1x16xf32> to vector<16xf32>
      %swap3A_102 = vector.shape_cast %broadcast_in_dim3A_12 : vector<16xf32> to vector<1x16xf32>
      tpu.vector_store %arg11[%swap3A_98, %swap3A_99], %swap3A_102 {strides = array<i32>} : memref<8x128xf32, #tpu.memory_space<vmem>>, vector<1x16xf32>,
      %swap3A_103 = arith.index_cast %scan3A_78 : i32 to index
      %swap3A_104 = arith.constant 80 : index
      %swap3A_105 = tpu.vector_load %arg11[%swap3A_103, %swap3A_104] {strides = array<i32>} : memref<8x128xf32, #tpu.memory_space<vmem>>, vector<1x16xf32>,
      %swap3A_106 = vector.shape_cast %swap3A_105 : vector<1x16xf32> to vector<16xf32>
      %swap3A_107 = vector.shape_cast %broadcast_in_dim3A_12 : vector<16xf32> to vector<1x16xf32>
      tpu.vector_store %arg11[%swap3A_103, %swap3A_104], %swap3A_107 {strides = array<i32>} : memref<8x128xf32, #tpu.memory_space<vmem>>, vector<1x16xf32>,
      %swap3A_108 = arith.index_cast %scan3A_78 : i32 to index
      %swap3A_109 = arith.constant 96 : index
      %swap3A_110 = tpu.vector_load %arg11[%swap3A_108, %swap3A_109] {strides = array<i32>} : memref<8x128xf32, #tpu.memory_space<vmem>>, vector<1x16xf32>,
      %swap3A_111 = vector.shape_cast %swap3A_110 : vector<1x16xf32> to vector<16xf32>
      %swap3A_112 = vector.shape_cast %broadcast_in_dim3A_12 : vector<16xf32> to vector<1x16xf32>
      tpu.vector_store %arg11[%swap3A_108, %swap3A_109], %swap3A_112 {strides = array<i32>} : memref<8x128xf32, #tpu.memory_space<vmem>>, vector<1x16xf32>,
      %swap3A_113 = arith.index_cast %scan3A_78 : i32 to index
      %swap3A_114 = arith.constant 112 : index
      %swap3A_115 = tpu.vector_load %arg11[%swap3A_113, %swap3A_114] {strides = array<i32>} : memref<8x128xf32, #tpu.memory_space<vmem>>, vector<1x16xf32>,
      %swap3A_116 = vector.shape_cast %swap3A_115 : vector<1x16xf32> to vector<16xf32>
      %swap3A_117 = vector.shape_cast %broadcast_in_dim3A_12 : vector<16xf32> to vector<1x16xf32>
      tpu.vector_store %arg11[%swap3A_113, %swap3A_114], %swap3A_117 {strides = array<i32>} : memref<8x128xf32, #tpu.memory_space<vmem>>, vector<1x16xf32>,
    }
    %scan3A_17 = arith.constant 8 : i32
    %scan3A_18 = arith.constant 0 : i32
    %scan3A_19 = arith.constant 0 : i32
    %scan3A_20 = arith.constant 65 : i32
    %scan3A_21 = arith.addi %scan3A_19, %scan3A_20 : i32
    %scan3A_22 = arith.constant 1 : i32
    scf.for %scan3A_78 = %scan3A_19 to %scan3A_21 step %scan3A_22  : i32 {
      %mul3A_79 = arith.constant 8 : i32
      %mul3A_80 = arith.muli %scan3A_78, %mul3A_79 : i32
      %add3A_81 = arith.addi %mul3A_2, %mul3A_80 : i32
      "tpu.region"() ({
        %run_scoped3A = tpu.sem_alloc : memref<!tpu.dma_semaphore, #tpu.memory_space<semaphore_mem>>
        %dma_start3A_82 = arith.constant 0 : i32
        %dma_start3A_83 = tpu.memref_slice %arg12[%add3A_81, %dma_start3A_82] : memref<10000x128xf32, #tpu.memory_space<vmem_shared>> -> memref<8x128xf32, #tpu.memory_space<vmem_shared>>
        %dma_start3A_84 = arith.constant 0 : i32
        %dma_start3A_85 = tpu.memref_slice %arg12[%add3A_81, %dma_start3A_84] : memref<10000x128xf32, #tpu.memory_space<vmem_shared>> -> memref<8x128xf32, #tpu.memory_space<vmem_shared>>
        tpu.enqueue_dma source(%arg11 : memref<8x128xf32, #tpu.memory_space<vmem>>) target(%dma_start3A_85 : memref<8x128xf32, #tpu.memory_space<vmem_shared>>) target_semaphore(%run_scoped3A : memref<!tpu.dma_semaphore, #tpu.memory_space<semaphore_mem>>)
        %dma_wait3A_86 = arith.constant 0 : i32
        %dma_wait3A_87 = tpu.memref_slice %arg12[%add3A_81, %dma_wait3A_86] : memref<10000x128xf32, #tpu.memory_space<vmem_shared>> -> memref<8x128xf32, #tpu.memory_space<vmem_shared>>
        %dma_wait3A_88 = arith.constant 0 : i32
        %dma_wait3A_89 = tpu.memref_slice %arg12[%add3A_81, %dma_wait3A_88] : memref<10000x128xf32, #tpu.memory_space<vmem_shared>> -> memref<8x128xf32, #tpu.memory_space<vmem_shared>>
        tpu.wait_dma2 semaphore(%run_scoped3A : memref<!tpu.dma_semaphore, #tpu.memory_space<semaphore_mem>>) src(%arg11 : memref<8x128xf32, #tpu.memory_space<vmem>>) dst(%dma_wait3A_89 : memref<8x128xf32, #tpu.memory_space<vmem_shared>>)
        tpu.yield
      }) : () -> ()
    }
    %scan3A_23 = arith.constant 65 : i32
    %lt3A = arith.constant 15 : i32
    %lt3A_24 = arith.cmpi slt, %arg1, %lt3A : i32
    %convert_element_type3A = arith.extui %lt3A_24 : i1 to i32
    %cond3A = arith.constant 0 : i32
    %cond3A_25 = arith.cmpi ne, %convert_element_type3A, %cond3A : i32
    scf.if %cond3A_25 {
      %scan3A_78 = arith.constant 0 : i32
      %scan3A_79 = arith.constant 0 : i32
      %scan3A_80 = arith.constant 14 : i32
      %scan3A_81 = arith.addi %scan3A_79, %scan3A_80 : i32
      %scan3A_82 = arith.constant 1 : i32
      scf.for %scan3A_84 = %scan3A_79 to %scan3A_81 step %scan3A_82  : i32 {
        %add3A_85 = arith.constant 520 : i32
        %add3A_86 = arith.addi %mul3A_2, %add3A_85 : i32
        %mul3A_87 = arith.constant 8 : i32
        %mul3A_88 = arith.muli %scan3A_84, %mul3A_87 : i32
        %add3A_89 = arith.addi %add3A_86, %mul3A_88 : i32
        "tpu.region"() ({
          %run_scoped3A = tpu.sem_alloc : memref<!tpu.dma_semaphore, #tpu.memory_space<semaphore_mem>>
          %dma_start3A_90 = arith.constant 0 : i32
          %dma_start3A_91 = tpu.memref_slice %arg12[%add3A_89, %dma_start3A_90] : memref<10000x128xf32, #tpu.memory_space<vmem_shared>> -> memref<8x128xf32, #tpu.memory_space<vmem_shared>>
          %dma_start3A_92 = arith.constant 0 : i32
          %dma_start3A_93 = tpu.memref_slice %arg12[%add3A_89, %dma_start3A_92] : memref<10000x128xf32, #tpu.memory_space<vmem_shared>> -> memref<8x128xf32, #tpu.memory_space<vmem_shared>>
          tpu.enqueue_dma source(%arg11 : memref<8x128xf32, #tpu.memory_space<vmem>>) target(%dma_start3A_93 : memref<8x128xf32, #tpu.memory_space<vmem_shared>>) target_semaphore(%run_scoped3A : memref<!tpu.dma_semaphore, #tpu.memory_space<semaphore_mem>>)
          %dma_wait3A_94 = arith.constant 0 : i32
          %dma_wait3A_95 = tpu.memref_slice %arg12[%add3A_89, %dma_wait3A_94] : memref<10000x128xf32, #tpu.memory_space<vmem_shared>> -> memref<8x128xf32, #tpu.memory_space<vmem_shared>>
          %dma_wait3A_96 = arith.constant 0 : i32
          %dma_wait3A_97 = tpu.memref_slice %arg12[%add3A_89, %dma_wait3A_96] : memref<10000x128xf32, #tpu.memory_space<vmem_shared>> -> memref<8x128xf32, #tpu.memory_space<vmem_shared>>
          tpu.wait_dma2 semaphore(%run_scoped3A : memref<!tpu.dma_semaphore, #tpu.memory_space<semaphore_mem>>) src(%arg11 : memref<8x128xf32, #tpu.memory_space<vmem>>) dst(%dma_wait3A_97 : memref<8x128xf32, #tpu.memory_space<vmem_shared>>)
          tpu.yield
        }) : () -> ()
      }
      %scan3A_83 = arith.constant 14 : i32
    } else {
    }
    %barrier3A = arith.constant 0 : index
    tpu.barrier barrier_id(%barrier3A)
    %dma_wait3A = arith.constant 0 : i32
    %dma_wait3A_26 = arith.constant 0 : i32
    %dma_wait3A_27 = tpu.memref_slice %arg3[%add3A, %dma_wait3A, %dma_wait3A_26] : memref<32x125x80xi32, #tpu.memory_space<hbm>> -> memref<1x125x80xi32, #tpu.memory_space<hbm>>
    %dma_wait3A_28 = tpu.memref_squeeze %dma_wait3A_27 : memref<1x125x80xi32, #tpu.memory_space<hbm>> -> memref<125x80xi32, #tpu.memory_space<hbm>>
    %dma_wait3A_29 = arith.constant 0 : i32
    %dma_wait3A_30 = arith.constant 0 : i32
    %dma_wait3A_31 = tpu.memref_slice %arg3[%add3A, %dma_wait3A_29, %dma_wait3A_30] : memref<32x125x80xi32, #tpu.memory_space<hbm>> -> memref<1x125x80xi32, #tpu.memory_space<hbm>>
    %dma_wait3A_32 = tpu.memref_squeeze %dma_wait3A_31 : memref<1x125x80xi32, #tpu.memory_space<hbm>> -> memref<125x80xi32, #tpu.memory_space<hbm>>
    tpu.wait_dma2 semaphore(%arg17 : memref<!tpu.dma_semaphore, #tpu.memory_space<semaphore_mem>>) src(%dma_wait3A_32 : memref<125x80xi32, #tpu.memory_space<hbm>>) dst(%arg6 : memref<125x80xi32, #tpu.memory_space<vmem>>)
    %dma_start3A_33 = arith.constant 0 : i32
    %dma_start3A_34 = arith.constant 0 : i32
    %dma_start3A_35 = tpu.memref_slice %arg6[%dma_start3A_33, %dma_start3A_34] : memref<125x80xi32, #tpu.memory_space<vmem>> -> memref<1x80xi32, #tpu.memory_space<vmem>>
    %dma_start3A_36 = tpu.memref_squeeze %dma_start3A_35 : memref<1x80xi32, #tpu.memory_space<vmem>> -> memref<80xi32, #tpu.memory_space<vmem>>
    %dma_start3A_37 = arith.constant 0 : i32
    %dma_start3A_38 = arith.constant 0 : i32
    %dma_start3A_39 = tpu.memref_slice %arg2[%dma_start3A_37, %dma_start3A_38] : memref<10000x128xf32, #tpu.memory_space<hbm>> -> memref<10000x128xf32, #tpu.memory_space<hbm>>
    tpu.enqueue_indirect_dma source(%dma_start3A_39 : memref<10000x128xf32, #tpu.memory_space<hbm>>) target(%arg9 : memref<80x128xf32, #tpu.memory_space<vmem>>) offsets(%dma_start3A_36 : memref<80xi32, #tpu.memory_space<vmem>>) semaphore(%arg13 : memref<!tpu.dma_semaphore, #tpu.memory_space<semaphore_mem>>)
    %add3A_40 = arith.constant 0 : i32
    %add3A_41 = arith.addi %mul3A_4, %add3A_40 : i32
    %dma_start3A_42 = tpu.memref_slice %arg4[%add3A_41] : memref<320000xi32, #tpu.memory_space<hbm>> -> memref<80xi32, #tpu.memory_space<hbm>>
    %dma_start3A_43 = tpu.memref_slice %arg4[%add3A_41] : memref<320000xi32, #tpu.memory_space<hbm>> -> memref<80xi32, #tpu.memory_space<hbm>>
    tpu.enqueue_dma source(%dma_start3A_43 : memref<80xi32, #tpu.memory_space<hbm>>) target(%arg7 : memref<80xi32, #tpu.memory_space<vmem>>) target_semaphore(%arg15 : memref<!tpu.dma_semaphore, #tpu.memory_space<semaphore_mem>>)
    %dma_start3A_44 = arith.constant 1 : i32
    %dma_start3A_45 = arith.constant 0 : i32
    %dma_start3A_46 = tpu.memref_slice %arg6[%dma_start3A_44, %dma_start3A_45] : memref<125x80xi32, #tpu.memory_space<vmem>> -> memref<1x80xi32, #tpu.memory_space<vmem>>
    %dma_start3A_47 = tpu.memref_squeeze %dma_start3A_46 : memref<1x80xi32, #tpu.memory_space<vmem>> -> memref<80xi32, #tpu.memory_space<vmem>>
    %dma_start3A_48 = arith.constant 0 : i32
    %dma_start3A_49 = arith.constant 0 : i32
    %dma_start3A_50 = tpu.memref_slice %arg2[%dma_start3A_48, %dma_start3A_49] : memref<10000x128xf32, #tpu.memory_space<hbm>> -> memref<10000x128xf32, #tpu.memory_space<hbm>>
    tpu.enqueue_indirect_dma source(%dma_start3A_50 : memref<10000x128xf32, #tpu.memory_space<hbm>>) target(%arg10 : memref<80x128xf32, #tpu.memory_space<vmem>>) offsets(%dma_start3A_47 : memref<80xi32, #tpu.memory_space<vmem>>) semaphore(%arg14 : memref<!tpu.dma_semaphore, #tpu.memory_space<semaphore_mem>>)
    %add3A_51 = arith.constant 80 : i32
    %add3A_52 = arith.addi %mul3A_4, %add3A_51 : i32
    %dma_start3A_53 = tpu.memref_slice %arg4[%add3A_52] : memref<320000xi32, #tpu.memory_space<hbm>> -> memref<80xi32, #tpu.memory_space<hbm>>
    %dma_start3A_54 = tpu.memref_slice %arg4[%add3A_52] : memref<320000xi32, #tpu.memory_space<hbm>> -> memref<80xi32, #tpu.memory_space<hbm>>
    tpu.enqueue_dma source(%dma_start3A_54 : memref<80xi32, #tpu.memory_space<hbm>>) target(%arg8 : memref<80xi32, #tpu.memory_space<vmem>>) target_semaphore(%arg16 : memref<!tpu.dma_semaphore, #tpu.memory_space<semaphore_mem>>)
    %scan3A_55 = arith.constant 0 : i32
    %scan3A_56 = arith.constant 0 : i32
    %scan3A_57 = arith.constant 62 : i32
    %scan3A_58 = arith.addi %scan3A_56, %scan3A_57 : i32
    %scan3A_59 = arith.constant 1 : i32
    scf.for %scan3A_78 = %scan3A_56 to %scan3A_58 step %scan3A_59  : i32 {
      %mul3A_79 = arith.constant 2 : i32
      %mul3A_80 = arith.muli %mul3A_79, %scan3A_78 : i32
      %add3A_81 = arith.constant 0 : i32
      %add3A_82 = arith.addi %mul3A_80, %add3A_81 : i32
      %dma_wait3A_83 = arith.constant 0 : i32
      %dma_wait3A_84 = tpu.memref_slice %arg6[%add3A_82, %dma_wait3A_83] : memref<125x80xi32, #tpu.memory_space<vmem>> -> memref<1x80xi32, #tpu.memory_space<vmem>>
      %dma_wait3A_85 = tpu.memref_squeeze %dma_wait3A_84 : memref<1x80xi32, #tpu.memory_space<vmem>> -> memref<80xi32, #tpu.memory_space<vmem>>
      %dma_wait3A_86 = arith.constant 0 : i32
      %dma_wait3A_87 = arith.constant 0 : i32
      %dma_wait3A_88 = tpu.memref_slice %arg2[%dma_wait3A_86, %dma_wait3A_87] : memref<10000x128xf32, #tpu.memory_space<hbm>> -> memref<10000x128xf32, #tpu.memory_space<hbm>>
      tpu.wait_indirect_dma semaphore(%arg13 : memref<!tpu.dma_semaphore, #tpu.memory_space<semaphore_mem>>) src(%dma_wait3A_88 : memref<10000x128xf32, #tpu.memory_space<hbm>>) dst(%arg9 : memref<80x128xf32, #tpu.memory_space<vmem>>)
      %mul3A_89 = arith.constant 80 : i32
      %mul3A_90 = arith.muli %add3A_82, %mul3A_89 : i32
      %add3A_91 = arith.addi %mul3A_4, %mul3A_90 : i32
      %dma_wait3A_92 = tpu.memref_slice %arg4[%add3A_91] : memref<320000xi32, #tpu.memory_space<hbm>> -> memref<80xi32, #tpu.memory_space<hbm>>
      %dma_wait3A_93 = tpu.memref_slice %arg4[%add3A_91] : memref<320000xi32, #tpu.memory_space<hbm>> -> memref<80xi32, #tpu.memory_space<hbm>>
      tpu.wait_dma2 semaphore(%arg15 : memref<!tpu.dma_semaphore, #tpu.memory_space<semaphore_mem>>) src(%dma_wait3A_93 : memref<80xi32, #tpu.memory_space<hbm>>) dst(%arg7 : memref<80xi32, #tpu.memory_space<vmem>>)
      "tpu.region"() ({
        %run_scoped3A = tpu.sem_alloc : memref<!tpu.dma_semaphore, #tpu.memory_space<semaphore_mem>>
        %dma_start3A_123 = arith.constant 0 : i32
        %dma_start3A_124 = arith.constant 0 : i32
        %dma_start3A_125 = tpu.memref_slice %arg12[%dma_start3A_123, %dma_start3A_124] : memref<10000x128xf32, #tpu.memory_space<vmem_shared>> -> memref<10000x128xf32, #tpu.memory_space<vmem_shared>>
        tpu.enqueue_indirect_dma source(%arg9 : memref<80x128xf32, #tpu.memory_space<vmem>>) target(%dma_start3A_125 : memref<10000x128xf32, #tpu.memory_space<vmem_shared>>) offsets(%arg7 : memref<80xi32, #tpu.memory_space<vmem>>) semaphore(%run_scoped3A : memref<!tpu.dma_semaphore, #tpu.memory_space<semaphore_mem>>) {add = true}
        %dma_wait3A_126 = arith.constant 0 : i32
        %dma_wait3A_127 = arith.constant 0 : i32
        %dma_wait3A_128 = tpu.memref_slice %arg12[%dma_wait3A_126, %dma_wait3A_127] : memref<10000x128xf32, #tpu.memory_space<vmem_shared>> -> memref<10000x128xf32, #tpu.memory_space<vmem_shared>>
        tpu.wait_indirect_dma semaphore(%run_scoped3A : memref<!tpu.dma_semaphore, #tpu.memory_space<semaphore_mem>>) src(%arg9 : memref<80x128xf32, #tpu.memory_space<vmem>>) dst(%dma_wait3A_128 : memref<10000x128xf32, #tpu.memory_space<vmem_shared>>)
        tpu.yield
      }) : () -> ()
      %add3A_94 = arith.constant 2 : i32
      %add3A_95 = arith.addi %add3A_82, %add3A_94 : i32
      %lt3A_96 = arith.constant 125 : i32
      %lt3A_97 = arith.cmpi slt, %add3A_95, %lt3A_96 : i32
      %convert_element_type3A_98 = arith.extui %lt3A_97 : i1 to i32
      %cond3A_99 = arith.constant 0 : i32
      %cond3A_100 = arith.cmpi ne, %convert_element_type3A_98, %cond3A_99 : i32
      scf.if %cond3A_100 {
        %add3A_123 = arith.constant 2 : i32
        %add3A_124 = arith.addi %add3A_82, %add3A_123 : i32
        %dma_start3A_125 = arith.constant 0 : i32
        %dma_start3A_126 = tpu.memref_slice %arg6[%add3A_124, %dma_start3A_125] : memref<125x80xi32, #tpu.memory_space<vmem>> -> memref<1x80xi32, #tpu.memory_space<vmem>>
        %dma_start3A_127 = tpu.memref_squeeze %dma_start3A_126 : memref<1x80xi32, #tpu.memory_space<vmem>> -> memref<80xi32, #tpu.memory_space<vmem>>
        %dma_start3A_128 = arith.constant 0 : i32
        %dma_start3A_129 = arith.constant 0 : i32
        %dma_start3A_130 = tpu.memref_slice %arg2[%dma_start3A_128, %dma_start3A_129] : memref<10000x128xf32, #tpu.memory_space<hbm>> -> memref<10000x128xf32, #tpu.memory_space<hbm>>
        tpu.enqueue_indirect_dma source(%dma_start3A_130 : memref<10000x128xf32, #tpu.memory_space<hbm>>) target(%arg9 : memref<80x128xf32, #tpu.memory_space<vmem>>) offsets(%dma_start3A_127 : memref<80xi32, #tpu.memory_space<vmem>>) semaphore(%arg13 : memref<!tpu.dma_semaphore, #tpu.memory_space<semaphore_mem>>)
        %add3A_131 = arith.constant 2 : i32
        %add3A_132 = arith.addi %add3A_82, %add3A_131 : i32
        %mul3A_133 = arith.constant 80 : i32
        %mul3A_134 = arith.muli %add3A_132, %mul3A_133 : i32
        %add3A_135 = arith.addi %mul3A_4, %mul3A_134 : i32
        %dma_start3A_136 = tpu.memref_slice %arg4[%add3A_135] : memref<320000xi32, #tpu.memory_space<hbm>> -> memref<80xi32, #tpu.memory_space<hbm>>
        %dma_start3A_137 = tpu.memref_slice %arg4[%add3A_135] : memref<320000xi32, #tpu.memory_space<hbm>> -> memref<80xi32, #tpu.memory_space<hbm>>
        tpu.enqueue_dma source(%dma_start3A_137 : memref<80xi32, #tpu.memory_space<hbm>>) target(%arg7 : memref<80xi32, #tpu.memory_space<vmem>>) target_semaphore(%arg15 : memref<!tpu.dma_semaphore, #tpu.memory_space<semaphore_mem>>)
      } else {
      }
      %mul3A_101 = arith.constant 2 : i32
      %mul3A_102 = arith.muli %mul3A_101, %scan3A_78 : i32
      %add3A_103 = arith.constant 1 : i32
      %add3A_104 = arith.addi %mul3A_102, %add3A_103 : i32
      %dma_wait3A_105 = arith.constant 0 : i32
      %dma_wait3A_106 = tpu.memref_slice %arg6[%add3A_104, %dma_wait3A_105] : memref<125x80xi32, #tpu.memory_space<vmem>> -> memref<1x80xi32, #tpu.memory_space<vmem>>
      %dma_wait3A_107 = tpu.memref_squeeze %dma_wait3A_106 : memref<1x80xi32, #tpu.memory_space<vmem>> -> memref<80xi32, #tpu.memory_space<vmem>>
      %dma_wait3A_108 = arith.constant 0 : i32
      %dma_wait3A_109 = arith.constant 0 : i32
      %dma_wait3A_110 = tpu.memref_slice %arg2[%dma_wait3A_108, %dma_wait3A_109] : memref<10000x128xf32, #tpu.memory_space<hbm>> -> memref<10000x128xf32, #tpu.memory_space<hbm>>
      tpu.wait_indirect_dma semaphore(%arg14 : memref<!tpu.dma_semaphore, #tpu.memory_space<semaphore_mem>>) src(%dma_wait3A_110 : memref<10000x128xf32, #tpu.memory_space<hbm>>) dst(%arg10 : memref<80x128xf32, #tpu.memory_space<vmem>>)
      %mul3A_111 = arith.constant 80 : i32
      %mul3A_112 = arith.muli %add3A_104, %mul3A_111 : i32
      %add3A_113 = arith.addi %mul3A_4, %mul3A_112 : i32
      %dma_wait3A_114 = tpu.memref_slice %arg4[%add3A_113] : memref<320000xi32, #tpu.memory_space<hbm>> -> memref<80xi32, #tpu.memory_space<hbm>>
      %dma_wait3A_115 = tpu.memref_slice %arg4[%add3A_113] : memref<320000xi32, #tpu.memory_space<hbm>> -> memref<80xi32, #tpu.memory_space<hbm>>
      tpu.wait_dma2 semaphore(%arg16 : memref<!tpu.dma_semaphore, #tpu.memory_space<semaphore_mem>>) src(%dma_wait3A_115 : memref<80xi32, #tpu.memory_space<hbm>>) dst(%arg8 : memref<80xi32, #tpu.memory_space<vmem>>)
      "tpu.region"() ({
        %run_scoped3A = tpu.sem_alloc : memref<!tpu.dma_semaphore, #tpu.memory_space<semaphore_mem>>
        %dma_start3A_123 = arith.constant 0 : i32
        %dma_start3A_124 = arith.constant 0 : i32
        %dma_start3A_125 = tpu.memref_slice %arg12[%dma_start3A_123, %dma_start3A_124] : memref<10000x128xf32, #tpu.memory_space<vmem_shared>> -> memref<10000x128xf32, #tpu.memory_space<vmem_shared>>
        tpu.enqueue_indirect_dma source(%arg10 : memref<80x128xf32, #tpu.memory_space<vmem>>) target(%dma_start3A_125 : memref<10000x128xf32, #tpu.memory_space<vmem_shared>>) offsets(%arg8 : memref<80xi32, #tpu.memory_space<vmem>>) semaphore(%run_scoped3A : memref<!tpu.dma_semaphore, #tpu.memory_space<semaphore_mem>>) {add = true}
        %dma_wait3A_126 = arith.constant 0 : i32
        %dma_wait3A_127 = arith.constant 0 : i32
        %dma_wait3A_128 = tpu.memref_slice %arg12[%dma_wait3A_126, %dma_wait3A_127] : memref<10000x128xf32, #tpu.memory_space<vmem_shared>> -> memref<10000x128xf32, #tpu.memory_space<vmem_shared>>
        tpu.wait_indirect_dma semaphore(%run_scoped3A : memref<!tpu.dma_semaphore, #tpu.memory_space<semaphore_mem>>) src(%arg10 : memref<80x128xf32, #tpu.memory_space<vmem>>) dst(%dma_wait3A_128 : memref<10000x128xf32, #tpu.memory_space<vmem_shared>>)
        tpu.yield
      }) : () -> ()
      %add3A_116 = arith.constant 2 : i32
      %add3A_117 = arith.addi %add3A_104, %add3A_116 : i32
      %lt3A_118 = arith.constant 125 : i32
      %lt3A_119 = arith.cmpi slt, %add3A_117, %lt3A_118 : i32
      %convert_element_type3A_120 = arith.extui %lt3A_119 : i1 to i32
      %cond3A_121 = arith.constant 0 : i32
      %cond3A_122 = arith.cmpi ne, %convert_element_type3A_120, %cond3A_121 : i32
      scf.if %cond3A_122 {
        %add3A_123 = arith.constant 2 : i32
        %add3A_124 = arith.addi %add3A_104, %add3A_123 : i32
        %dma_start3A_125 = arith.constant 0 : i32
        %dma_start3A_126 = tpu.memref_slice %arg6[%add3A_124, %dma_start3A_125] : memref<125x80xi32, #tpu.memory_space<vmem>> -> memref<1x80xi32, #tpu.memory_space<vmem>>
        %dma_start3A_127 = tpu.memref_squeeze %dma_start3A_126 : memref<1x80xi32, #tpu.memory_space<vmem>> -> memref<80xi32, #tpu.memory_space<vmem>>
        %dma_start3A_128 = arith.constant 0 : i32
        %dma_start3A_129 = arith.constant 0 : i32
        %dma_start3A_130 = tpu.memref_slice %arg2[%dma_start3A_128, %dma_start3A_129] : memref<10000x128xf32, #tpu.memory_space<hbm>> -> memref<10000x128xf32, #tpu.memory_space<hbm>>
        tpu.enqueue_indirect_dma source(%dma_start3A_130 : memref<10000x128xf32, #tpu.memory_space<hbm>>) target(%arg10 : memref<80x128xf32, #tpu.memory_space<vmem>>) offsets(%dma_start3A_127 : memref<80xi32, #tpu.memory_space<vmem>>) semaphore(%arg14 : memref<!tpu.dma_semaphore, #tpu.memory_space<semaphore_mem>>)
        %add3A_131 = arith.constant 2 : i32
        %add3A_132 = arith.addi %add3A_104, %add3A_131 : i32
        %mul3A_133 = arith.constant 80 : i32
        %mul3A_134 = arith.muli %add3A_132, %mul3A_133 : i32
        %add3A_135 = arith.addi %mul3A_4, %mul3A_134 : i32
        %dma_start3A_136 = tpu.memref_slice %arg4[%add3A_135] : memref<320000xi32, #tpu.memory_space<hbm>> -> memref<80xi32, #tpu.memory_space<hbm>>
        %dma_start3A_137 = tpu.memref_slice %arg4[%add3A_135] : memref<320000xi32, #tpu.memory_space<hbm>> -> memref<80xi32, #tpu.memory_space<hbm>>
        tpu.enqueue_dma source(%dma_start3A_137 : memref<80xi32, #tpu.memory_space<hbm>>) target(%arg8 : memref<80xi32, #tpu.memory_space<vmem>>) target_semaphore(%arg16 : memref<!tpu.dma_semaphore, #tpu.memory_space<semaphore_mem>>)
      } else {
      }
    }
    %scan3A_60 = arith.constant 62 : i32
    %dma_wait3A_61 = arith.constant 124 : i32
    %dma_wait3A_62 = arith.constant 0 : i32
    %dma_wait3A_63 = tpu.memref_slice %arg6[%dma_wait3A_61, %dma_wait3A_62] : memref<125x80xi32, #tpu.memory_space<vmem>> -> memref<1x80xi32, #tpu.memory_space<vmem>>
    %dma_wait3A_64 = tpu.memref_squeeze %dma_wait3A_63 : memref<1x80xi32, #tpu.memory_space<vmem>> -> memref<80xi32, #tpu.memory_space<vmem>>
    %dma_wait3A_65 = arith.constant 0 : i32
    %dma_wait3A_66 = arith.constant 0 : i32
    %dma_wait3A_67 = tpu.memref_slice %arg2[%dma_wait3A_65, %dma_wait3A_66] : memref<10000x128xf32, #tpu.memory_space<hbm>> -> memref<10000x128xf32, #tpu.memory_space<hbm>>
    tpu.wait_indirect_dma semaphore(%arg13 : memref<!tpu.dma_semaphore, #tpu.memory_space<semaphore_mem>>) src(%dma_wait3A_67 : memref<10000x128xf32, #tpu.memory_space<hbm>>) dst(%arg9 : memref<80x128xf32, #tpu.memory_space<vmem>>)
    %add3A_68 = arith.constant 9920 : i32
    %add3A_69 = arith.addi %mul3A_4, %add3A_68 : i32
    %dma_wait3A_70 = tpu.memref_slice %arg4[%add3A_69] : memref<320000xi32, #tpu.memory_space<hbm>> -> memref<80xi32, #tpu.memory_space<hbm>>
    %dma_wait3A_71 = tpu.memref_slice %arg4[%add3A_69] : memref<320000xi32, #tpu.memory_space<hbm>> -> memref<80xi32, #tpu.memory_space<hbm>>
    tpu.wait_dma2 semaphore(%arg15 : memref<!tpu.dma_semaphore, #tpu.memory_space<semaphore_mem>>) src(%dma_wait3A_71 : memref<80xi32, #tpu.memory_space<hbm>>) dst(%arg7 : memref<80xi32, #tpu.memory_space<vmem>>)
    "tpu.region"() ({
      %run_scoped3A = tpu.sem_alloc : memref<!tpu.dma_semaphore, #tpu.memory_space<semaphore_mem>>
      %dma_start3A_78 = arith.constant 0 : i32
      %dma_start3A_79 = arith.constant 0 : i32
      %dma_start3A_80 = tpu.memref_slice %arg12[%dma_start3A_78, %dma_start3A_79] : memref<10000x128xf32, #tpu.memory_space<vmem_shared>> -> memref<10000x128xf32, #tpu.memory_space<vmem_shared>>
      tpu.enqueue_indirect_dma source(%arg9 : memref<80x128xf32, #tpu.memory_space<vmem>>) target(%dma_start3A_80 : memref<10000x128xf32, #tpu.memory_space<vmem_shared>>) offsets(%arg7 : memref<80xi32, #tpu.memory_space<vmem>>) semaphore(%run_scoped3A : memref<!tpu.dma_semaphore, #tpu.memory_space<semaphore_mem>>) {add = true}
      %dma_wait3A_81 = arith.constant 0 : i32
      %dma_wait3A_82 = arith.constant 0 : i32
      %dma_wait3A_83 = tpu.memref_slice %arg12[%dma_wait3A_81, %dma_wait3A_82] : memref<10000x128xf32, #tpu.memory_space<vmem_shared>> -> memref<10000x128xf32, #tpu.memory_space<vmem_shared>>
      tpu.wait_indirect_dma semaphore(%run_scoped3A : memref<!tpu.dma_semaphore, #tpu.memory_space<semaphore_mem>>) src(%arg9 : memref<80x128xf32, #tpu.memory_space<vmem>>) dst(%dma_wait3A_83 : memref<10000x128xf32, #tpu.memory_space<vmem_shared>>)
      tpu.yield
    }) : () -> ()
    %barrier3A_72 = arith.constant 0 : index
    tpu.barrier barrier_id(%barrier3A_72)
    "tpu.region"() ({
      %run_scoped3A = tpu.sem_alloc : memref<!tpu.dma_semaphore, #tpu.memory_space<semaphore_mem>>
      %dma_start3A_78 = arith.constant 0 : i32
      %dma_start3A_79 = tpu.memref_slice %arg5[%arg0, %mul3A_2, %dma_start3A_78] : memref<2x10000x128xf32, #tpu.memory_space<hbm>> -> memref<1x520x128xf32, #tpu.memory_space<hbm>>
      %dma_start3A_80 = tpu.memref_squeeze %dma_start3A_79 : memref<1x520x128xf32, #tpu.memory_space<hbm>> -> memref<520x128xf32, #tpu.memory_space<hbm>>
      %dma_start3A_81 = arith.constant 0 : i32
      %dma_start3A_82 = tpu.memref_slice %arg12[%mul3A_2, %dma_start3A_81] : memref<10000x128xf32, #tpu.memory_space<vmem_shared>> -> memref<520x128xf32, #tpu.memory_space<vmem_shared>>
      tpu.enqueue_dma source(%dma_start3A_82 : memref<520x128xf32, #tpu.memory_space<vmem_shared>>) target(%dma_start3A_80 : memref<520x128xf32, #tpu.memory_space<hbm>>) target_semaphore(%run_scoped3A : memref<!tpu.dma_semaphore, #tpu.memory_space<semaphore_mem>>)
      %dma_wait3A_83 = arith.constant 0 : i32
      %dma_wait3A_84 = tpu.memref_slice %arg5[%arg0, %mul3A_2, %dma_wait3A_83] : memref<2x10000x128xf32, #tpu.memory_space<hbm>> -> memref<1x520x128xf32, #tpu.memory_space<hbm>>
      %dma_wait3A_85 = tpu.memref_squeeze %dma_wait3A_84 : memref<1x520x128xf32, #tpu.memory_space<hbm>> -> memref<520x128xf32, #tpu.memory_space<hbm>>
      %dma_wait3A_86 = arith.constant 0 : i32
      %dma_wait3A_87 = tpu.memref_slice %arg12[%mul3A_2, %dma_wait3A_86] : memref<10000x128xf32, #tpu.memory_space<vmem_shared>> -> memref<520x128xf32, #tpu.memory_space<vmem_shared>>
      tpu.wait_dma2 semaphore(%run_scoped3A : memref<!tpu.dma_semaphore, #tpu.memory_space<semaphore_mem>>) src(%dma_wait3A_87 : memref<520x128xf32, #tpu.memory_space<vmem_shared>>) dst(%dma_wait3A_85 : memref<520x128xf32, #tpu.memory_space<hbm>>)
      tpu.yield
    }) : () -> ()
    %lt3A_73 = arith.constant 15 : i32
    %lt3A_74 = arith.cmpi slt, %arg1, %lt3A_73 : i32
    %convert_element_type3A_75 = arith.extui %lt3A_74 : i1 to i32
    %cond3A_76 = arith.constant 0 : i32
    %cond3A_77 = arith.cmpi ne, %convert_element_type3A_75, %cond3A_76 : i32
    scf.if %cond3A_77 {
      %add3A_78 = arith.constant 520 : i32
      %add3A_79 = arith.addi %mul3A_2, %add3A_78 : i32
      %add3A_80 = arith.constant 520 : i32
      %add3A_81 = arith.addi %mul3A_2, %add3A_80 : i32
      "tpu.region"() ({
        %run_scoped3A = tpu.sem_alloc : memref<!tpu.dma_semaphore, #tpu.memory_space<semaphore_mem>>
        %dma_start3A_82 = arith.constant 0 : i32
        %dma_start3A_83 = tpu.memref_slice %arg5[%arg0, %add3A_81, %dma_start3A_82] : memref<2x10000x128xf32, #tpu.memory_space<hbm>> -> memref<1x112x128xf32, #tpu.memory_space<hbm>>
        %dma_start3A_84 = tpu.memref_squeeze %dma_start3A_83 : memref<1x112x128xf32, #tpu.memory_space<hbm>> -> memref<112x128xf32, #tpu.memory_space<hbm>>
        %dma_start3A_85 = arith.constant 0 : i32
        %dma_start3A_86 = tpu.memref_slice %arg12[%add3A_79, %dma_start3A_85] : memref<10000x128xf32, #tpu.memory_space<vmem_shared>> -> memref<112x128xf32, #tpu.memory_space<vmem_shared>>
        tpu.enqueue_dma source(%dma_start3A_86 : memref<112x128xf32, #tpu.memory_space<vmem_shared>>) target(%dma_start3A_84 : memref<112x128xf32, #tpu.memory_space<hbm>>) target_semaphore(%run_scoped3A : memref<!tpu.dma_semaphore, #tpu.memory_space<semaphore_mem>>)
        %dma_wait3A_87 = arith.constant 0 : i32
        %dma_wait3A_88 = tpu.memref_slice %arg5[%arg0, %add3A_81, %dma_wait3A_87] : memref<2x10000x128xf32, #tpu.memory_space<hbm>> -> memref<1x112x128xf32, #tpu.memory_space<hbm>>
        %dma_wait3A_89 = tpu.memref_squeeze %dma_wait3A_88 : memref<1x112x128xf32, #tpu.memory_space<hbm>> -> memref<112x128xf32, #tpu.memory_space<hbm>>
        %dma_wait3A_90 = arith.constant 0 : i32
        %dma_wait3A_91 = tpu.memref_slice %arg12[%add3A_79, %dma_wait3A_90] : memref<10000x128xf32, #tpu.memory_space<vmem_shared>> -> memref<112x128xf32, #tpu.memory_space<vmem_shared>>
        tpu.wait_dma2 semaphore(%run_scoped3A : memref<!tpu.dma_semaphore, #tpu.memory_space<semaphore_mem>>) src(%dma_wait3A_91 : memref<112x128xf32, #tpu.memory_space<vmem_shared>>) dst(%dma_wait3A_89 : memref<112x128xf32, #tpu.memory_space<hbm>>)
        tpu.yield
      }) : () -> ()
    } else {
    }
    return
  }
}

#map = affine_map<(d0, d1) -> (0, 0)>
#map1 = affine_map<(d0, d1) -> (0, 0, 0)>
#map2 = affine_map<(d0, d1) -> (0)>
module attributes {stable_mosaic.version = 14 : i64} {
  func.func @_scatter_kernel(%arg0: i32, %arg1: i32, %arg2: memref<10000x128xf32, #tpu.memory_space<hbm>>, %arg3: memref<32x125x80xi32, #tpu.memory_space<hbm>>, %arg4: memref<320000xi32, #tpu.memory_space<hbm>>, %arg5: memref<2x10000x128xf32, #tpu.memory_space<hbm>>, %arg6: memref<125x80xi32, #tpu.memory_space<vmem>>, %arg7: memref<80xi32, #tpu.memory_space<vmem>>, %arg8: memref<80xi32, #tpu.memory_space<vmem>>, %arg9: memref<80x128xf32, #tpu.memory_space<vmem>>, %arg10: memref<80x128xf32, #tpu.memory_space<vmem>>, %arg11: memref<8x128xf32, #tpu.memory_space<vmem>>, %arg12: memref<10000x128xf32, #tpu.memory_space<vmem_shared>>, %arg13: memref<!tpu.dma_semaphore, #tpu.memory_space<semaphore_mem>>, %arg14: memref<!tpu.dma_semaphore, #tpu.memory_space<semaphore_mem>>, %arg15: memref<!tpu.dma_semaphore, #tpu.memory_space<semaphore_mem>>, %arg16: memref<!tpu.dma_semaphore, #tpu.memory_space<semaphore_mem>>, %arg17: memref<!tpu.dma_semaphore, #tpu.memory_space<semaphore_mem>>) attributes {dimension_semantics = [#tpu.dimension_semantics<core_parallel>, #tpu.dimension_semantics<subcore_parallel>], iteration_bounds = array<i64: 2, 16>, scalar_prefetch = 0 : i64, scratch_operands = 12 : i64, tpu.core_type = #tpu.core_type<sc_vector_subcore>, window_params = [{transform_indices = #map}, {transform_indices = #map1}, {transform_indices = #map2}, {transform_indices = #map1}]} {
    %mul3A = arith.constant 16 : i32
    %mul3A_0 = arith.muli %arg0, %mul3A : i32
    %add3A = arith.addi %mul3A_0, %arg1 : i32
    %mul3A_1 = arith.constant 632 : i32
    %mul3A_2 = arith.muli %arg1, %mul3A_1 : i32
    %mul3A_3 = arith.constant 10000 : i32
    %mul3A_4 = arith.muli %add3A, %mul3A_3 : i32
    %dma_start3A = arith.constant 0 : i32
    %dma_start3A_5 = arith.constant 0 : i32
    %dma_start3A_6 = tpu.memref_slice %arg3[%add3A, %dma_start3A, %dma_start3A_5] : memref<32x125x80xi32, #tpu.memory_space<hbm>> -> memref<1x125x80xi32, #tpu.memory_space<hbm>>
    %dma_start3A_7 = tpu.memref_squeeze %dma_start3A_6 : memref<1x125x80xi32, #tpu.memory_space<hbm>> -> memref<125x80xi32, #tpu.memory_space<hbm>>
    %dma_start3A_8 = arith.constant 0 : i32
    %dma_start3A_9 = arith.constant 0 : i32
    %dma_start3A_10 = tpu.memref_slice %arg3[%add3A, %dma_start3A_8, %dma_start3A_9] : memref<32x125x80xi32, #tpu.memory_space<hbm>> -> memref<1x125x80xi32, #tpu.memory_space<hbm>>
    %dma_start3A_11 = tpu.memref_squeeze %dma_start3A_10 : memref<1x125x80xi32, #tpu.memory_space<hbm>> -> memref<125x80xi32, #tpu.memory_space<hbm>>
    tpu.enqueue_dma source(%dma_start3A_11 : memref<125x80xi32, #tpu.memory_space<hbm>>) target(%arg6 : memref<125x80xi32, #tpu.memory_space<vmem>>) target_semaphore(%arg17 : memref<!tpu.dma_semaphore, #tpu.memory_space<semaphore_mem>>)
    %broadcast_in_dim3A = arith.constant 0.000000e+00 : f32
    %broadcast_in_dim3A_12 = vector.broadcast %broadcast_in_dim3A : f32 to vector<16xf32>
    %scan3A = arith.constant 0 : i32
    %scan3A_13 = arith.constant 0 : i32
    %scan3A_14 = arith.constant 8 : i32
    %scan3A_15 = arith.addi %scan3A_13, %scan3A_14 : i32
    %scan3A_16 = arith.constant 1 : i32
    scf.for %scan3A_78 = %scan3A_13 to %scan3A_15 step %scan3A_16  : i32 {
      %swap3A = arith.index_cast %scan3A_78 : i32 to index
      %swap3A_79 = arith.constant 0 : index
      %swap3A_80 = tpu.vector_load %arg11[%swap3A, %swap3A_79] {strides = array<i32>} : memref<8x128xf32, #tpu.memory_space<vmem>>, vector<1x16xf32>,
      %swap3A_81 = vector.shape_cast %swap3A_80 : vector<1x16xf32> to vector<16xf32>
      %swap3A_82 = vector.shape_cast %broadcast_in_dim3A_12 : vector<16xf32> to vector<1x16xf32>
      tpu.vector_store %arg11[%swap3A, %swap3A_79], %swap3A_82 {strides = array<i32>} : memref<8x128xf32, #tpu.memory_space<vmem>>, vector<1x16xf32>,
      %swap3A_83 = arith.index_cast %scan3A_78 : i32 to index
      %swap3A_84 = arith.constant 16 : index
      %swap3A_85 = tpu.vector_load %arg11[%swap3A_83, %swap3A_84] {strides = array<i32>} : memref<8x128xf32, #tpu.memory_space<vmem>>, vector<1x16xf32>,
      %swap3A_86 = vector.shape_cast %swap3A_85 : vector<1x16xf32> to vector<16xf32>
      %swap3A_87 = vector.shape_cast %broadcast_in_dim3A_12 : vector<16xf32> to vector<1x16xf32>
      tpu.vector_store %arg11[%swap3A_83, %swap3A_84], %swap3A_87 {strides = array<i32>} : memref<8x128xf32, #tpu.memory_space<vmem>>, vector<1x16xf32>,
      %swap3A_88 = arith.index_cast %scan3A_78 : i32 to index
      %swap3A_89 = arith.constant 32 : index
      %swap3A_90 = tpu.vector_load %arg11[%swap3A_88, %swap3A_89] {strides = array<i32>} : memref<8x128xf32, #tpu.memory_space<vmem>>, vector<1x16xf32>,
      %swap3A_91 = vector.shape_cast %swap3A_90 : vector<1x16xf32> to vector<16xf32>
      %swap3A_92 = vector.shape_cast %broadcast_in_dim3A_12 : vector<16xf32> to vector<1x16xf32>
      tpu.vector_store %arg11[%swap3A_88, %swap3A_89], %swap3A_92 {strides = array<i32>} : memref<8x128xf32, #tpu.memory_space<vmem>>, vector<1x16xf32>,
      %swap3A_93 = arith.index_cast %scan3A_78 : i32 to index
      %swap3A_94 = arith.constant 48 : index
      %swap3A_95 = tpu.vector_load %arg11[%swap3A_93, %swap3A_94] {strides = array<i32>} : memref<8x128xf32, #tpu.memory_space<vmem>>, vector<1x16xf32>,
      %swap3A_96 = vector.shape_cast %swap3A_95 : vector<1x16xf32> to vector<16xf32>
      %swap3A_97 = vector.shape_cast %broadcast_in_dim3A_12 : vector<16xf32> to vector<1x16xf32>
      tpu.vector_store %arg11[%swap3A_93, %swap3A_94], %swap3A_97 {strides = array<i32>} : memref<8x128xf32, #tpu.memory_space<vmem>>, vector<1x16xf32>,
      %swap3A_98 = arith.index_cast %scan3A_78 : i32 to index
      %swap3A_99 = arith.constant 64 : index
      %swap3A_100 = tpu.vector_load %arg11[%swap3A_98, %swap3A_99] {strides = array<i32>} : memref<8x128xf32, #tpu.memory_space<vmem>>, vector<1x16xf32>,
      %swap3A_101 = vector.shape_cast %swap3A_100 : vector<1x16xf32> to vector<16xf32>
      %swap3A_102 = vector.shape_cast %broadcast_in_dim3A_12 : vector<16xf32> to vector<1x16xf32>
      tpu.vector_store %arg11[%swap3A_98, %swap3A_99], %swap3A_102 {strides = array<i32>} : memref<8x128xf32, #tpu.memory_space<vmem>>, vector<1x16xf32>,
      %swap3A_103 = arith.index_cast %scan3A_78 : i32 to index
      %swap3A_104 = arith.constant 80 : index
      %swap3A_105 = tpu.vector_load %arg11[%swap3A_103, %swap3A_104] {strides = array<i32>} : memref<8x128xf32, #tpu.memory_space<vmem>>, vector<1x16xf32>,
      %swap3A_106 = vector.shape_cast %swap3A_105 : vector<1x16xf32> to vector<16xf32>
      %swap3A_107 = vector.shape_cast %broadcast_in_dim3A_12 : vector<16xf32> to vector<1x16xf32>
      tpu.vector_store %arg11[%swap3A_103, %swap3A_104], %swap3A_107 {strides = array<i32>} : memref<8x128xf32, #tpu.memory_space<vmem>>, vector<1x16xf32>,
      %swap3A_108 = arith.index_cast %scan3A_78 : i32 to index
      %swap3A_109 = arith.constant 96 : index
      %swap3A_110 = tpu.vector_load %arg11[%swap3A_108, %swap3A_109] {strides = array<i32>} : memref<8x128xf32, #tpu.memory_space<vmem>>, vector<1x16xf32>,
      %swap3A_111 = vector.shape_cast %swap3A_110 : vector<1x16xf32> to vector<16xf32>
      %swap3A_112 = vector.shape_cast %broadcast_in_dim3A_12 : vector<16xf32> to vector<1x16xf32>
      tpu.vector_store %arg11[%swap3A_108, %swap3A_109], %swap3A_112 {strides = array<i32>} : memref<8x128xf32, #tpu.memory_space<vmem>>, vector<1x16xf32>,
      %swap3A_113 = arith.index_cast %scan3A_78 : i32 to index
      %swap3A_114 = arith.constant 112 : index
      %swap3A_115 = tpu.vector_load %arg11[%swap3A_113, %swap3A_114] {strides = array<i32>} : memref<8x128xf32, #tpu.memory_space<vmem>>, vector<1x16xf32>,
      %swap3A_116 = vector.shape_cast %swap3A_115 : vector<1x16xf32> to vector<16xf32>
      %swap3A_117 = vector.shape_cast %broadcast_in_dim3A_12 : vector<16xf32> to vector<1x16xf32>
      tpu.vector_store %arg11[%swap3A_113, %swap3A_114], %swap3A_117 {strides = array<i32>} : memref<8x128xf32, #tpu.memory_space<vmem>>, vector<1x16xf32>,
    }
    %scan3A_17 = arith.constant 8 : i32
    %scan3A_18 = arith.constant 0 : i32
    %scan3A_19 = arith.constant 0 : i32
    %scan3A_20 = arith.constant 65 : i32
    %scan3A_21 = arith.addi %scan3A_19, %scan3A_20 : i32
    %scan3A_22 = arith.constant 1 : i32
    scf.for %scan3A_78 = %scan3A_19 to %scan3A_21 step %scan3A_22  : i32 {
      %mul3A_79 = arith.constant 8 : i32
      %mul3A_80 = arith.muli %scan3A_78, %mul3A_79 : i32
      %add3A_81 = arith.addi %mul3A_2, %mul3A_80 : i32
      "tpu.region"() ({
        %run_scoped3A = tpu.sem_alloc : memref<!tpu.dma_semaphore, #tpu.memory_space<semaphore_mem>>
        %dma_start3A_82 = arith.constant 0 : i32
        %dma_start3A_83 = tpu.memref_slice %arg12[%add3A_81, %dma_start3A_82] : memref<10000x128xf32, #tpu.memory_space<vmem_shared>> -> memref<8x128xf32, #tpu.memory_space<vmem_shared>>
        %dma_start3A_84 = arith.constant 0 : i32
        %dma_start3A_85 = tpu.memref_slice %arg12[%add3A_81, %dma_start3A_84] : memref<10000x128xf32, #tpu.memory_space<vmem_shared>> -> memref<8x128xf32, #tpu.memory_space<vmem_shared>>
        tpu.enqueue_dma source(%arg11 : memref<8x128xf32, #tpu.memory_space<vmem>>) target(%dma_start3A_85 : memref<8x128xf32, #tpu.memory_space<vmem_shared>>) target_semaphore(%run_scoped3A : memref<!tpu.dma_semaphore, #tpu.memory_space<semaphore_mem>>)
        %dma_wait3A_86 = arith.constant 0 : i32
        %dma_wait3A_87 = tpu.memref_slice %arg12[%add3A_81, %dma_wait3A_86] : memref<10000x128xf32, #tpu.memory_space<vmem_shared>> -> memref<8x128xf32, #tpu.memory_space<vmem_shared>>
        %dma_wait3A_88 = arith.constant 0 : i32
        %dma_wait3A_89 = tpu.memref_slice %arg12[%add3A_81, %dma_wait3A_88] : memref<10000x128xf32, #tpu.memory_space<vmem_shared>> -> memref<8x128xf32, #tpu.memory_space<vmem_shared>>
        tpu.wait_dma2 semaphore(%run_scoped3A : memref<!tpu.dma_semaphore, #tpu.memory_space<semaphore_mem>>) src(%arg11 : memref<8x128xf32, #tpu.memory_space<vmem>>) dst(%dma_wait3A_89 : memref<8x128xf32, #tpu.memory_space<vmem_shared>>)
        tpu.yield
      }) : () -> ()
    }
    %scan3A_23 = arith.constant 65 : i32
    %lt3A = arith.constant 15 : i32
    %lt3A_24 = arith.cmpi slt, %arg1, %lt3A : i32
    %convert_element_type3A = arith.extui %lt3A_24 : i1 to i32
    %cond3A = arith.constant 0 : i32
    %cond3A_25 = arith.cmpi ne, %convert_element_type3A, %cond3A : i32
    scf.if %cond3A_25 {
      %scan3A_78 = arith.constant 0 : i32
      %scan3A_79 = arith.constant 0 : i32
      %scan3A_80 = arith.constant 14 : i32
      %scan3A_81 = arith.addi %scan3A_79, %scan3A_80 : i32
      %scan3A_82 = arith.constant 1 : i32
      scf.for %scan3A_84 = %scan3A_79 to %scan3A_81 step %scan3A_82  : i32 {
        %add3A_85 = arith.constant 520 : i32
        %add3A_86 = arith.addi %mul3A_2, %add3A_85 : i32
        %mul3A_87 = arith.constant 8 : i32
        %mul3A_88 = arith.muli %scan3A_84, %mul3A_87 : i32
        %add3A_89 = arith.addi %add3A_86, %mul3A_88 : i32
        "tpu.region"() ({
          %run_scoped3A = tpu.sem_alloc : memref<!tpu.dma_semaphore, #tpu.memory_space<semaphore_mem>>
          %dma_start3A_90 = arith.constant 0 : i32
          %dma_start3A_91 = tpu.memref_slice %arg12[%add3A_89, %dma_start3A_90] : memref<10000x128xf32, #tpu.memory_space<vmem_shared>> -> memref<8x128xf32, #tpu.memory_space<vmem_shared>>
          %dma_start3A_92 = arith.constant 0 : i32
          %dma_start3A_93 = tpu.memref_slice %arg12[%add3A_89, %dma_start3A_92] : memref<10000x128xf32, #tpu.memory_space<vmem_shared>> -> memref<8x128xf32, #tpu.memory_space<vmem_shared>>
          tpu.enqueue_dma source(%arg11 : memref<8x128xf32, #tpu.memory_space<vmem>>) target(%dma_start3A_93 : memref<8x128xf32, #tpu.memory_space<vmem_shared>>) target_semaphore(%run_scoped3A : memref<!tpu.dma_semaphore, #tpu.memory_space<semaphore_mem>>)
          %dma_wait3A_94 = arith.constant 0 : i32
          %dma_wait3A_95 = tpu.memref_slice %arg12[%add3A_89, %dma_wait3A_94] : memref<10000x128xf32, #tpu.memory_space<vmem_shared>> -> memref<8x128xf32, #tpu.memory_space<vmem_shared>>
          %dma_wait3A_96 = arith.constant 0 : i32
          %dma_wait3A_97 = tpu.memref_slice %arg12[%add3A_89, %dma_wait3A_96] : memref<10000x128xf32, #tpu.memory_space<vmem_shared>> -> memref<8x128xf32, #tpu.memory_space<vmem_shared>>
          tpu.wait_dma2 semaphore(%run_scoped3A : memref<!tpu.dma_semaphore, #tpu.memory_space<semaphore_mem>>) src(%arg11 : memref<8x128xf32, #tpu.memory_space<vmem>>) dst(%dma_wait3A_97 : memref<8x128xf32, #tpu.memory_space<vmem_shared>>)
          tpu.yield
        }) : () -> ()
      }
      %scan3A_83 = arith.constant 14 : i32
    } else {
    }
    %barrier3A = arith.constant 0 : index
    tpu.barrier barrier_id(%barrier3A)
    %dma_wait3A = arith.constant 0 : i32
    %dma_wait3A_26 = arith.constant 0 : i32
    %dma_wait3A_27 = tpu.memref_slice %arg3[%add3A, %dma_wait3A, %dma_wait3A_26] : memref<32x125x80xi32, #tpu.memory_space<hbm>> -> memref<1x125x80xi32, #tpu.memory_space<hbm>>
    %dma_wait3A_28 = tpu.memref_squeeze %dma_wait3A_27 : memref<1x125x80xi32, #tpu.memory_space<hbm>> -> memref<125x80xi32, #tpu.memory_space<hbm>>
    %dma_wait3A_29 = arith.constant 0 : i32
    %dma_wait3A_30 = arith.constant 0 : i32
    %dma_wait3A_31 = tpu.memref_slice %arg3[%add3A, %dma_wait3A_29, %dma_wait3A_30] : memref<32x125x80xi32, #tpu.memory_space<hbm>> -> memref<1x125x80xi32, #tpu.memory_space<hbm>>
    %dma_wait3A_32 = tpu.memref_squeeze %dma_wait3A_31 : memref<1x125x80xi32, #tpu.memory_space<hbm>> -> memref<125x80xi32, #tpu.memory_space<hbm>>
    tpu.wait_dma2 semaphore(%arg17 : memref<!tpu.dma_semaphore, #tpu.memory_space<semaphore_mem>>) src(%dma_wait3A_32 : memref<125x80xi32, #tpu.memory_space<hbm>>) dst(%arg6 : memref<125x80xi32, #tpu.memory_space<vmem>>)
    %dma_start3A_33 = arith.constant 0 : i32
    %dma_start3A_34 = arith.constant 0 : i32
    %dma_start3A_35 = tpu.memref_slice %arg6[%dma_start3A_33, %dma_start3A_34] : memref<125x80xi32, #tpu.memory_space<vmem>> -> memref<1x80xi32, #tpu.memory_space<vmem>>
    %dma_start3A_36 = tpu.memref_squeeze %dma_start3A_35 : memref<1x80xi32, #tpu.memory_space<vmem>> -> memref<80xi32, #tpu.memory_space<vmem>>
    %dma_start3A_37 = arith.constant 0 : i32
    %dma_start3A_38 = arith.constant 0 : i32
    %dma_start3A_39 = tpu.memref_slice %arg2[%dma_start3A_37, %dma_start3A_38] : memref<10000x128xf32, #tpu.memory_space<hbm>> -> memref<10000x128xf32, #tpu.memory_space<hbm>>
    tpu.enqueue_indirect_dma source(%dma_start3A_39 : memref<10000x128xf32, #tpu.memory_space<hbm>>) target(%arg9 : memref<80x128xf32, #tpu.memory_space<vmem>>) offsets(%dma_start3A_36 : memref<80xi32, #tpu.memory_space<vmem>>) semaphore(%arg13 : memref<!tpu.dma_semaphore, #tpu.memory_space<semaphore_mem>>)
    %add3A_40 = arith.constant 0 : i32
    %add3A_41 = arith.addi %mul3A_4, %add3A_40 : i32
    %dma_start3A_42 = tpu.memref_slice %arg4[%add3A_41] : memref<320000xi32, #tpu.memory_space<hbm>> -> memref<80xi32, #tpu.memory_space<hbm>>
    %dma_start3A_43 = tpu.memref_slice %arg4[%add3A_41] : memref<320000xi32, #tpu.memory_space<hbm>> -> memref<80xi32, #tpu.memory_space<hbm>>
    tpu.enqueue_dma source(%dma_start3A_43 : memref<80xi32, #tpu.memory_space<hbm>>) target(%arg7 : memref<80xi32, #tpu.memory_space<vmem>>) target_semaphore(%arg15 : memref<!tpu.dma_semaphore, #tpu.memory_space<semaphore_mem>>)
    %dma_start3A_44 = arith.constant 1 : i32
    %dma_start3A_45 = arith.constant 0 : i32
    %dma_start3A_46 = tpu.memref_slice %arg6[%dma_start3A_44, %dma_start3A_45] : memref<125x80xi32, #tpu.memory_space<vmem>> -> memref<1x80xi32, #tpu.memory_space<vmem>>
    %dma_start3A_47 = tpu.memref_squeeze %dma_start3A_46 : memref<1x80xi32, #tpu.memory_space<vmem>> -> memref<80xi32, #tpu.memory_space<vmem>>
    %dma_start3A_48 = arith.constant 0 : i32
    %dma_start3A_49 = arith.constant 0 : i32
    %dma_start3A_50 = tpu.memref_slice %arg2[%dma_start3A_48, %dma_start3A_49] : memref<10000x128xf32, #tpu.memory_space<hbm>> -> memref<10000x128xf32, #tpu.memory_space<hbm>>
    tpu.enqueue_indirect_dma source(%dma_start3A_50 : memref<10000x128xf32, #tpu.memory_space<hbm>>) target(%arg10 : memref<80x128xf32, #tpu.memory_space<vmem>>) offsets(%dma_start3A_47 : memref<80xi32, #tpu.memory_space<vmem>>) semaphore(%arg14 : memref<!tpu.dma_semaphore, #tpu.memory_space<semaphore_mem>>)
    %add3A_51 = arith.constant 80 : i32
    %add3A_52 = arith.addi %mul3A_4, %add3A_51 : i32
    %dma_start3A_53 = tpu.memref_slice %arg4[%add3A_52] : memref<320000xi32, #tpu.memory_space<hbm>> -> memref<80xi32, #tpu.memory_space<hbm>>
    %dma_start3A_54 = tpu.memref_slice %arg4[%add3A_52] : memref<320000xi32, #tpu.memory_space<hbm>> -> memref<80xi32, #tpu.memory_space<hbm>>
    tpu.enqueue_dma source(%dma_start3A_54 : memref<80xi32, #tpu.memory_space<hbm>>) target(%arg8 : memref<80xi32, #tpu.memory_space<vmem>>) target_semaphore(%arg16 : memref<!tpu.dma_semaphore, #tpu.memory_space<semaphore_mem>>)
    %scan3A_55 = arith.constant 0 : i32
    %scan3A_56 = arith.constant 0 : i32
    %scan3A_57 = arith.constant 62 : i32
    %scan3A_58 = arith.addi %scan3A_56, %scan3A_57 : i32
    %scan3A_59 = arith.constant 1 : i32
    scf.for %scan3A_78 = %scan3A_56 to %scan3A_58 step %scan3A_59  : i32 {
      %mul3A_79 = arith.constant 2 : i32
      %mul3A_80 = arith.muli %mul3A_79, %scan3A_78 : i32
      %add3A_81 = arith.constant 0 : i32
      %add3A_82 = arith.addi %mul3A_80, %add3A_81 : i32
      %dma_wait3A_83 = arith.constant 0 : i32
      %dma_wait3A_84 = tpu.memref_slice %arg6[%add3A_82, %dma_wait3A_83] : memref<125x80xi32, #tpu.memory_space<vmem>> -> memref<1x80xi32, #tpu.memory_space<vmem>>
      %dma_wait3A_85 = tpu.memref_squeeze %dma_wait3A_84 : memref<1x80xi32, #tpu.memory_space<vmem>> -> memref<80xi32, #tpu.memory_space<vmem>>
      %dma_wait3A_86 = arith.constant 0 : i32
      %dma_wait3A_87 = arith.constant 0 : i32
      %dma_wait3A_88 = tpu.memref_slice %arg2[%dma_wait3A_86, %dma_wait3A_87] : memref<10000x128xf32, #tpu.memory_space<hbm>> -> memref<10000x128xf32, #tpu.memory_space<hbm>>
      tpu.wait_indirect_dma semaphore(%arg13 : memref<!tpu.dma_semaphore, #tpu.memory_space<semaphore_mem>>) src(%dma_wait3A_88 : memref<10000x128xf32, #tpu.memory_space<hbm>>) dst(%arg9 : memref<80x128xf32, #tpu.memory_space<vmem>>)
      %mul3A_89 = arith.constant 80 : i32
      %mul3A_90 = arith.muli %add3A_82, %mul3A_89 : i32
      %add3A_91 = arith.addi %mul3A_4, %mul3A_90 : i32
      %dma_wait3A_92 = tpu.memref_slice %arg4[%add3A_91] : memref<320000xi32, #tpu.memory_space<hbm>> -> memref<80xi32, #tpu.memory_space<hbm>>
      %dma_wait3A_93 = tpu.memref_slice %arg4[%add3A_91] : memref<320000xi32, #tpu.memory_space<hbm>> -> memref<80xi32, #tpu.memory_space<hbm>>
      tpu.wait_dma2 semaphore(%arg15 : memref<!tpu.dma_semaphore, #tpu.memory_space<semaphore_mem>>) src(%dma_wait3A_93 : memref<80xi32, #tpu.memory_space<hbm>>) dst(%arg7 : memref<80xi32, #tpu.memory_space<vmem>>)
      "tpu.region"() ({
        %run_scoped3A = tpu.sem_alloc : memref<!tpu.dma_semaphore, #tpu.memory_space<semaphore_mem>>
        %dma_start3A_123 = arith.constant 0 : i32
        %dma_start3A_124 = arith.constant 0 : i32
        %dma_start3A_125 = tpu.memref_slice %arg12[%dma_start3A_123, %dma_start3A_124] : memref<10000x128xf32, #tpu.memory_space<vmem_shared>> -> memref<10000x128xf32, #tpu.memory_space<vmem_shared>>
        tpu.enqueue_indirect_dma source(%arg9 : memref<80x128xf32, #tpu.memory_space<vmem>>) target(%dma_start3A_125 : memref<10000x128xf32, #tpu.memory_space<vmem_shared>>) offsets(%arg7 : memref<80xi32, #tpu.memory_space<vmem>>) semaphore(%run_scoped3A : memref<!tpu.dma_semaphore, #tpu.memory_space<semaphore_mem>>) {add = true}
        %dma_wait3A_126 = arith.constant 0 : i32
        %dma_wait3A_127 = arith.constant 0 : i32
        %dma_wait3A_128 = tpu.memref_slice %arg12[%dma_wait3A_126, %dma_wait3A_127] : memref<10000x128xf32, #tpu.memory_space<vmem_shared>> -> memref<10000x128xf32, #tpu.memory_space<vmem_shared>>
        tpu.wait_indirect_dma semaphore(%run_scoped3A : memref<!tpu.dma_semaphore, #tpu.memory_space<semaphore_mem>>) src(%arg9 : memref<80x128xf32, #tpu.memory_space<vmem>>) dst(%dma_wait3A_128 : memref<10000x128xf32, #tpu.memory_space<vmem_shared>>)
        tpu.yield
      }) : () -> ()
      %add3A_94 = arith.constant 2 : i32
      %add3A_95 = arith.addi %add3A_82, %add3A_94 : i32
      %lt3A_96 = arith.constant 125 : i32
      %lt3A_97 = arith.cmpi slt, %add3A_95, %lt3A_96 : i32
      %convert_element_type3A_98 = arith.extui %lt3A_97 : i1 to i32
      %cond3A_99 = arith.constant 0 : i32
      %cond3A_100 = arith.cmpi ne, %convert_element_type3A_98, %cond3A_99 : i32
      scf.if %cond3A_100 {
        %add3A_123 = arith.constant 2 : i32
        %add3A_124 = arith.addi %add3A_82, %add3A_123 : i32
        %dma_start3A_125 = arith.constant 0 : i32
        %dma_start3A_126 = tpu.memref_slice %arg6[%add3A_124, %dma_start3A_125] : memref<125x80xi32, #tpu.memory_space<vmem>> -> memref<1x80xi32, #tpu.memory_space<vmem>>
        %dma_start3A_127 = tpu.memref_squeeze %dma_start3A_126 : memref<1x80xi32, #tpu.memory_space<vmem>> -> memref<80xi32, #tpu.memory_space<vmem>>
        %dma_start3A_128 = arith.constant 0 : i32
        %dma_start3A_129 = arith.constant 0 : i32
        %dma_start3A_130 = tpu.memref_slice %arg2[%dma_start3A_128, %dma_start3A_129] : memref<10000x128xf32, #tpu.memory_space<hbm>> -> memref<10000x128xf32, #tpu.memory_space<hbm>>
        tpu.enqueue_indirect_dma source(%dma_start3A_130 : memref<10000x128xf32, #tpu.memory_space<hbm>>) target(%arg9 : memref<80x128xf32, #tpu.memory_space<vmem>>) offsets(%dma_start3A_127 : memref<80xi32, #tpu.memory_space<vmem>>) semaphore(%arg13 : memref<!tpu.dma_semaphore, #tpu.memory_space<semaphore_mem>>)
        %add3A_131 = arith.constant 2 : i32
        %add3A_132 = arith.addi %add3A_82, %add3A_131 : i32
        %mul3A_133 = arith.constant 80 : i32
        %mul3A_134 = arith.muli %add3A_132, %mul3A_133 : i32
        %add3A_135 = arith.addi %mul3A_4, %mul3A_134 : i32
        %dma_start3A_136 = tpu.memref_slice %arg4[%add3A_135] : memref<320000xi32, #tpu.memory_space<hbm>> -> memref<80xi32, #tpu.memory_space<hbm>>
        %dma_start3A_137 = tpu.memref_slice %arg4[%add3A_135] : memref<320000xi32, #tpu.memory_space<hbm>> -> memref<80xi32, #tpu.memory_space<hbm>>
        tpu.enqueue_dma source(%dma_start3A_137 : memref<80xi32, #tpu.memory_space<hbm>>) target(%arg7 : memref<80xi32, #tpu.memory_space<vmem>>) target_semaphore(%arg15 : memref<!tpu.dma_semaphore, #tpu.memory_space<semaphore_mem>>)
      } else {
      }
      %mul3A_101 = arith.constant 2 : i32
      %mul3A_102 = arith.muli %mul3A_101, %scan3A_78 : i32
      %add3A_103 = arith.constant 1 : i32
      %add3A_104 = arith.addi %mul3A_102, %add3A_103 : i32
      %dma_wait3A_105 = arith.constant 0 : i32
      %dma_wait3A_106 = tpu.memref_slice %arg6[%add3A_104, %dma_wait3A_105] : memref<125x80xi32, #tpu.memory_space<vmem>> -> memref<1x80xi32, #tpu.memory_space<vmem>>
      %dma_wait3A_107 = tpu.memref_squeeze %dma_wait3A_106 : memref<1x80xi32, #tpu.memory_space<vmem>> -> memref<80xi32, #tpu.memory_space<vmem>>
      %dma_wait3A_108 = arith.constant 0 : i32
      %dma_wait3A_109 = arith.constant 0 : i32
      %dma_wait3A_110 = tpu.memref_slice %arg2[%dma_wait3A_108, %dma_wait3A_109] : memref<10000x128xf32, #tpu.memory_space<hbm>> -> memref<10000x128xf32, #tpu.memory_space<hbm>>
      tpu.wait_indirect_dma semaphore(%arg14 : memref<!tpu.dma_semaphore, #tpu.memory_space<semaphore_mem>>) src(%dma_wait3A_110 : memref<10000x128xf32, #tpu.memory_space<hbm>>) dst(%arg10 : memref<80x128xf32, #tpu.memory_space<vmem>>)
      %mul3A_111 = arith.constant 80 : i32
      %mul3A_112 = arith.muli %add3A_104, %mul3A_111 : i32
      %add3A_113 = arith.addi %mul3A_4, %mul3A_112 : i32
      %dma_wait3A_114 = tpu.memref_slice %arg4[%add3A_113] : memref<320000xi32, #tpu.memory_space<hbm>> -> memref<80xi32, #tpu.memory_space<hbm>>
      %dma_wait3A_115 = tpu.memref_slice %arg4[%add3A_113] : memref<320000xi32, #tpu.memory_space<hbm>> -> memref<80xi32, #tpu.memory_space<hbm>>
      tpu.wait_dma2 semaphore(%arg16 : memref<!tpu.dma_semaphore, #tpu.memory_space<semaphore_mem>>) src(%dma_wait3A_115 : memref<80xi32, #tpu.memory_space<hbm>>) dst(%arg8 : memref<80xi32, #tpu.memory_space<vmem>>)
      "tpu.region"() ({
        %run_scoped3A = tpu.sem_alloc : memref<!tpu.dma_semaphore, #tpu.memory_space<semaphore_mem>>
        %dma_start3A_123 = arith.constant 0 : i32
        %dma_start3A_124 = arith.constant 0 : i32
        %dma_start3A_125 = tpu.memref_slice %arg12[%dma_start3A_123, %dma_start3A_124] : memref<10000x128xf32, #tpu.memory_space<vmem_shared>> -> memref<10000x128xf32, #tpu.memory_space<vmem_shared>>
        tpu.enqueue_indirect_dma source(%arg10 : memref<80x128xf32, #tpu.memory_space<vmem>>) target(%dma_start3A_125 : memref<10000x128xf32, #tpu.memory_space<vmem_shared>>) offsets(%arg8 : memref<80xi32, #tpu.memory_space<vmem>>) semaphore(%run_scoped3A : memref<!tpu.dma_semaphore, #tpu.memory_space<semaphore_mem>>) {add = true}
        %dma_wait3A_126 = arith.constant 0 : i32
        %dma_wait3A_127 = arith.constant 0 : i32
        %dma_wait3A_128 = tpu.memref_slice %arg12[%dma_wait3A_126, %dma_wait3A_127] : memref<10000x128xf32, #tpu.memory_space<vmem_shared>> -> memref<10000x128xf32, #tpu.memory_space<vmem_shared>>
        tpu.wait_indirect_dma semaphore(%run_scoped3A : memref<!tpu.dma_semaphore, #tpu.memory_space<semaphore_mem>>) src(%arg10 : memref<80x128xf32, #tpu.memory_space<vmem>>) dst(%dma_wait3A_128 : memref<10000x128xf32, #tpu.memory_space<vmem_shared>>)
        tpu.yield
      }) : () -> ()
      %add3A_116 = arith.constant 2 : i32
      %add3A_117 = arith.addi %add3A_104, %add3A_116 : i32
      %lt3A_118 = arith.constant 125 : i32
      %lt3A_119 = arith.cmpi slt, %add3A_117, %lt3A_118 : i32
      %convert_element_type3A_120 = arith.extui %lt3A_119 : i1 to i32
      %cond3A_121 = arith.constant 0 : i32
      %cond3A_122 = arith.cmpi ne, %convert_element_type3A_120, %cond3A_121 : i32
      scf.if %cond3A_122 {
        %add3A_123 = arith.constant 2 : i32
        %add3A_124 = arith.addi %add3A_104, %add3A_123 : i32
        %dma_start3A_125 = arith.constant 0 : i32
        %dma_start3A_126 = tpu.memref_slice %arg6[%add3A_124, %dma_start3A_125] : memref<125x80xi32, #tpu.memory_space<vmem>> -> memref<1x80xi32, #tpu.memory_space<vmem>>
        %dma_start3A_127 = tpu.memref_squeeze %dma_start3A_126 : memref<1x80xi32, #tpu.memory_space<vmem>> -> memref<80xi32, #tpu.memory_space<vmem>>
        %dma_start3A_128 = arith.constant 0 : i32
        %dma_start3A_129 = arith.constant 0 : i32
        %dma_start3A_130 = tpu.memref_slice %arg2[%dma_start3A_128, %dma_start3A_129] : memref<10000x128xf32, #tpu.memory_space<hbm>> -> memref<10000x128xf32, #tpu.memory_space<hbm>>
        tpu.enqueue_indirect_dma source(%dma_start3A_130 : memref<10000x128xf32, #tpu.memory_space<hbm>>) target(%arg10 : memref<80x128xf32, #tpu.memory_space<vmem>>) offsets(%dma_start3A_127 : memref<80xi32, #tpu.memory_space<vmem>>) semaphore(%arg14 : memref<!tpu.dma_semaphore, #tpu.memory_space<semaphore_mem>>)
        %add3A_131 = arith.constant 2 : i32
        %add3A_132 = arith.addi %add3A_104, %add3A_131 : i32
        %mul3A_133 = arith.constant 80 : i32
        %mul3A_134 = arith.muli %add3A_132, %mul3A_133 : i32
        %add3A_135 = arith.addi %mul3A_4, %mul3A_134 : i32
        %dma_start3A_136 = tpu.memref_slice %arg4[%add3A_135] : memref<320000xi32, #tpu.memory_space<hbm>> -> memref<80xi32, #tpu.memory_space<hbm>>
        %dma_start3A_137 = tpu.memref_slice %arg4[%add3A_135] : memref<320000xi32, #tpu.memory_space<hbm>> -> memref<80xi32, #tpu.memory_space<hbm>>
        tpu.enqueue_dma source(%dma_start3A_137 : memref<80xi32, #tpu.memory_space<hbm>>) target(%arg8 : memref<80xi32, #tpu.memory_space<vmem>>) target_semaphore(%arg16 : memref<!tpu.dma_semaphore, #tpu.memory_space<semaphore_mem>>)
      } else {
      }
    }
    %scan3A_60 = arith.constant 62 : i32
    %dma_wait3A_61 = arith.constant 124 : i32
    %dma_wait3A_62 = arith.constant 0 : i32
    %dma_wait3A_63 = tpu.memref_slice %arg6[%dma_wait3A_61, %dma_wait3A_62] : memref<125x80xi32, #tpu.memory_space<vmem>> -> memref<1x80xi32, #tpu.memory_space<vmem>>
    %dma_wait3A_64 = tpu.memref_squeeze %dma_wait3A_63 : memref<1x80xi32, #tpu.memory_space<vmem>> -> memref<80xi32, #tpu.memory_space<vmem>>
    %dma_wait3A_65 = arith.constant 0 : i32
    %dma_wait3A_66 = arith.constant 0 : i32
    %dma_wait3A_67 = tpu.memref_slice %arg2[%dma_wait3A_65, %dma_wait3A_66] : memref<10000x128xf32, #tpu.memory_space<hbm>> -> memref<10000x128xf32, #tpu.memory_space<hbm>>
    tpu.wait_indirect_dma semaphore(%arg13 : memref<!tpu.dma_semaphore, #tpu.memory_space<semaphore_mem>>) src(%dma_wait3A_67 : memref<10000x128xf32, #tpu.memory_space<hbm>>) dst(%arg9 : memref<80x128xf32, #tpu.memory_space<vmem>>)
    %add3A_68 = arith.constant 9920 : i32
    %add3A_69 = arith.addi %mul3A_4, %add3A_68 : i32
    %dma_wait3A_70 = tpu.memref_slice %arg4[%add3A_69] : memref<320000xi32, #tpu.memory_space<hbm>> -> memref<80xi32, #tpu.memory_space<hbm>>
    %dma_wait3A_71 = tpu.memref_slice %arg4[%add3A_69] : memref<320000xi32, #tpu.memory_space<hbm>> -> memref<80xi32, #tpu.memory_space<hbm>>
    tpu.wait_dma2 semaphore(%arg15 : memref<!tpu.dma_semaphore, #tpu.memory_space<semaphore_mem>>) src(%dma_wait3A_71 : memref<80xi32, #tpu.memory_space<hbm>>) dst(%arg7 : memref<80xi32, #tpu.memory_space<vmem>>)
    "tpu.region"() ({
      %run_scoped3A = tpu.sem_alloc : memref<!tpu.dma_semaphore, #tpu.memory_space<semaphore_mem>>
      %dma_start3A_78 = arith.constant 0 : i32
      %dma_start3A_79 = arith.constant 0 : i32
      %dma_start3A_80 = tpu.memref_slice %arg12[%dma_start3A_78, %dma_start3A_79] : memref<10000x128xf32, #tpu.memory_space<vmem_shared>> -> memref<10000x128xf32, #tpu.memory_space<vmem_shared>>
      tpu.enqueue_indirect_dma source(%arg9 : memref<80x128xf32, #tpu.memory_space<vmem>>) target(%dma_start3A_80 : memref<10000x128xf32, #tpu.memory_space<vmem_shared>>) offsets(%arg7 : memref<80xi32, #tpu.memory_space<vmem>>) semaphore(%run_scoped3A : memref<!tpu.dma_semaphore, #tpu.memory_space<semaphore_mem>>) {add = true}
      %dma_wait3A_81 = arith.constant 0 : i32
      %dma_wait3A_82 = arith.constant 0 : i32
      %dma_wait3A_83 = tpu.memref_slice %arg12[%dma_wait3A_81, %dma_wait3A_82] : memref<10000x128xf32, #tpu.memory_space<vmem_shared>> -> memref<10000x128xf32, #tpu.memory_space<vmem_shared>>
      tpu.wait_indirect_dma semaphore(%run_scoped3A : memref<!tpu.dma_semaphore, #tpu.memory_space<semaphore_mem>>) src(%arg9 : memref<80x128xf32, #tpu.memory_space<vmem>>) dst(%dma_wait3A_83 : memref<10000x128xf32, #tpu.memory_space<vmem_shared>>)
      tpu.yield
    }) : () -> ()
    %barrier3A_72 = arith.constant 0 : index
    tpu.barrier barrier_id(%barrier3A_72)
    "tpu.region"() ({
      %run_scoped3A = tpu.sem_alloc : memref<!tpu.dma_semaphore, #tpu.memory_space<semaphore_mem>>
      %dma_start3A_78 = arith.constant 0 : i32
      %dma_start3A_79 = tpu.memref_slice %arg5[%arg0, %mul3A_2, %dma_start3A_78] : memref<2x10000x128xf32, #tpu.memory_space<hbm>> -> memref<1x520x128xf32, #tpu.memory_space<hbm>>
      %dma_start3A_80 = tpu.memref_squeeze %dma_start3A_79 : memref<1x520x128xf32, #tpu.memory_space<hbm>> -> memref<520x128xf32, #tpu.memory_space<hbm>>
      %dma_start3A_81 = arith.constant 0 : i32
      %dma_start3A_82 = tpu.memref_slice %arg12[%mul3A_2, %dma_start3A_81] : memref<10000x128xf32, #tpu.memory_space<vmem_shared>> -> memref<520x128xf32, #tpu.memory_space<vmem_shared>>
      tpu.enqueue_dma source(%dma_start3A_82 : memref<520x128xf32, #tpu.memory_space<vmem_shared>>) target(%dma_start3A_80 : memref<520x128xf32, #tpu.memory_space<hbm>>) target_semaphore(%run_scoped3A : memref<!tpu.dma_semaphore, #tpu.memory_space<semaphore_mem>>)
      %dma_wait3A_83 = arith.constant 0 : i32
      %dma_wait3A_84 = tpu.memref_slice %arg5[%arg0, %mul3A_2, %dma_wait3A_83] : memref<2x10000x128xf32, #tpu.memory_space<hbm>> -> memref<1x520x128xf32, #tpu.memory_space<hbm>>
      %dma_wait3A_85 = tpu.memref_squeeze %dma_wait3A_84 : memref<1x520x128xf32, #tpu.memory_space<hbm>> -> memref<520x128xf32, #tpu.memory_space<hbm>>
      %dma_wait3A_86 = arith.constant 0 : i32
      %dma_wait3A_87 = tpu.memref_slice %arg12[%mul3A_2, %dma_wait3A_86] : memref<10000x128xf32, #tpu.memory_space<vmem_shared>> -> memref<520x128xf32, #tpu.memory_space<vmem_shared>>
      tpu.wait_dma2 semaphore(%run_scoped3A : memref<!tpu.dma_semaphore, #tpu.memory_space<semaphore_mem>>) src(%dma_wait3A_87 : memref<520x128xf32, #tpu.memory_space<vmem_shared>>) dst(%dma_wait3A_85 : memref<520x128xf32, #tpu.memory_space<hbm>>)
      tpu.yield
    }) : () -> ()
    %lt3A_73 = arith.constant 15 : i32
    %lt3A_74 = arith.cmpi slt, %arg1, %lt3A_73 : i32
    %convert_element_type3A_75 = arith.extui %lt3A_74 : i1 to i32
    %cond3A_76 = arith.constant 0 : i32
    %cond3A_77 = arith.cmpi ne, %convert_element_type3A_75, %cond3A_76 : i32
    scf.if %cond3A_77 {
      %add3A_78 = arith.constant 520 : i32
      %add3A_79 = arith.addi %mul3A_2, %add3A_78 : i32
      %add3A_80 = arith.constant 520 : i32
      %add3A_81 = arith.addi %mul3A_2, %add3A_80 : i32
      "tpu.region"() ({
        %run_scoped3A = tpu.sem_alloc : memref<!tpu.dma_semaphore, #tpu.memory_space<semaphore_mem>>
        %dma_start3A_82 = arith.constant 0 : i32
        %dma_start3A_83 = tpu.memref_slice %arg5[%arg0, %add3A_81, %dma_start3A_82] : memref<2x10000x128xf32, #tpu.memory_space<hbm>> -> memref<1x112x128xf32, #tpu.memory_space<hbm>>
        %dma_start3A_84 = tpu.memref_squeeze %dma_start3A_83 : memref<1x112x128xf32, #tpu.memory_space<hbm>> -> memref<112x128xf32, #tpu.memory_space<hbm>>
        %dma_start3A_85 = arith.constant 0 : i32
        %dma_start3A_86 = tpu.memref_slice %arg12[%add3A_79, %dma_start3A_85] : memref<10000x128xf32, #tpu.memory_space<vmem_shared>> -> memref<112x128xf32, #tpu.memory_space<vmem_shared>>
        tpu.enqueue_dma source(%dma_start3A_86 : memref<112x128xf32, #tpu.memory_space<vmem_shared>>) target(%dma_start3A_84 : memref<112x128xf32, #tpu.memory_space<hbm>>) target_semaphore(%run_scoped3A : memref<!tpu.dma_semaphore, #tpu.memory_space<semaphore_mem>>)
        %dma_wait3A_87 = arith.constant 0 : i32
        %dma_wait3A_88 = tpu.memref_slice %arg5[%arg0, %add3A_81, %dma_wait3A_87] : memref<2x10000x128xf32, #tpu.memory_space<hbm>> -> memref<1x112x128xf32, #tpu.memory_space<hbm>>
        %dma_wait3A_89 = tpu.memref_squeeze %dma_wait3A_88 : memref<1x112x128xf32, #tpu.memory_space<hbm>> -> memref<112x128xf32, #tpu.memory_space<hbm>>
        %dma_wait3A_90 = arith.constant 0 : i32
        %dma_wait3A_91 = tpu.memref_slice %arg12[%add3A_79, %dma_wait3A_90] : memref<10000x128xf32, #tpu.memory_space<vmem_shared>> -> memref<112x128xf32, #tpu.memory_space<vmem_shared>>
        tpu.wait_dma2 semaphore(%run_scoped3A : memref<!tpu.dma_semaphore, #tpu.memory_space<semaphore_mem>>) src(%dma_wait3A_91 : memref<112x128xf32, #tpu.memory_space<vmem_shared>>) dst(%dma_wait3A_89 : memref<112x128xf32, #tpu.memory_space<hbm>>)
        tpu.yield
      }) : () -> ()
    } else {
    }
    return
  }
}

#map = affine_map<(d0, d1) -> (0, 0)>
#map1 = affine_map<(d0, d1) -> (0, 0, 0)>
#map2 = affine_map<(d0, d1) -> (0)>
module attributes {stable_mosaic.version = 14 : i64} {
  func.func @_scatter_kernel(%arg0: i32, %arg1: i32, %arg2: memref<10000x128xf32, #tpu.memory_space<hbm>>, %arg3: memref<32x125x80xi32, #tpu.memory_space<hbm>>, %arg4: memref<320000xi32, #tpu.memory_space<hbm>>, %arg5: memref<2x10000x128xf32, #tpu.memory_space<hbm>>, %arg6: memref<125x80xi32, #tpu.memory_space<vmem>>, %arg7: memref<80xi32, #tpu.memory_space<vmem>>, %arg8: memref<80xi32, #tpu.memory_space<vmem>>, %arg9: memref<80x128xf32, #tpu.memory_space<vmem>>, %arg10: memref<80x128xf32, #tpu.memory_space<vmem>>, %arg11: memref<8x128xf32, #tpu.memory_space<vmem>>, %arg12: memref<10000x128xf32, #tpu.memory_space<vmem_shared>>, %arg13: memref<!tpu.dma_semaphore, #tpu.memory_space<semaphore_mem>>, %arg14: memref<!tpu.dma_semaphore, #tpu.memory_space<semaphore_mem>>, %arg15: memref<!tpu.dma_semaphore, #tpu.memory_space<semaphore_mem>>, %arg16: memref<!tpu.dma_semaphore, #tpu.memory_space<semaphore_mem>>, %arg17: memref<!tpu.dma_semaphore, #tpu.memory_space<semaphore_mem>>) attributes {dimension_semantics = [#tpu.dimension_semantics<core_parallel>, #tpu.dimension_semantics<subcore_parallel>], iteration_bounds = array<i64: 2, 16>, scalar_prefetch = 0 : i64, scratch_operands = 12 : i64, tpu.core_type = #tpu.core_type<sc_vector_subcore>, window_params = [{transform_indices = #map}, {transform_indices = #map1}, {transform_indices = #map2}, {transform_indices = #map1}]} {
    %mul3A = arith.constant 16 : i32
    %mul3A_0 = arith.muli %arg0, %mul3A : i32
    %add3A = arith.addi %mul3A_0, %arg1 : i32
    %mul3A_1 = arith.constant 632 : i32
    %mul3A_2 = arith.muli %arg1, %mul3A_1 : i32
    %mul3A_3 = arith.constant 10000 : i32
    %mul3A_4 = arith.muli %add3A, %mul3A_3 : i32
    %dma_start3A = arith.constant 0 : i32
    %dma_start3A_5 = arith.constant 0 : i32
    %dma_start3A_6 = tpu.memref_slice %arg3[%add3A, %dma_start3A, %dma_start3A_5] : memref<32x125x80xi32, #tpu.memory_space<hbm>> -> memref<1x125x80xi32, #tpu.memory_space<hbm>>
    %dma_start3A_7 = tpu.memref_squeeze %dma_start3A_6 : memref<1x125x80xi32, #tpu.memory_space<hbm>> -> memref<125x80xi32, #tpu.memory_space<hbm>>
    %dma_start3A_8 = arith.constant 0 : i32
    %dma_start3A_9 = arith.constant 0 : i32
    %dma_start3A_10 = tpu.memref_slice %arg3[%add3A, %dma_start3A_8, %dma_start3A_9] : memref<32x125x80xi32, #tpu.memory_space<hbm>> -> memref<1x125x80xi32, #tpu.memory_space<hbm>>
    %dma_start3A_11 = tpu.memref_squeeze %dma_start3A_10 : memref<1x125x80xi32, #tpu.memory_space<hbm>> -> memref<125x80xi32, #tpu.memory_space<hbm>>
    tpu.enqueue_dma source(%dma_start3A_11 : memref<125x80xi32, #tpu.memory_space<hbm>>) target(%arg6 : memref<125x80xi32, #tpu.memory_space<vmem>>) target_semaphore(%arg17 : memref<!tpu.dma_semaphore, #tpu.memory_space<semaphore_mem>>)
    %broadcast_in_dim3A = arith.constant 0.000000e+00 : f32
    %broadcast_in_dim3A_12 = vector.broadcast %broadcast_in_dim3A : f32 to vector<16xf32>
    %scan3A = arith.constant 0 : i32
    %scan3A_13 = arith.constant 0 : i32
    %scan3A_14 = arith.constant 8 : i32
    %scan3A_15 = arith.addi %scan3A_13, %scan3A_14 : i32
    %scan3A_16 = arith.constant 1 : i32
    scf.for %scan3A_78 = %scan3A_13 to %scan3A_15 step %scan3A_16  : i32 {
      %swap3A = arith.index_cast %scan3A_78 : i32 to index
      %swap3A_79 = arith.constant 0 : index
      %swap3A_80 = tpu.vector_load %arg11[%swap3A, %swap3A_79] {strides = array<i32>} : memref<8x128xf32, #tpu.memory_space<vmem>>, vector<1x16xf32>,
      %swap3A_81 = vector.shape_cast %swap3A_80 : vector<1x16xf32> to vector<16xf32>
      %swap3A_82 = vector.shape_cast %broadcast_in_dim3A_12 : vector<16xf32> to vector<1x16xf32>
      tpu.vector_store %arg11[%swap3A, %swap3A_79], %swap3A_82 {strides = array<i32>} : memref<8x128xf32, #tpu.memory_space<vmem>>, vector<1x16xf32>,
      %swap3A_83 = arith.index_cast %scan3A_78 : i32 to index
      %swap3A_84 = arith.constant 16 : index
      %swap3A_85 = tpu.vector_load %arg11[%swap3A_83, %swap3A_84] {strides = array<i32>} : memref<8x128xf32, #tpu.memory_space<vmem>>, vector<1x16xf32>,
      %swap3A_86 = vector.shape_cast %swap3A_85 : vector<1x16xf32> to vector<16xf32>
      %swap3A_87 = vector.shape_cast %broadcast_in_dim3A_12 : vector<16xf32> to vector<1x16xf32>
      tpu.vector_store %arg11[%swap3A_83, %swap3A_84], %swap3A_87 {strides = array<i32>} : memref<8x128xf32, #tpu.memory_space<vmem>>, vector<1x16xf32>,
      %swap3A_88 = arith.index_cast %scan3A_78 : i32 to index
      %swap3A_89 = arith.constant 32 : index
      %swap3A_90 = tpu.vector_load %arg11[%swap3A_88, %swap3A_89] {strides = array<i32>} : memref<8x128xf32, #tpu.memory_space<vmem>>, vector<1x16xf32>,
      %swap3A_91 = vector.shape_cast %swap3A_90 : vector<1x16xf32> to vector<16xf32>
      %swap3A_92 = vector.shape_cast %broadcast_in_dim3A_12 : vector<16xf32> to vector<1x16xf32>
      tpu.vector_store %arg11[%swap3A_88, %swap3A_89], %swap3A_92 {strides = array<i32>} : memref<8x128xf32, #tpu.memory_space<vmem>>, vector<1x16xf32>,
      %swap3A_93 = arith.index_cast %scan3A_78 : i32 to index
      %swap3A_94 = arith.constant 48 : index
      %swap3A_95 = tpu.vector_load %arg11[%swap3A_93, %swap3A_94] {strides = array<i32>} : memref<8x128xf32, #tpu.memory_space<vmem>>, vector<1x16xf32>,
      %swap3A_96 = vector.shape_cast %swap3A_95 : vector<1x16xf32> to vector<16xf32>
      %swap3A_97 = vector.shape_cast %broadcast_in_dim3A_12 : vector<16xf32> to vector<1x16xf32>
      tpu.vector_store %arg11[%swap3A_93, %swap3A_94], %swap3A_97 {strides = array<i32>} : memref<8x128xf32, #tpu.memory_space<vmem>>, vector<1x16xf32>,
      %swap3A_98 = arith.index_cast %scan3A_78 : i32 to index
      %swap3A_99 = arith.constant 64 : index
      %swap3A_100 = tpu.vector_load %arg11[%swap3A_98, %swap3A_99] {strides = array<i32>} : memref<8x128xf32, #tpu.memory_space<vmem>>, vector<1x16xf32>,
      %swap3A_101 = vector.shape_cast %swap3A_100 : vector<1x16xf32> to vector<16xf32>
      %swap3A_102 = vector.shape_cast %broadcast_in_dim3A_12 : vector<16xf32> to vector<1x16xf32>
      tpu.vector_store %arg11[%swap3A_98, %swap3A_99], %swap3A_102 {strides = array<i32>} : memref<8x128xf32, #tpu.memory_space<vmem>>, vector<1x16xf32>,
      %swap3A_103 = arith.index_cast %scan3A_78 : i32 to index
      %swap3A_104 = arith.constant 80 : index
      %swap3A_105 = tpu.vector_load %arg11[%swap3A_103, %swap3A_104] {strides = array<i32>} : memref<8x128xf32, #tpu.memory_space<vmem>>, vector<1x16xf32>,
      %swap3A_106 = vector.shape_cast %swap3A_105 : vector<1x16xf32> to vector<16xf32>
      %swap3A_107 = vector.shape_cast %broadcast_in_dim3A_12 : vector<16xf32> to vector<1x16xf32>
      tpu.vector_store %arg11[%swap3A_103, %swap3A_104], %swap3A_107 {strides = array<i32>} : memref<8x128xf32, #tpu.memory_space<vmem>>, vector<1x16xf32>,
      %swap3A_108 = arith.index_cast %scan3A_78 : i32 to index
      %swap3A_109 = arith.constant 96 : index
      %swap3A_110 = tpu.vector_load %arg11[%swap3A_108, %swap3A_109] {strides = array<i32>} : memref<8x128xf32, #tpu.memory_space<vmem>>, vector<1x16xf32>,
      %swap3A_111 = vector.shape_cast %swap3A_110 : vector<1x16xf32> to vector<16xf32>
      %swap3A_112 = vector.shape_cast %broadcast_in_dim3A_12 : vector<16xf32> to vector<1x16xf32>
      tpu.vector_store %arg11[%swap3A_108, %swap3A_109], %swap3A_112 {strides = array<i32>} : memref<8x128xf32, #tpu.memory_space<vmem>>, vector<1x16xf32>,
      %swap3A_113 = arith.index_cast %scan3A_78 : i32 to index
      %swap3A_114 = arith.constant 112 : index
      %swap3A_115 = tpu.vector_load %arg11[%swap3A_113, %swap3A_114] {strides = array<i32>} : memref<8x128xf32, #tpu.memory_space<vmem>>, vector<1x16xf32>,
      %swap3A_116 = vector.shape_cast %swap3A_115 : vector<1x16xf32> to vector<16xf32>
      %swap3A_117 = vector.shape_cast %broadcast_in_dim3A_12 : vector<16xf32> to vector<1x16xf32>
      tpu.vector_store %arg11[%swap3A_113, %swap3A_114], %swap3A_117 {strides = array<i32>} : memref<8x128xf32, #tpu.memory_space<vmem>>, vector<1x16xf32>,
    }
    %scan3A_17 = arith.constant 8 : i32
    %scan3A_18 = arith.constant 0 : i32
    %scan3A_19 = arith.constant 0 : i32
    %scan3A_20 = arith.constant 65 : i32
    %scan3A_21 = arith.addi %scan3A_19, %scan3A_20 : i32
    %scan3A_22 = arith.constant 1 : i32
    scf.for %scan3A_78 = %scan3A_19 to %scan3A_21 step %scan3A_22  : i32 {
      %mul3A_79 = arith.constant 8 : i32
      %mul3A_80 = arith.muli %scan3A_78, %mul3A_79 : i32
      %add3A_81 = arith.addi %mul3A_2, %mul3A_80 : i32
      "tpu.region"() ({
        %run_scoped3A = tpu.sem_alloc : memref<!tpu.dma_semaphore, #tpu.memory_space<semaphore_mem>>
        %dma_start3A_82 = arith.constant 0 : i32
        %dma_start3A_83 = tpu.memref_slice %arg12[%add3A_81, %dma_start3A_82] : memref<10000x128xf32, #tpu.memory_space<vmem_shared>> -> memref<8x128xf32, #tpu.memory_space<vmem_shared>>
        %dma_start3A_84 = arith.constant 0 : i32
        %dma_start3A_85 = tpu.memref_slice %arg12[%add3A_81, %dma_start3A_84] : memref<10000x128xf32, #tpu.memory_space<vmem_shared>> -> memref<8x128xf32, #tpu.memory_space<vmem_shared>>
        tpu.enqueue_dma source(%arg11 : memref<8x128xf32, #tpu.memory_space<vmem>>) target(%dma_start3A_85 : memref<8x128xf32, #tpu.memory_space<vmem_shared>>) target_semaphore(%run_scoped3A : memref<!tpu.dma_semaphore, #tpu.memory_space<semaphore_mem>>)
        %dma_wait3A_86 = arith.constant 0 : i32
        %dma_wait3A_87 = tpu.memref_slice %arg12[%add3A_81, %dma_wait3A_86] : memref<10000x128xf32, #tpu.memory_space<vmem_shared>> -> memref<8x128xf32, #tpu.memory_space<vmem_shared>>
        %dma_wait3A_88 = arith.constant 0 : i32
        %dma_wait3A_89 = tpu.memref_slice %arg12[%add3A_81, %dma_wait3A_88] : memref<10000x128xf32, #tpu.memory_space<vmem_shared>> -> memref<8x128xf32, #tpu.memory_space<vmem_shared>>
        tpu.wait_dma2 semaphore(%run_scoped3A : memref<!tpu.dma_semaphore, #tpu.memory_space<semaphore_mem>>) src(%arg11 : memref<8x128xf32, #tpu.memory_space<vmem>>) dst(%dma_wait3A_89 : memref<8x128xf32, #tpu.memory_space<vmem_shared>>)
        tpu.yield
      }) : () -> ()
    }
    %scan3A_23 = arith.constant 65 : i32
    %lt3A = arith.constant 15 : i32
    %lt3A_24 = arith.cmpi slt, %arg1, %lt3A : i32
    %convert_element_type3A = arith.extui %lt3A_24 : i1 to i32
    %cond3A = arith.constant 0 : i32
    %cond3A_25 = arith.cmpi ne, %convert_element_type3A, %cond3A : i32
    scf.if %cond3A_25 {
      %scan3A_78 = arith.constant 0 : i32
      %scan3A_79 = arith.constant 0 : i32
      %scan3A_80 = arith.constant 14 : i32
      %scan3A_81 = arith.addi %scan3A_79, %scan3A_80 : i32
      %scan3A_82 = arith.constant 1 : i32
      scf.for %scan3A_84 = %scan3A_79 to %scan3A_81 step %scan3A_82  : i32 {
        %add3A_85 = arith.constant 520 : i32
        %add3A_86 = arith.addi %mul3A_2, %add3A_85 : i32
        %mul3A_87 = arith.constant 8 : i32
        %mul3A_88 = arith.muli %scan3A_84, %mul3A_87 : i32
        %add3A_89 = arith.addi %add3A_86, %mul3A_88 : i32
        "tpu.region"() ({
          %run_scoped3A = tpu.sem_alloc : memref<!tpu.dma_semaphore, #tpu.memory_space<semaphore_mem>>
          %dma_start3A_90 = arith.constant 0 : i32
          %dma_start3A_91 = tpu.memref_slice %arg12[%add3A_89, %dma_start3A_90] : memref<10000x128xf32, #tpu.memory_space<vmem_shared>> -> memref<8x128xf32, #tpu.memory_space<vmem_shared>>
          %dma_start3A_92 = arith.constant 0 : i32
          %dma_start3A_93 = tpu.memref_slice %arg12[%add3A_89, %dma_start3A_92] : memref<10000x128xf32, #tpu.memory_space<vmem_shared>> -> memref<8x128xf32, #tpu.memory_space<vmem_shared>>
          tpu.enqueue_dma source(%arg11 : memref<8x128xf32, #tpu.memory_space<vmem>>) target(%dma_start3A_93 : memref<8x128xf32, #tpu.memory_space<vmem_shared>>) target_semaphore(%run_scoped3A : memref<!tpu.dma_semaphore, #tpu.memory_space<semaphore_mem>>)
          %dma_wait3A_94 = arith.constant 0 : i32
          %dma_wait3A_95 = tpu.memref_slice %arg12[%add3A_89, %dma_wait3A_94] : memref<10000x128xf32, #tpu.memory_space<vmem_shared>> -> memref<8x128xf32, #tpu.memory_space<vmem_shared>>
          %dma_wait3A_96 = arith.constant 0 : i32
          %dma_wait3A_97 = tpu.memref_slice %arg12[%add3A_89, %dma_wait3A_96] : memref<10000x128xf32, #tpu.memory_space<vmem_shared>> -> memref<8x128xf32, #tpu.memory_space<vmem_shared>>
          tpu.wait_dma2 semaphore(%run_scoped3A : memref<!tpu.dma_semaphore, #tpu.memory_space<semaphore_mem>>) src(%arg11 : memref<8x128xf32, #tpu.memory_space<vmem>>) dst(%dma_wait3A_97 : memref<8x128xf32, #tpu.memory_space<vmem_shared>>)
          tpu.yield
        }) : () -> ()
      }
      %scan3A_83 = arith.constant 14 : i32
    } else {
    }
    %barrier3A = arith.constant 0 : index
    tpu.barrier barrier_id(%barrier3A)
    %dma_wait3A = arith.constant 0 : i32
    %dma_wait3A_26 = arith.constant 0 : i32
    %dma_wait3A_27 = tpu.memref_slice %arg3[%add3A, %dma_wait3A, %dma_wait3A_26] : memref<32x125x80xi32, #tpu.memory_space<hbm>> -> memref<1x125x80xi32, #tpu.memory_space<hbm>>
    %dma_wait3A_28 = tpu.memref_squeeze %dma_wait3A_27 : memref<1x125x80xi32, #tpu.memory_space<hbm>> -> memref<125x80xi32, #tpu.memory_space<hbm>>
    %dma_wait3A_29 = arith.constant 0 : i32
    %dma_wait3A_30 = arith.constant 0 : i32
    %dma_wait3A_31 = tpu.memref_slice %arg3[%add3A, %dma_wait3A_29, %dma_wait3A_30] : memref<32x125x80xi32, #tpu.memory_space<hbm>> -> memref<1x125x80xi32, #tpu.memory_space<hbm>>
    %dma_wait3A_32 = tpu.memref_squeeze %dma_wait3A_31 : memref<1x125x80xi32, #tpu.memory_space<hbm>> -> memref<125x80xi32, #tpu.memory_space<hbm>>
    tpu.wait_dma2 semaphore(%arg17 : memref<!tpu.dma_semaphore, #tpu.memory_space<semaphore_mem>>) src(%dma_wait3A_32 : memref<125x80xi32, #tpu.memory_space<hbm>>) dst(%arg6 : memref<125x80xi32, #tpu.memory_space<vmem>>)
    %dma_start3A_33 = arith.constant 0 : i32
    %dma_start3A_34 = arith.constant 0 : i32
    %dma_start3A_35 = tpu.memref_slice %arg6[%dma_start3A_33, %dma_start3A_34] : memref<125x80xi32, #tpu.memory_space<vmem>> -> memref<1x80xi32, #tpu.memory_space<vmem>>
    %dma_start3A_36 = tpu.memref_squeeze %dma_start3A_35 : memref<1x80xi32, #tpu.memory_space<vmem>> -> memref<80xi32, #tpu.memory_space<vmem>>
    %dma_start3A_37 = arith.constant 0 : i32
    %dma_start3A_38 = arith.constant 0 : i32
    %dma_start3A_39 = tpu.memref_slice %arg2[%dma_start3A_37, %dma_start3A_38] : memref<10000x128xf32, #tpu.memory_space<hbm>> -> memref<10000x128xf32, #tpu.memory_space<hbm>>
    tpu.enqueue_indirect_dma source(%dma_start3A_39 : memref<10000x128xf32, #tpu.memory_space<hbm>>) target(%arg9 : memref<80x128xf32, #tpu.memory_space<vmem>>) offsets(%dma_start3A_36 : memref<80xi32, #tpu.memory_space<vmem>>) semaphore(%arg13 : memref<!tpu.dma_semaphore, #tpu.memory_space<semaphore_mem>>)
    %add3A_40 = arith.constant 0 : i32
    %add3A_41 = arith.addi %mul3A_4, %add3A_40 : i32
    %dma_start3A_42 = tpu.memref_slice %arg4[%add3A_41] : memref<320000xi32, #tpu.memory_space<hbm>> -> memref<80xi32, #tpu.memory_space<hbm>>
    %dma_start3A_43 = tpu.memref_slice %arg4[%add3A_41] : memref<320000xi32, #tpu.memory_space<hbm>> -> memref<80xi32, #tpu.memory_space<hbm>>
    tpu.enqueue_dma source(%dma_start3A_43 : memref<80xi32, #tpu.memory_space<hbm>>) target(%arg7 : memref<80xi32, #tpu.memory_space<vmem>>) target_semaphore(%arg15 : memref<!tpu.dma_semaphore, #tpu.memory_space<semaphore_mem>>)
    %dma_start3A_44 = arith.constant 1 : i32
    %dma_start3A_45 = arith.constant 0 : i32
    %dma_start3A_46 = tpu.memref_slice %arg6[%dma_start3A_44, %dma_start3A_45] : memref<125x80xi32, #tpu.memory_space<vmem>> -> memref<1x80xi32, #tpu.memory_space<vmem>>
    %dma_start3A_47 = tpu.memref_squeeze %dma_start3A_46 : memref<1x80xi32, #tpu.memory_space<vmem>> -> memref<80xi32, #tpu.memory_space<vmem>>
    %dma_start3A_48 = arith.constant 0 : i32
    %dma_start3A_49 = arith.constant 0 : i32
    %dma_start3A_50 = tpu.memref_slice %arg2[%dma_start3A_48, %dma_start3A_49] : memref<10000x128xf32, #tpu.memory_space<hbm>> -> memref<10000x128xf32, #tpu.memory_space<hbm>>
    tpu.enqueue_indirect_dma source(%dma_start3A_50 : memref<10000x128xf32, #tpu.memory_space<hbm>>) target(%arg10 : memref<80x128xf32, #tpu.memory_space<vmem>>) offsets(%dma_start3A_47 : memref<80xi32, #tpu.memory_space<vmem>>) semaphore(%arg14 : memref<!tpu.dma_semaphore, #tpu.memory_space<semaphore_mem>>)
    %add3A_51 = arith.constant 80 : i32
    %add3A_52 = arith.addi %mul3A_4, %add3A_51 : i32
    %dma_start3A_53 = tpu.memref_slice %arg4[%add3A_52] : memref<320000xi32, #tpu.memory_space<hbm>> -> memref<80xi32, #tpu.memory_space<hbm>>
    %dma_start3A_54 = tpu.memref_slice %arg4[%add3A_52] : memref<320000xi32, #tpu.memory_space<hbm>> -> memref<80xi32, #tpu.memory_space<hbm>>
    tpu.enqueue_dma source(%dma_start3A_54 : memref<80xi32, #tpu.memory_space<hbm>>) target(%arg8 : memref<80xi32, #tpu.memory_space<vmem>>) target_semaphore(%arg16 : memref<!tpu.dma_semaphore, #tpu.memory_space<semaphore_mem>>)
    %scan3A_55 = arith.constant 0 : i32
    %scan3A_56 = arith.constant 0 : i32
    %scan3A_57 = arith.constant 62 : i32
    %scan3A_58 = arith.addi %scan3A_56, %scan3A_57 : i32
    %scan3A_59 = arith.constant 1 : i32
    scf.for %scan3A_78 = %scan3A_56 to %scan3A_58 step %scan3A_59  : i32 {
      %mul3A_79 = arith.constant 2 : i32
      %mul3A_80 = arith.muli %mul3A_79, %scan3A_78 : i32
      %add3A_81 = arith.constant 0 : i32
      %add3A_82 = arith.addi %mul3A_80, %add3A_81 : i32
      %dma_wait3A_83 = arith.constant 0 : i32
      %dma_wait3A_84 = tpu.memref_slice %arg6[%add3A_82, %dma_wait3A_83] : memref<125x80xi32, #tpu.memory_space<vmem>> -> memref<1x80xi32, #tpu.memory_space<vmem>>
      %dma_wait3A_85 = tpu.memref_squeeze %dma_wait3A_84 : memref<1x80xi32, #tpu.memory_space<vmem>> -> memref<80xi32, #tpu.memory_space<vmem>>
      %dma_wait3A_86 = arith.constant 0 : i32
      %dma_wait3A_87 = arith.constant 0 : i32
      %dma_wait3A_88 = tpu.memref_slice %arg2[%dma_wait3A_86, %dma_wait3A_87] : memref<10000x128xf32, #tpu.memory_space<hbm>> -> memref<10000x128xf32, #tpu.memory_space<hbm>>
      tpu.wait_indirect_dma semaphore(%arg13 : memref<!tpu.dma_semaphore, #tpu.memory_space<semaphore_mem>>) src(%dma_wait3A_88 : memref<10000x128xf32, #tpu.memory_space<hbm>>) dst(%arg9 : memref<80x128xf32, #tpu.memory_space<vmem>>)
      %mul3A_89 = arith.constant 80 : i32
      %mul3A_90 = arith.muli %add3A_82, %mul3A_89 : i32
      %add3A_91 = arith.addi %mul3A_4, %mul3A_90 : i32
      %dma_wait3A_92 = tpu.memref_slice %arg4[%add3A_91] : memref<320000xi32, #tpu.memory_space<hbm>> -> memref<80xi32, #tpu.memory_space<hbm>>
      %dma_wait3A_93 = tpu.memref_slice %arg4[%add3A_91] : memref<320000xi32, #tpu.memory_space<hbm>> -> memref<80xi32, #tpu.memory_space<hbm>>
      tpu.wait_dma2 semaphore(%arg15 : memref<!tpu.dma_semaphore, #tpu.memory_space<semaphore_mem>>) src(%dma_wait3A_93 : memref<80xi32, #tpu.memory_space<hbm>>) dst(%arg7 : memref<80xi32, #tpu.memory_space<vmem>>)
      "tpu.region"() ({
        %run_scoped3A = tpu.sem_alloc : memref<!tpu.dma_semaphore, #tpu.memory_space<semaphore_mem>>
        %dma_start3A_123 = arith.constant 0 : i32
        %dma_start3A_124 = arith.constant 0 : i32
        %dma_start3A_125 = tpu.memref_slice %arg12[%dma_start3A_123, %dma_start3A_124] : memref<10000x128xf32, #tpu.memory_space<vmem_shared>> -> memref<10000x128xf32, #tpu.memory_space<vmem_shared>>
        tpu.enqueue_indirect_dma source(%arg9 : memref<80x128xf32, #tpu.memory_space<vmem>>) target(%dma_start3A_125 : memref<10000x128xf32, #tpu.memory_space<vmem_shared>>) offsets(%arg7 : memref<80xi32, #tpu.memory_space<vmem>>) semaphore(%run_scoped3A : memref<!tpu.dma_semaphore, #tpu.memory_space<semaphore_mem>>) {add = true}
        %dma_wait3A_126 = arith.constant 0 : i32
        %dma_wait3A_127 = arith.constant 0 : i32
        %dma_wait3A_128 = tpu.memref_slice %arg12[%dma_wait3A_126, %dma_wait3A_127] : memref<10000x128xf32, #tpu.memory_space<vmem_shared>> -> memref<10000x128xf32, #tpu.memory_space<vmem_shared>>
        tpu.wait_indirect_dma semaphore(%run_scoped3A : memref<!tpu.dma_semaphore, #tpu.memory_space<semaphore_mem>>) src(%arg9 : memref<80x128xf32, #tpu.memory_space<vmem>>) dst(%dma_wait3A_128 : memref<10000x128xf32, #tpu.memory_space<vmem_shared>>)
        tpu.yield
      }) : () -> ()
      %add3A_94 = arith.constant 2 : i32
      %add3A_95 = arith.addi %add3A_82, %add3A_94 : i32
      %lt3A_96 = arith.constant 125 : i32
      %lt3A_97 = arith.cmpi slt, %add3A_95, %lt3A_96 : i32
      %convert_element_type3A_98 = arith.extui %lt3A_97 : i1 to i32
      %cond3A_99 = arith.constant 0 : i32
      %cond3A_100 = arith.cmpi ne, %convert_element_type3A_98, %cond3A_99 : i32
      scf.if %cond3A_100 {
        %add3A_123 = arith.constant 2 : i32
        %add3A_124 = arith.addi %add3A_82, %add3A_123 : i32
        %dma_start3A_125 = arith.constant 0 : i32
        %dma_start3A_126 = tpu.memref_slice %arg6[%add3A_124, %dma_start3A_125] : memref<125x80xi32, #tpu.memory_space<vmem>> -> memref<1x80xi32, #tpu.memory_space<vmem>>
        %dma_start3A_127 = tpu.memref_squeeze %dma_start3A_126 : memref<1x80xi32, #tpu.memory_space<vmem>> -> memref<80xi32, #tpu.memory_space<vmem>>
        %dma_start3A_128 = arith.constant 0 : i32
        %dma_start3A_129 = arith.constant 0 : i32
        %dma_start3A_130 = tpu.memref_slice %arg2[%dma_start3A_128, %dma_start3A_129] : memref<10000x128xf32, #tpu.memory_space<hbm>> -> memref<10000x128xf32, #tpu.memory_space<hbm>>
        tpu.enqueue_indirect_dma source(%dma_start3A_130 : memref<10000x128xf32, #tpu.memory_space<hbm>>) target(%arg9 : memref<80x128xf32, #tpu.memory_space<vmem>>) offsets(%dma_start3A_127 : memref<80xi32, #tpu.memory_space<vmem>>) semaphore(%arg13 : memref<!tpu.dma_semaphore, #tpu.memory_space<semaphore_mem>>)
        %add3A_131 = arith.constant 2 : i32
        %add3A_132 = arith.addi %add3A_82, %add3A_131 : i32
        %mul3A_133 = arith.constant 80 : i32
        %mul3A_134 = arith.muli %add3A_132, %mul3A_133 : i32
        %add3A_135 = arith.addi %mul3A_4, %mul3A_134 : i32
        %dma_start3A_136 = tpu.memref_slice %arg4[%add3A_135] : memref<320000xi32, #tpu.memory_space<hbm>> -> memref<80xi32, #tpu.memory_space<hbm>>
        %dma_start3A_137 = tpu.memref_slice %arg4[%add3A_135] : memref<320000xi32, #tpu.memory_space<hbm>> -> memref<80xi32, #tpu.memory_space<hbm>>
        tpu.enqueue_dma source(%dma_start3A_137 : memref<80xi32, #tpu.memory_space<hbm>>) target(%arg7 : memref<80xi32, #tpu.memory_space<vmem>>) target_semaphore(%arg15 : memref<!tpu.dma_semaphore, #tpu.memory_space<semaphore_mem>>)
      } else {
      }
      %mul3A_101 = arith.constant 2 : i32
      %mul3A_102 = arith.muli %mul3A_101, %scan3A_78 : i32
      %add3A_103 = arith.constant 1 : i32
      %add3A_104 = arith.addi %mul3A_102, %add3A_103 : i32
      %dma_wait3A_105 = arith.constant 0 : i32
      %dma_wait3A_106 = tpu.memref_slice %arg6[%add3A_104, %dma_wait3A_105] : memref<125x80xi32, #tpu.memory_space<vmem>> -> memref<1x80xi32, #tpu.memory_space<vmem>>
      %dma_wait3A_107 = tpu.memref_squeeze %dma_wait3A_106 : memref<1x80xi32, #tpu.memory_space<vmem>> -> memref<80xi32, #tpu.memory_space<vmem>>
      %dma_wait3A_108 = arith.constant 0 : i32
      %dma_wait3A_109 = arith.constant 0 : i32
      %dma_wait3A_110 = tpu.memref_slice %arg2[%dma_wait3A_108, %dma_wait3A_109] : memref<10000x128xf32, #tpu.memory_space<hbm>> -> memref<10000x128xf32, #tpu.memory_space<hbm>>
      tpu.wait_indirect_dma semaphore(%arg14 : memref<!tpu.dma_semaphore, #tpu.memory_space<semaphore_mem>>) src(%dma_wait3A_110 : memref<10000x128xf32, #tpu.memory_space<hbm>>) dst(%arg10 : memref<80x128xf32, #tpu.memory_space<vmem>>)
      %mul3A_111 = arith.constant 80 : i32
      %mul3A_112 = arith.muli %add3A_104, %mul3A_111 : i32
      %add3A_113 = arith.addi %mul3A_4, %mul3A_112 : i32
      %dma_wait3A_114 = tpu.memref_slice %arg4[%add3A_113] : memref<320000xi32, #tpu.memory_space<hbm>> -> memref<80xi32, #tpu.memory_space<hbm>>
      %dma_wait3A_115 = tpu.memref_slice %arg4[%add3A_113] : memref<320000xi32, #tpu.memory_space<hbm>> -> memref<80xi32, #tpu.memory_space<hbm>>
      tpu.wait_dma2 semaphore(%arg16 : memref<!tpu.dma_semaphore, #tpu.memory_space<semaphore_mem>>) src(%dma_wait3A_115 : memref<80xi32, #tpu.memory_space<hbm>>) dst(%arg8 : memref<80xi32, #tpu.memory_space<vmem>>)
      "tpu.region"() ({
        %run_scoped3A = tpu.sem_alloc : memref<!tpu.dma_semaphore, #tpu.memory_space<semaphore_mem>>
        %dma_start3A_123 = arith.constant 0 : i32
        %dma_start3A_124 = arith.constant 0 : i32
        %dma_start3A_125 = tpu.memref_slice %arg12[%dma_start3A_123, %dma_start3A_124] : memref<10000x128xf32, #tpu.memory_space<vmem_shared>> -> memref<10000x128xf32, #tpu.memory_space<vmem_shared>>
        tpu.enqueue_indirect_dma source(%arg10 : memref<80x128xf32, #tpu.memory_space<vmem>>) target(%dma_start3A_125 : memref<10000x128xf32, #tpu.memory_space<vmem_shared>>) offsets(%arg8 : memref<80xi32, #tpu.memory_space<vmem>>) semaphore(%run_scoped3A : memref<!tpu.dma_semaphore, #tpu.memory_space<semaphore_mem>>) {add = true}
        %dma_wait3A_126 = arith.constant 0 : i32
        %dma_wait3A_127 = arith.constant 0 : i32
        %dma_wait3A_128 = tpu.memref_slice %arg12[%dma_wait3A_126, %dma_wait3A_127] : memref<10000x128xf32, #tpu.memory_space<vmem_shared>> -> memref<10000x128xf32, #tpu.memory_space<vmem_shared>>
        tpu.wait_indirect_dma semaphore(%run_scoped3A : memref<!tpu.dma_semaphore, #tpu.memory_space<semaphore_mem>>) src(%arg10 : memref<80x128xf32, #tpu.memory_space<vmem>>) dst(%dma_wait3A_128 : memref<10000x128xf32, #tpu.memory_space<vmem_shared>>)
        tpu.yield
      }) : () -> ()
      %add3A_116 = arith.constant 2 : i32
      %add3A_117 = arith.addi %add3A_104, %add3A_116 : i32
      %lt3A_118 = arith.constant 125 : i32
      %lt3A_119 = arith.cmpi slt, %add3A_117, %lt3A_118 : i32
      %convert_element_type3A_120 = arith.extui %lt3A_119 : i1 to i32
      %cond3A_121 = arith.constant 0 : i32
      %cond3A_122 = arith.cmpi ne, %convert_element_type3A_120, %cond3A_121 : i32
      scf.if %cond3A_122 {
        %add3A_123 = arith.constant 2 : i32
        %add3A_124 = arith.addi %add3A_104, %add3A_123 : i32
        %dma_start3A_125 = arith.constant 0 : i32
        %dma_start3A_126 = tpu.memref_slice %arg6[%add3A_124, %dma_start3A_125] : memref<125x80xi32, #tpu.memory_space<vmem>> -> memref<1x80xi32, #tpu.memory_space<vmem>>
        %dma_start3A_127 = tpu.memref_squeeze %dma_start3A_126 : memref<1x80xi32, #tpu.memory_space<vmem>> -> memref<80xi32, #tpu.memory_space<vmem>>
        %dma_start3A_128 = arith.constant 0 : i32
        %dma_start3A_129 = arith.constant 0 : i32
        %dma_start3A_130 = tpu.memref_slice %arg2[%dma_start3A_128, %dma_start3A_129] : memref<10000x128xf32, #tpu.memory_space<hbm>> -> memref<10000x128xf32, #tpu.memory_space<hbm>>
        tpu.enqueue_indirect_dma source(%dma_start3A_130 : memref<10000x128xf32, #tpu.memory_space<hbm>>) target(%arg10 : memref<80x128xf32, #tpu.memory_space<vmem>>) offsets(%dma_start3A_127 : memref<80xi32, #tpu.memory_space<vmem>>) semaphore(%arg14 : memref<!tpu.dma_semaphore, #tpu.memory_space<semaphore_mem>>)
        %add3A_131 = arith.constant 2 : i32
        %add3A_132 = arith.addi %add3A_104, %add3A_131 : i32
        %mul3A_133 = arith.constant 80 : i32
        %mul3A_134 = arith.muli %add3A_132, %mul3A_133 : i32
        %add3A_135 = arith.addi %mul3A_4, %mul3A_134 : i32
        %dma_start3A_136 = tpu.memref_slice %arg4[%add3A_135] : memref<320000xi32, #tpu.memory_space<hbm>> -> memref<80xi32, #tpu.memory_space<hbm>>
        %dma_start3A_137 = tpu.memref_slice %arg4[%add3A_135] : memref<320000xi32, #tpu.memory_space<hbm>> -> memref<80xi32, #tpu.memory_space<hbm>>
        tpu.enqueue_dma source(%dma_start3A_137 : memref<80xi32, #tpu.memory_space<hbm>>) target(%arg8 : memref<80xi32, #tpu.memory_space<vmem>>) target_semaphore(%arg16 : memref<!tpu.dma_semaphore, #tpu.memory_space<semaphore_mem>>)
      } else {
      }
    }
    %scan3A_60 = arith.constant 62 : i32
    %dma_wait3A_61 = arith.constant 124 : i32
    %dma_wait3A_62 = arith.constant 0 : i32
    %dma_wait3A_63 = tpu.memref_slice %arg6[%dma_wait3A_61, %dma_wait3A_62] : memref<125x80xi32, #tpu.memory_space<vmem>> -> memref<1x80xi32, #tpu.memory_space<vmem>>
    %dma_wait3A_64 = tpu.memref_squeeze %dma_wait3A_63 : memref<1x80xi32, #tpu.memory_space<vmem>> -> memref<80xi32, #tpu.memory_space<vmem>>
    %dma_wait3A_65 = arith.constant 0 : i32
    %dma_wait3A_66 = arith.constant 0 : i32
    %dma_wait3A_67 = tpu.memref_slice %arg2[%dma_wait3A_65, %dma_wait3A_66] : memref<10000x128xf32, #tpu.memory_space<hbm>> -> memref<10000x128xf32, #tpu.memory_space<hbm>>
    tpu.wait_indirect_dma semaphore(%arg13 : memref<!tpu.dma_semaphore, #tpu.memory_space<semaphore_mem>>) src(%dma_wait3A_67 : memref<10000x128xf32, #tpu.memory_space<hbm>>) dst(%arg9 : memref<80x128xf32, #tpu.memory_space<vmem>>)
    %add3A_68 = arith.constant 9920 : i32
    %add3A_69 = arith.addi %mul3A_4, %add3A_68 : i32
    %dma_wait3A_70 = tpu.memref_slice %arg4[%add3A_69] : memref<320000xi32, #tpu.memory_space<hbm>> -> memref<80xi32, #tpu.memory_space<hbm>>
    %dma_wait3A_71 = tpu.memref_slice %arg4[%add3A_69] : memref<320000xi32, #tpu.memory_space<hbm>> -> memref<80xi32, #tpu.memory_space<hbm>>
    tpu.wait_dma2 semaphore(%arg15 : memref<!tpu.dma_semaphore, #tpu.memory_space<semaphore_mem>>) src(%dma_wait3A_71 : memref<80xi32, #tpu.memory_space<hbm>>) dst(%arg7 : memref<80xi32, #tpu.memory_space<vmem>>)
    "tpu.region"() ({
      %run_scoped3A = tpu.sem_alloc : memref<!tpu.dma_semaphore, #tpu.memory_space<semaphore_mem>>
      %dma_start3A_78 = arith.constant 0 : i32
      %dma_start3A_79 = arith.constant 0 : i32
      %dma_start3A_80 = tpu.memref_slice %arg12[%dma_start3A_78, %dma_start3A_79] : memref<10000x128xf32, #tpu.memory_space<vmem_shared>> -> memref<10000x128xf32, #tpu.memory_space<vmem_shared>>
      tpu.enqueue_indirect_dma source(%arg9 : memref<80x128xf32, #tpu.memory_space<vmem>>) target(%dma_start3A_80 : memref<10000x128xf32, #tpu.memory_space<vmem_shared>>) offsets(%arg7 : memref<80xi32, #tpu.memory_space<vmem>>) semaphore(%run_scoped3A : memref<!tpu.dma_semaphore, #tpu.memory_space<semaphore_mem>>) {add = true}
      %dma_wait3A_81 = arith.constant 0 : i32
      %dma_wait3A_82 = arith.constant 0 : i32
      %dma_wait3A_83 = tpu.memref_slice %arg12[%dma_wait3A_81, %dma_wait3A_82] : memref<10000x128xf32, #tpu.memory_space<vmem_shared>> -> memref<10000x128xf32, #tpu.memory_space<vmem_shared>>
      tpu.wait_indirect_dma semaphore(%run_scoped3A : memref<!tpu.dma_semaphore, #tpu.memory_space<semaphore_mem>>) src(%arg9 : memref<80x128xf32, #tpu.memory_space<vmem>>) dst(%dma_wait3A_83 : memref<10000x128xf32, #tpu.memory_space<vmem_shared>>)
      tpu.yield
    }) : () -> ()
    %barrier3A_72 = arith.constant 0 : index
    tpu.barrier barrier_id(%barrier3A_72)
    "tpu.region"() ({
      %run_scoped3A = tpu.sem_alloc : memref<!tpu.dma_semaphore, #tpu.memory_space<semaphore_mem>>
      %dma_start3A_78 = arith.constant 0 : i32
      %dma_start3A_79 = tpu.memref_slice %arg5[%arg0, %mul3A_2, %dma_start3A_78] : memref<2x10000x128xf32, #tpu.memory_space<hbm>> -> memref<1x520x128xf32, #tpu.memory_space<hbm>>
      %dma_start3A_80 = tpu.memref_squeeze %dma_start3A_79 : memref<1x520x128xf32, #tpu.memory_space<hbm>> -> memref<520x128xf32, #tpu.memory_space<hbm>>
      %dma_start3A_81 = arith.constant 0 : i32
      %dma_start3A_82 = tpu.memref_slice %arg12[%mul3A_2, %dma_start3A_81] : memref<10000x128xf32, #tpu.memory_space<vmem_shared>> -> memref<520x128xf32, #tpu.memory_space<vmem_shared>>
      tpu.enqueue_dma source(%dma_start3A_82 : memref<520x128xf32, #tpu.memory_space<vmem_shared>>) target(%dma_start3A_80 : memref<520x128xf32, #tpu.memory_space<hbm>>) target_semaphore(%run_scoped3A : memref<!tpu.dma_semaphore, #tpu.memory_space<semaphore_mem>>)
      %dma_wait3A_83 = arith.constant 0 : i32
      %dma_wait3A_84 = tpu.memref_slice %arg5[%arg0, %mul3A_2, %dma_wait3A_83] : memref<2x10000x128xf32, #tpu.memory_space<hbm>> -> memref<1x520x128xf32, #tpu.memory_space<hbm>>
      %dma_wait3A_85 = tpu.memref_squeeze %dma_wait3A_84 : memref<1x520x128xf32, #tpu.memory_space<hbm>> -> memref<520x128xf32, #tpu.memory_space<hbm>>
      %dma_wait3A_86 = arith.constant 0 : i32
      %dma_wait3A_87 = tpu.memref_slice %arg12[%mul3A_2, %dma_wait3A_86] : memref<10000x128xf32, #tpu.memory_space<vmem_shared>> -> memref<520x128xf32, #tpu.memory_space<vmem_shared>>
      tpu.wait_dma2 semaphore(%run_scoped3A : memref<!tpu.dma_semaphore, #tpu.memory_space<semaphore_mem>>) src(%dma_wait3A_87 : memref<520x128xf32, #tpu.memory_space<vmem_shared>>) dst(%dma_wait3A_85 : memref<520x128xf32, #tpu.memory_space<hbm>>)
      tpu.yield
    }) : () -> ()
    %lt3A_73 = arith.constant 15 : i32
    %lt3A_74 = arith.cmpi slt, %arg1, %lt3A_73 : i32
    %convert_element_type3A_75 = arith.extui %lt3A_74 : i1 to i32
    %cond3A_76 = arith.constant 0 : i32
    %cond3A_77 = arith.cmpi ne, %convert_element_type3A_75, %cond3A_76 : i32
    scf.if %cond3A_77 {
      %add3A_78 = arith.constant 520 : i32
      %add3A_79 = arith.addi %mul3A_2, %add3A_78 : i32
      %add3A_80 = arith.constant 520 : i32
      %add3A_81 = arith.addi %mul3A_2, %add3A_80 : i32
      "tpu.region"() ({
        %run_scoped3A = tpu.sem_alloc : memref<!tpu.dma_semaphore, #tpu.memory_space<semaphore_mem>>
        %dma_start3A_82 = arith.constant 0 : i32
        %dma_start3A_83 = tpu.memref_slice %arg5[%arg0, %add3A_81, %dma_start3A_82] : memref<2x10000x128xf32, #tpu.memory_space<hbm>> -> memref<1x112x128xf32, #tpu.memory_space<hbm>>
        %dma_start3A_84 = tpu.memref_squeeze %dma_start3A_83 : memref<1x112x128xf32, #tpu.memory_space<hbm>> -> memref<112x128xf32, #tpu.memory_space<hbm>>
        %dma_start3A_85 = arith.constant 0 : i32
        %dma_start3A_86 = tpu.memref_slice %arg12[%add3A_79, %dma_start3A_85] : memref<10000x128xf32, #tpu.memory_space<vmem_shared>> -> memref<112x128xf32, #tpu.memory_space<vmem_shared>>
        tpu.enqueue_dma source(%dma_start3A_86 : memref<112x128xf32, #tpu.memory_space<vmem_shared>>) target(%dma_start3A_84 : memref<112x128xf32, #tpu.memory_space<hbm>>) target_semaphore(%run_scoped3A : memref<!tpu.dma_semaphore, #tpu.memory_space<semaphore_mem>>)
        %dma_wait3A_87 = arith.constant 0 : i32
        %dma_wait3A_88 = tpu.memref_slice %arg5[%arg0, %add3A_81, %dma_wait3A_87] : memref<2x10000x128xf32, #tpu.memory_space<hbm>> -> memref<1x112x128xf32, #tpu.memory_space<hbm>>
        %dma_wait3A_89 = tpu.memref_squeeze %dma_wait3A_88 : memref<1x112x128xf32, #tpu.memory_space<hbm>> -> memref<112x128xf32, #tpu.memory_space<hbm>>
        %dma_wait3A_90 = arith.constant 0 : i32
        %dma_wait3A_91 = tpu.memref_slice %arg12[%add3A_79, %dma_wait3A_90] : memref<10000x128xf32, #tpu.memory_space<vmem_shared>> -> memref<112x128xf32, #tpu.memory_space<vmem_shared>>
        tpu.wait_dma2 semaphore(%run_scoped3A : memref<!tpu.dma_semaphore, #tpu.memory_space<semaphore_mem>>) src(%dma_wait3A_91 : memref<112x128xf32, #tpu.memory_space<vmem_shared>>) dst(%dma_wait3A_89 : memref<112x128xf32, #tpu.memory_space<hbm>>)
        tpu.yield
      }) : () -> ()
    } else {
    }
    return
  }
}

module attributes {stable_mosaic.version = 14 : i64} {
  func.func @_prologue_body(%arg0: i32, %arg1: memref<1000x128xf32, #tpu.memory_space<vmem>>, %arg2: memref<128x128xf32, #tpu.memory_space<vmem>>, %arg3: memref<1x128xf32, #tpu.memory_space<vmem>>, %arg4: memref<128x128xf32, #tpu.memory_space<vmem>>, %arg5: memref<2x1000x128xf32, #tpu.memory_space<vmem>>, %arg6: memref<1000x128xf32, #tpu.memory_space<vmem>>, %arg7: memref<1000x1xf32, #tpu.memory_space<vmem>>) attributes {dimension_semantics = [#tpu.dimension_semantics<arbitrary>], iteration_bounds = array<i64: 10>, scalar_prefetch = 0 : i64, scratch_operands = 0 : i64, tpu.core_type = #tpu.core_type<tc>, window_params = [{transform_indices = @transform_0, window_bounds = array<i64: 1000, 128>}, {pipeline_mode = #tpu.pipeline_mode<synchronous>, transform_indices = @transform_1, window_bounds = array<i64: 128, 128>}, {pipeline_mode = #tpu.pipeline_mode<synchronous>, transform_indices = @transform_2, window_bounds = array<i64: 1, 128>}, {pipeline_mode = #tpu.pipeline_mode<synchronous>, transform_indices = @transform_3, window_bounds = array<i64: 128, 128>}, {transform_indices = @transform_4, window_bounds = array<i64: 2, 1000, 128>}, {transform_indices = @transform_5, window_bounds = array<i64: 1000, 128>}, {transform_indices = @transform_6, window_bounds = array<i64: 1000, 1>}]} {
    %get3A = arith.constant 0 : index
    %get3A_0 = arith.constant 0 : index
    %get3A_1 = vector.load %arg1[%get3A, %get3A_0] : memref<1000x128xf32, #tpu.memory_space<vmem>>, vector<1000x128xf32>
    %get3A_2 = arith.constant 0 : index
    %get3A_3 = arith.constant 0 : index
    %get3A_4 = vector.load %arg2[%get3A_2, %get3A_3] : memref<128x128xf32, #tpu.memory_space<vmem>>, vector<128x128xf32>
    %dot_general3A = arith.constant dense<0.000000e+00> : vector<1000x128xf32>
    %dot_general3A_5 = tpu.matmul %get3A_1, %get3A_4, %dot_general3A {dimension_numbers = #tpu.dot_dimension_numbers<[1], [0], [0], [1], [0, 0, 1, 1], [], []>, transpose_lhs_hint = false} : vector<1000x128xf32>, vector<128x128xf32>, vector<1000x128xf32> -> vector<1000x128xf32>
    %get3A_6 = arith.constant 0 : index
    %get3A_7 = arith.constant 0 : index
    %get3A_8 = vector.load %arg3[%get3A_6, %get3A_7] : memref<1x128xf32, #tpu.memory_space<vmem>>, vector<1x128xf32>
    %add3A = vector.broadcast %get3A_8 : vector<1x128xf32> to vector<1000x128xf32>
    %add3A_9 = arith.addf %dot_general3A_5, %add3A : vector<1000x128xf32>
    %get3A_10 = arith.constant 0 : index
    %get3A_11 = arith.constant 0 : index
    %get3A_12 = arith.constant 0 : index
    %get3A_13 = vector.load %arg5[%get3A_10, %get3A_11, %get3A_12] : memref<2x1000x128xf32, #tpu.memory_space<vmem>>, vector<1x1000x128xf32>
    %get3A_14 = vector.shape_cast %get3A_13 : vector<1x1000x128xf32> to vector<1000x128xf32>
    %get3A_15 = arith.constant 1 : index
    %get3A_16 = arith.constant 0 : index
    %get3A_17 = arith.constant 0 : index
    %get3A_18 = vector.load %arg5[%get3A_15, %get3A_16, %get3A_17] : memref<2x1000x128xf32, #tpu.memory_space<vmem>>, vector<1x1000x128xf32>
    %get3A_19 = vector.shape_cast %get3A_18 : vector<1x1000x128xf32> to vector<1000x128xf32>
    %add3A_20 = arith.addf %get3A_14, %get3A_19 : vector<1000x128xf32>
    %slice3A = vector.extract_strided_slice %add3A_20 {offsets = [0, 0], sizes = [1000, 1], strides = [1, 1]} : vector<1000x128xf32> to vector<1000x1xf32>
    %add3A_21 = arith.constant 1.000000e+00 : f32
    %add3A_22 = vector.broadcast %add3A_21 : f32 to vector<1000x1xf32>
    %add3A_23 = arith.addf %slice3A, %add3A_22 : vector<1000x1xf32>
    %rsqrt3A = math.rsqrt %add3A_23 : vector<1000x1xf32>
    %get3A_24 = arith.constant 0 : index
    %get3A_25 = arith.constant 0 : index
    %get3A_26 = vector.load %arg4[%get3A_24, %get3A_25] : memref<128x128xf32, #tpu.memory_space<vmem>>, vector<128x128xf32>
    %dot_general3A_27 = arith.constant dense<0.000000e+00> : vector<1000x128xf32>
    %dot_general3A_28 = tpu.matmul %add3A_9, %get3A_26, %dot_general3A_27 {dimension_numbers = #tpu.dot_dimension_numbers<[1], [0], [0], [1], [0, 0, 1, 1], [], []>, transpose_lhs_hint = false} : vector<1000x128xf32>, vector<128x128xf32>, vector<1000x128xf32> -> vector<1000x128xf32>
    %mul3A = vector.broadcast %rsqrt3A : vector<1000x1xf32> to vector<1000x128xf32>
    %mul3A_29 = arith.mulf %dot_general3A_28, %mul3A : vector<1000x128xf32>
    %swap3A = arith.constant 0 : index
    %swap3A_30 = arith.constant 0 : index
    %swap3A_31 = vector.load %arg6[%swap3A, %swap3A_30] : memref<1000x128xf32, #tpu.memory_space<vmem>>, vector<1000x128xf32>
    tpu.vector_store %arg6[%swap3A, %swap3A_30], %mul3A_29 {strides = array<i32>} : memref<1000x128xf32, #tpu.memory_space<vmem>>, vector<1000x128xf32>,
    %swap3A_32 = arith.constant 0 : index
    %swap3A_33 = arith.constant 0 : index
    %swap3A_34 = vector.load %arg7[%swap3A_32, %swap3A_33] : memref<1000x1xf32, #tpu.memory_space<vmem>>, vector<1000x1xf32>
    tpu.vector_store %arg7[%swap3A_32, %swap3A_33], %rsqrt3A {strides = array<i32>} : memref<1000x1xf32, #tpu.memory_space<vmem>>, vector<1000x1xf32>,
    return
  }
  func.func @transform_0(%arg0: i32) -> (i32, i32) {
    %c0_i32 = arith.constant 0 : i32
    %c0_i32_0 = arith.constant 0 : i32
    return %arg0, %c0_i32 : i32, i32
  }
  func.func @transform_1(%arg0: i32) -> (i32, i32) {
    %c0_i32 = arith.constant 0 : i32
    %c0_i32_0 = arith.constant 0 : i32
    %c0_i32_1 = arith.constant 0 : i32
    return %c0_i32, %c0_i32_0 : i32, i32
  }
  func.func @transform_2(%arg0: i32) -> (i32, i32) {
    %c0_i32 = arith.constant 0 : i32
    %c0_i32_0 = arith.constant 0 : i32
    %c0_i32_1 = arith.constant 0 : i32
    return %c0_i32, %c0_i32_0 : i32, i32
  }
  func.func @transform_3(%arg0: i32) -> (i32, i32) {
    %c0_i32 = arith.constant 0 : i32
    %c0_i32_0 = arith.constant 0 : i32
    %c0_i32_1 = arith.constant 0 : i32
    return %c0_i32, %c0_i32_0 : i32, i32
  }
  func.func @transform_4(%arg0: i32) -> (i32, i32, i32) {
    %c0_i32 = arith.constant 0 : i32
    %c0_i32_0 = arith.constant 0 : i32
    %c0_i32_1 = arith.constant 0 : i32
    return %c0_i32, %arg0, %c0_i32_0 : i32, i32, i32
  }
  func.func @transform_5(%arg0: i32) -> (i32, i32) {
    %c0_i32 = arith.constant 0 : i32
    %c0_i32_0 = arith.constant 0 : i32
    return %arg0, %c0_i32 : i32, i32
  }
  func.func @transform_6(%arg0: i32) -> (i32, i32) {
    %c0_i32 = arith.constant 0 : i32
    %c0_i32_0 = arith.constant 0 : i32
    return %arg0, %c0_i32 : i32, i32
  }
}

module attributes {stable_mosaic.version = 14 : i64} {
  func.func @_mid_body(%arg0: i32, %arg1: memref<2x1000x128xf32, #tpu.memory_space<vmem>>, %arg2: memref<1000x128xf32, #tpu.memory_space<vmem>>, %arg3: memref<1000x1xf32, #tpu.memory_space<vmem>>, %arg4: memref<1x128xf32, #tpu.memory_space<vmem>>, %arg5: memref<128x128xf32, #tpu.memory_space<vmem>>, %arg6: memref<1000x128xf32, #tpu.memory_space<vmem>>) attributes {dimension_semantics = [#tpu.dimension_semantics<arbitrary>], iteration_bounds = array<i64: 10>, scalar_prefetch = 0 : i64, scratch_operands = 0 : i64, tpu.core_type = #tpu.core_type<tc>, window_params = [{transform_indices = @transform_0, window_bounds = array<i64: 2, 1000, 128>}, {transform_indices = @transform_1, window_bounds = array<i64: 1000, 128>}, {transform_indices = @transform_2, window_bounds = array<i64: 1000, 1>}, {pipeline_mode = #tpu.pipeline_mode<synchronous>, transform_indices = @transform_3, window_bounds = array<i64: 1, 128>}, {pipeline_mode = #tpu.pipeline_mode<synchronous>, transform_indices = @transform_4, window_bounds = array<i64: 128, 128>}, {transform_indices = @transform_5, window_bounds = array<i64: 1000, 128>}]} {
    %get3A = arith.constant 0 : index
    %get3A_0 = arith.constant 0 : index
    %get3A_1 = vector.load %arg3[%get3A, %get3A_0] : memref<1000x1xf32, #tpu.memory_space<vmem>>, vector<1000x1xf32>
    %get3A_2 = arith.constant 0 : index
    %get3A_3 = arith.constant 0 : index
    %get3A_4 = arith.constant 0 : index
    %get3A_5 = vector.load %arg1[%get3A_2, %get3A_3, %get3A_4] : memref<2x1000x128xf32, #tpu.memory_space<vmem>>, vector<1x1000x128xf32>
    %get3A_6 = vector.shape_cast %get3A_5 : vector<1x1000x128xf32> to vector<1000x128xf32>
    %get3A_7 = arith.constant 1 : index
    %get3A_8 = arith.constant 0 : index
    %get3A_9 = arith.constant 0 : index
    %get3A_10 = vector.load %arg1[%get3A_7, %get3A_8, %get3A_9] : memref<2x1000x128xf32, #tpu.memory_space<vmem>>, vector<1x1000x128xf32>
    %get3A_11 = vector.shape_cast %get3A_10 : vector<1x1000x128xf32> to vector<1000x128xf32>
    %add3A = arith.addf %get3A_6, %get3A_11 : vector<1000x128xf32>
    %get3A_12 = arith.constant 0 : index
    %get3A_13 = arith.constant 0 : index
    %get3A_14 = vector.load %arg2[%get3A_12, %get3A_13] : memref<1000x128xf32, #tpu.memory_space<vmem>>, vector<1000x128xf32>
    %add3A_15 = arith.addf %add3A, %get3A_14 : vector<1000x128xf32>
    %mul3A = vector.broadcast %get3A_1 : vector<1000x1xf32> to vector<1000x128xf32>
    %mul3A_16 = arith.mulf %add3A_15, %mul3A : vector<1000x128xf32>
    %get3A_17 = arith.constant 0 : index
    %get3A_18 = arith.constant 0 : index
    %get3A_19 = vector.load %arg4[%get3A_17, %get3A_18] : memref<1x128xf32, #tpu.memory_space<vmem>>, vector<1x128xf32>
    %add3A_20 = vector.broadcast %get3A_19 : vector<1x128xf32> to vector<1000x128xf32>
    %add3A_21 = arith.addf %mul3A_16, %add3A_20 : vector<1000x128xf32>
    %max3A = arith.constant 0.000000e+00 : f32
    %max3A_22 = vector.broadcast %max3A : f32 to vector<1000x128xf32>
    %max3A_23 = arith.maximumf %add3A_21, %max3A_22 : vector<1000x128xf32>
    %get3A_24 = arith.constant 0 : index
    %get3A_25 = arith.constant 0 : index
    %get3A_26 = vector.load %arg5[%get3A_24, %get3A_25] : memref<128x128xf32, #tpu.memory_space<vmem>>, vector<128x128xf32>
    %dot_general3A = arith.constant dense<0.000000e+00> : vector<1000x128xf32>
    %dot_general3A_27 = tpu.matmul %max3A_23, %get3A_26, %dot_general3A {dimension_numbers = #tpu.dot_dimension_numbers<[1], [0], [0], [1], [0, 0, 1, 1], [], []>, transpose_lhs_hint = false} : vector<1000x128xf32>, vector<128x128xf32>, vector<1000x128xf32> -> vector<1000x128xf32>
    %mul3A_28 = vector.broadcast %get3A_1 : vector<1000x1xf32> to vector<1000x128xf32>
    %mul3A_29 = arith.mulf %dot_general3A_27, %mul3A_28 : vector<1000x128xf32>
    %swap3A = arith.constant 0 : index
    %swap3A_30 = arith.constant 0 : index
    %swap3A_31 = vector.load %arg6[%swap3A, %swap3A_30] : memref<1000x128xf32, #tpu.memory_space<vmem>>, vector<1000x128xf32>
    tpu.vector_store %arg6[%swap3A, %swap3A_30], %mul3A_29 {strides = array<i32>} : memref<1000x128xf32, #tpu.memory_space<vmem>>, vector<1000x128xf32>,
    return
  }
  func.func @transform_0(%arg0: i32) -> (i32, i32, i32) {
    %c0_i32 = arith.constant 0 : i32
    %c0_i32_0 = arith.constant 0 : i32
    %c0_i32_1 = arith.constant 0 : i32
    return %c0_i32, %arg0, %c0_i32_0 : i32, i32, i32
  }
  func.func @transform_1(%arg0: i32) -> (i32, i32) {
    %c0_i32 = arith.constant 0 : i32
    %c0_i32_0 = arith.constant 0 : i32
    return %arg0, %c0_i32 : i32, i32
  }
  func.func @transform_2(%arg0: i32) -> (i32, i32) {
    %c0_i32 = arith.constant 0 : i32
    %c0_i32_0 = arith.constant 0 : i32
    return %arg0, %c0_i32 : i32, i32
  }
  func.func @transform_3(%arg0: i32) -> (i32, i32) {
    %c0_i32 = arith.constant 0 : i32
    %c0_i32_0 = arith.constant 0 : i32
    %c0_i32_1 = arith.constant 0 : i32
    return %c0_i32, %c0_i32_0 : i32, i32
  }
  func.func @transform_4(%arg0: i32) -> (i32, i32) {
    %c0_i32 = arith.constant 0 : i32
    %c0_i32_0 = arith.constant 0 : i32
    %c0_i32_1 = arith.constant 0 : i32
    return %c0_i32, %c0_i32_0 : i32, i32
  }
  func.func @transform_5(%arg0: i32) -> (i32, i32) {
    %c0_i32 = arith.constant 0 : i32
    %c0_i32_0 = arith.constant 0 : i32
    return %arg0, %c0_i32 : i32, i32
  }
}

module attributes {stable_mosaic.version = 14 : i64} {
  func.func @_final_body(%arg0: i32, %arg1: memref<2x1000x128xf32, #tpu.memory_space<vmem>>, %arg2: memref<1000x128xf32, #tpu.memory_space<vmem>>, %arg3: memref<1000x1xf32, #tpu.memory_space<vmem>>, %arg4: memref<1x128xf32, #tpu.memory_space<vmem>>, %arg5: memref<1x1x1000xi32, #tpu.memory_space<vmem>>, %arg6: memref<128x64xf32, #tpu.memory_space<vmem>>, %arg7: memref<1x64xf32, #tpu.memory_space<vmem>>, %arg8: memref<1x64xf32, #tpu.memory_space<vmem>>, %arg9: memref<1x64xf32, #tpu.memory_space<vmem>>, %arg10: memref<64x64xf32, #tpu.memory_space<vmem>>, %arg11: memref<64x128xf32, #tpu.memory_space<vmem>>, %arg12: memref<64x1xf32, #tpu.memory_space<vmem>>) attributes {dimension_semantics = [#tpu.dimension_semantics<arbitrary>], iteration_bounds = array<i64: 10>, scalar_prefetch = 0 : i64, scratch_operands = 2 : i64, tpu.core_type = #tpu.core_type<tc>, window_params = [{transform_indices = @transform_0, window_bounds = array<i64: 2, 1000, 128>}, {transform_indices = @transform_1, window_bounds = array<i64: 1000, 128>}, {transform_indices = @transform_2, window_bounds = array<i64: 1000, 1>}, {pipeline_mode = #tpu.pipeline_mode<synchronous>, transform_indices = @transform_3, window_bounds = array<i64: 1, 128>}, {transform_indices = @transform_4, window_bounds = array<i64: 1, 1, 1000>}, {pipeline_mode = #tpu.pipeline_mode<synchronous>, transform_indices = @transform_5, window_bounds = array<i64: 128, 64>}, {pipeline_mode = #tpu.pipeline_mode<synchronous>, transform_indices = @transform_6, window_bounds = array<i64: 1, 64>}, {pipeline_mode = #tpu.pipeline_mode<synchronous>, transform_indices = @transform_7, window_bounds = array<i64: 1, 64>}, {pipeline_mode = #tpu.pipeline_mode<synchronous>, transform_indices = @transform_8, window_bounds = array<i64: 1, 64>}, {pipeline_mode = #tpu.pipeline_mode<synchronous>, transform_indices = @transform_9, window_bounds = array<i64: 64, 64>}]} {
    %eq3A = arith.constant 0 : i32
    %eq3A_0 = arith.cmpi eq, %arg0, %eq3A : i32
    %convert_element_type3A = arith.extui %eq3A_0 : i1 to i32
    %cond3A = arith.constant 0 : i32
    %cond3A_1 = arith.cmpi ne, %convert_element_type3A, %cond3A : i32
    scf.if %cond3A_1 {
      %broadcast_in_dim3A_55 = arith.constant 0.000000e+00 : f32
      %broadcast_in_dim3A_56 = vector.broadcast %broadcast_in_dim3A_55 : f32 to vector<64x128xf32>
      %swap3A_57 = arith.constant 0 : index
      %swap3A_58 = arith.constant 0 : index
      %swap3A_59 = vector.load %arg11[%swap3A_57, %swap3A_58] : memref<64x128xf32, #tpu.memory_space<vmem>>, vector<64x128xf32>
      tpu.vector_store %arg11[%swap3A_57, %swap3A_58], %broadcast_in_dim3A_56 {strides = array<i32>} : memref<64x128xf32, #tpu.memory_space<vmem>>, vector<64x128xf32>,
      %broadcast_in_dim3A_60 = arith.constant 0.000000e+00 : f32
      %broadcast_in_dim3A_61 = vector.broadcast %broadcast_in_dim3A_60 : f32 to vector<64x1xf32>
      %swap3A_62 = arith.constant 0 : index
      %swap3A_63 = arith.constant 0 : index
      %swap3A_64 = vector.load %arg12[%swap3A_62, %swap3A_63] : memref<64x1xf32, #tpu.memory_space<vmem>>, vector<64x1xf32>
      tpu.vector_store %arg12[%swap3A_62, %swap3A_63], %broadcast_in_dim3A_61 {strides = array<i32>} : memref<64x1xf32, #tpu.memory_space<vmem>>, vector<64x1xf32>,
    } else {
    }
    %get3A = arith.constant 0 : index
    %get3A_2 = arith.constant 0 : index
    %get3A_3 = vector.load %arg3[%get3A, %get3A_2] : memref<1000x1xf32, #tpu.memory_space<vmem>>, vector<1000x1xf32>
    %get3A_4 = arith.constant 0 : index
    %get3A_5 = arith.constant 0 : index
    %get3A_6 = arith.constant 0 : index
    %get3A_7 = vector.load %arg1[%get3A_4, %get3A_5, %get3A_6] : memref<2x1000x128xf32, #tpu.memory_space<vmem>>, vector<1x1000x128xf32>
    %get3A_8 = vector.shape_cast %get3A_7 : vector<1x1000x128xf32> to vector<1000x128xf32>
    %get3A_9 = arith.constant 1 : index
    %get3A_10 = arith.constant 0 : index
    %get3A_11 = arith.constant 0 : index
    %get3A_12 = vector.load %arg1[%get3A_9, %get3A_10, %get3A_11] : memref<2x1000x128xf32, #tpu.memory_space<vmem>>, vector<1x1000x128xf32>
    %get3A_13 = vector.shape_cast %get3A_12 : vector<1x1000x128xf32> to vector<1000x128xf32>
    %add3A = arith.addf %get3A_8, %get3A_13 : vector<1000x128xf32>
    %get3A_14 = arith.constant 0 : index
    %get3A_15 = arith.constant 0 : index
    %get3A_16 = vector.load %arg2[%get3A_14, %get3A_15] : memref<1000x128xf32, #tpu.memory_space<vmem>>, vector<1000x128xf32>
    %add3A_17 = arith.addf %add3A, %get3A_16 : vector<1000x128xf32>
    %mul3A = vector.broadcast %get3A_3 : vector<1000x1xf32> to vector<1000x128xf32>
    %mul3A_18 = arith.mulf %add3A_17, %mul3A : vector<1000x128xf32>
    %get3A_19 = arith.constant 0 : index
    %get3A_20 = arith.constant 0 : index
    %get3A_21 = vector.load %arg4[%get3A_19, %get3A_20] : memref<1x128xf32, #tpu.memory_space<vmem>>, vector<1x128xf32>
    %add3A_22 = vector.broadcast %get3A_21 : vector<1x128xf32> to vector<1000x128xf32>
    %add3A_23 = arith.addf %mul3A_18, %add3A_22 : vector<1000x128xf32>
    %max3A = arith.constant 0.000000e+00 : f32
    %max3A_24 = vector.broadcast %max3A : f32 to vector<1000x128xf32>
    %max3A_25 = arith.maximumf %add3A_23, %max3A_24 : vector<1000x128xf32>
    %get3A_26 = arith.constant 0 : index
    %get3A_27 = arith.constant 0 : index
    %get3A_28 = arith.constant 0 : index
    %get3A_29 = vector.load %arg5[%get3A_26, %get3A_27, %get3A_28] : memref<1x1x1000xi32, #tpu.memory_space<vmem>>, vector<1x1x1000xi32>
    %get3A_30 = vector.shape_cast %get3A_29 : vector<1x1x1000xi32> to vector<1x1000xi32>
    %iota3A = tpu.iota {dimensions = array<i32: 0>} : vector<64x1000xi32>
    %eq3A_31 = vector.broadcast %get3A_30 : vector<1x1000xi32> to vector<64x1000xi32>
    %eq3A_32 = arith.cmpi eq, %iota3A, %eq3A_31 : vector<64x1000xi32>
    %convert_element_type3A_33 = arith.extui %eq3A_32 : vector<64x1000xi1> to vector<64x1000xi32>
    %convert_element_type3A_34 = arith.sitofp %convert_element_type3A_33 : vector<64x1000xi32> to vector<64x1000xf32>
    %get3A_35 = arith.constant 0 : index
    %get3A_36 = arith.constant 0 : index
    %get3A_37 = vector.load %arg11[%get3A_35, %get3A_36] : memref<64x128xf32, #tpu.memory_space<vmem>>, vector<64x128xf32>
    %dot_general3A = arith.constant dense<0.000000e+00> : vector<64x128xf32>
    %dot_general3A_38 = tpu.matmul %convert_element_type3A_34, %max3A_25, %dot_general3A {dimension_numbers = #tpu.dot_dimension_numbers<[1], [0], [0], [1], [0, 0, 1, 1], [], []>, transpose_lhs_hint = false} : vector<64x1000xf32>, vector<1000x128xf32>, vector<64x128xf32> -> vector<64x128xf32>
    %add3A_39 = arith.addf %get3A_37, %dot_general3A_38 : vector<64x128xf32>
    %swap3A = arith.constant 0 : index
    %swap3A_40 = arith.constant 0 : index
    %swap3A_41 = vector.load %arg11[%swap3A, %swap3A_40] : memref<64x128xf32, #tpu.memory_space<vmem>>, vector<64x128xf32>
    tpu.vector_store %arg11[%swap3A, %swap3A_40], %add3A_39 {strides = array<i32>} : memref<64x128xf32, #tpu.memory_space<vmem>>, vector<64x128xf32>,
    %get3A_42 = arith.constant 0 : index
    %get3A_43 = arith.constant 0 : index
    %get3A_44 = vector.load %arg12[%get3A_42, %get3A_43] : memref<64x1xf32, #tpu.memory_space<vmem>>, vector<64x1xf32>
    %reduce_sum3A = arith.constant dense<0.000000e+00> : vector<64xf32>
    %reduce_sum3A_45 = vector.multi_reduction <add>, %convert_element_type3A_34, %reduce_sum3A [1] : vector<64x1000xf32> to vector<64xf32>
    %broadcast_in_dim3A = vector.shape_cast %reduce_sum3A_45 : vector<64xf32> to vector<64x1xf32>
    %add3A_46 = arith.addf %get3A_44, %broadcast_in_dim3A : vector<64x1xf32>
    %swap3A_47 = arith.constant 0 : index
    %swap3A_48 = arith.constant 0 : index
    %swap3A_49 = vector.load %arg12[%swap3A_47, %swap3A_48] : memref<64x1xf32, #tpu.memory_space<vmem>>, vector<64x1xf32>
    tpu.vector_store %arg12[%swap3A_47, %swap3A_48], %add3A_46 {strides = array<i32>} : memref<64x1xf32, #tpu.memory_space<vmem>>, vector<64x1xf32>,
    %eq3A_50 = arith.constant 9 : i32
    %eq3A_51 = arith.cmpi eq, %arg0, %eq3A_50 : i32
    %convert_element_type3A_52 = arith.extui %eq3A_51 : i1 to i32
    %cond3A_53 = arith.constant 0 : i32
    %cond3A_54 = arith.cmpi ne, %convert_element_type3A_52, %cond3A_53 : i32
    scf.if %cond3A_54 {
      %get3A_55 = arith.constant 0 : index
      %get3A_56 = arith.constant 0 : index
      %get3A_57 = vector.load %arg11[%get3A_55, %get3A_56] : memref<64x128xf32, #tpu.memory_space<vmem>>, vector<64x128xf32>
      %get3A_58 = arith.constant 0 : index
      %get3A_59 = arith.constant 0 : index
      %get3A_60 = vector.load %arg12[%get3A_58, %get3A_59] : memref<64x1xf32, #tpu.memory_space<vmem>>, vector<64x1xf32>
      %max3A_61 = arith.constant 1.000000e+00 : f32
      %max3A_62 = vector.broadcast %max3A_61 : f32 to vector<64x1xf32>
      %max3A_63 = arith.maximumf %get3A_60, %max3A_62 : vector<64x1xf32>
      %div3A = vector.broadcast %max3A_63 : vector<64x1xf32> to vector<64x128xf32>
      %div3A_64 = arith.divf %get3A_57, %div3A : vector<64x128xf32>
      %get3A_65 = arith.constant 0 : index
      %get3A_66 = arith.constant 0 : index
      %get3A_67 = vector.load %arg6[%get3A_65, %get3A_66] : memref<128x64xf32, #tpu.memory_space<vmem>>, vector<128x64xf32>
      %dot_general3A_68 = arith.constant dense<0.000000e+00> : vector<64x64xf32>
      %dot_general3A_69 = tpu.matmul %div3A_64, %get3A_67, %dot_general3A_68 {dimension_numbers = #tpu.dot_dimension_numbers<[1], [0], [0], [1], [0, 0, 1, 1], [], []>, transpose_lhs_hint = false} : vector<64x128xf32>, vector<128x64xf32>, vector<64x64xf32> -> vector<64x64xf32>
      %get3A_70 = arith.constant 0 : index
      %get3A_71 = arith.constant 0 : index
      %get3A_72 = vector.load %arg7[%get3A_70, %get3A_71] : memref<1x64xf32, #tpu.memory_space<vmem>>, vector<1x64xf32>
      %add3A_73 = vector.broadcast %get3A_72 : vector<1x64xf32> to vector<64x64xf32>
      %add3A_74 = arith.addf %dot_general3A_69, %add3A_73 : vector<64x64xf32>
      %reduce_sum3A_75 = arith.constant dense<0.000000e+00> : vector<64xf32>
      %reduce_sum3A_76 = vector.multi_reduction <add>, %add3A_74, %reduce_sum3A_75 [1] : vector<64x64xf32> to vector<64xf32>
      %broadcast_in_dim3A_77 = vector.shape_cast %reduce_sum3A_76 : vector<64xf32> to vector<64x1xf32>
      %div3A_78 = arith.constant 6.400000e+01 : f32
      %div3A_79 = vector.broadcast %div3A_78 : f32 to vector<64x1xf32>
      %div3A_80 = arith.divf %broadcast_in_dim3A_77, %div3A_79 : vector<64x1xf32>
      %sub3A = vector.broadcast %div3A_80 : vector<64x1xf32> to vector<64x64xf32>
      %sub3A_81 = arith.subf %add3A_74, %sub3A : vector<64x64xf32>
      %sub3A_82 = vector.broadcast %div3A_80 : vector<64x1xf32> to vector<64x64xf32>
      %sub3A_83 = arith.subf %add3A_74, %sub3A_82 : vector<64x64xf32>
      %mul3A_84 = arith.mulf %sub3A_81, %sub3A_83 : vector<64x64xf32>
      %reduce_sum3A_85 = arith.constant dense<0.000000e+00> : vector<64xf32>
      %reduce_sum3A_86 = vector.multi_reduction <add>, %mul3A_84, %reduce_sum3A_85 [1] : vector<64x64xf32> to vector<64xf32>
      %broadcast_in_dim3A_87 = vector.shape_cast %reduce_sum3A_86 : vector<64xf32> to vector<64x1xf32>
      %div3A_88 = arith.constant 6.400000e+01 : f32
      %div3A_89 = vector.broadcast %div3A_88 : f32 to vector<64x1xf32>
      %div3A_90 = arith.divf %broadcast_in_dim3A_87, %div3A_89 : vector<64x1xf32>
      %sub3A_91 = vector.broadcast %div3A_80 : vector<64x1xf32> to vector<64x64xf32>
      %sub3A_92 = arith.subf %add3A_74, %sub3A_91 : vector<64x64xf32>
      %add3A_93 = arith.constant 9.99999974E-6 : f32
      %add3A_94 = vector.broadcast %add3A_93 : f32 to vector<64x1xf32>
      %add3A_95 = arith.addf %div3A_90, %add3A_94 : vector<64x1xf32>
      %rsqrt3A = math.rsqrt %add3A_95 : vector<64x1xf32>
      %mul3A_96 = vector.broadcast %rsqrt3A : vector<64x1xf32> to vector<64x64xf32>
      %mul3A_97 = arith.mulf %sub3A_92, %mul3A_96 : vector<64x64xf32>
      %get3A_98 = arith.constant 0 : index
      %get3A_99 = arith.constant 0 : index
      %get3A_100 = vector.load %arg8[%get3A_98, %get3A_99] : memref<1x64xf32, #tpu.memory_space<vmem>>, vector<1x64xf32>
      %mul3A_101 = vector.broadcast %get3A_100 : vector<1x64xf32> to vector<64x64xf32>
      %mul3A_102 = arith.mulf %mul3A_97, %mul3A_101 : vector<64x64xf32>
      %get3A_103 = arith.constant 0 : index
      %get3A_104 = arith.constant 0 : index
      %get3A_105 = vector.load %arg9[%get3A_103, %get3A_104] : memref<1x64xf32, #tpu.memory_space<vmem>>, vector<1x64xf32>
      %add3A_106 = vector.broadcast %get3A_105 : vector<1x64xf32> to vector<64x64xf32>
      %add3A_107 = arith.addf %mul3A_102, %add3A_106 : vector<64x64xf32>
      %swap3A_108 = arith.constant 0 : index
      %swap3A_109 = arith.constant 0 : index
      %swap3A_110 = vector.load %arg10[%swap3A_108, %swap3A_109] : memref<64x64xf32, #tpu.memory_space<vmem>>, vector<64x64xf32>
      tpu.vector_store %arg10[%swap3A_108, %swap3A_109], %add3A_107 {strides = array<i32>} : memref<64x64xf32, #tpu.memory_space<vmem>>, vector<64x64xf32>,
    } else {
    }
    return
  }
  func.func @transform_0(%arg0: i32) -> (i32, i32, i32) {
    %c0_i32 = arith.constant 0 : i32
    %c0_i32_0 = arith.constant 0 : i32
    %c0_i32_1 = arith.constant 0 : i32
    return %c0_i32, %arg0, %c0_i32_0 : i32, i32, i32
  }
  func.func @transform_1(%arg0: i32) -> (i32, i32) {
    %c0_i32 = arith.constant 0 : i32
    %c0_i32_0 = arith.constant 0 : i32
    return %arg0, %c0_i32 : i32, i32
  }
  func.func @transform_2(%arg0: i32) -> (i32, i32) {
    %c0_i32 = arith.constant 0 : i32
    %c0_i32_0 = arith.constant 0 : i32
    return %arg0, %c0_i32 : i32, i32
  }
  func.func @transform_3(%arg0: i32) -> (i32, i32) {
    %c0_i32 = arith.constant 0 : i32
    %c0_i32_0 = arith.constant 0 : i32
    %c0_i32_1 = arith.constant 0 : i32
    return %c0_i32, %c0_i32_0 : i32, i32
  }
  func.func @transform_4(%arg0: i32) -> (i32, i32, i32) {
    %c0_i32 = arith.constant 0 : i32
    %c0_i32_0 = arith.constant 0 : i32
    %c0_i32_1 = arith.constant 0 : i32
    return %arg0, %c0_i32, %c0_i32_0 : i32, i32, i32
  }
  func.func @transform_5(%arg0: i32) -> (i32, i32) {
    %c0_i32 = arith.constant 0 : i32
    %c0_i32_0 = arith.constant 0 : i32
    %c0_i32_1 = arith.constant 0 : i32
    return %c0_i32, %c0_i32_0 : i32, i32
  }
  func.func @transform_6(%arg0: i32) -> (i32, i32) {
    %c0_i32 = arith.constant 0 : i32
    %c0_i32_0 = arith.constant 0 : i32
    %c0_i32_1 = arith.constant 0 : i32
    return %c0_i32, %c0_i32_0 : i32, i32
  }
  func.func @transform_7(%arg0: i32) -> (i32, i32) {
    %c0_i32 = arith.constant 0 : i32
    %c0_i32_0 = arith.constant 0 : i32
    %c0_i32_1 = arith.constant 0 : i32
    return %c0_i32, %c0_i32_0 : i32, i32
  }
  func.func @transform_8(%arg0: i32) -> (i32, i32) {
    %c0_i32 = arith.constant 0 : i32
    %c0_i32_0 = arith.constant 0 : i32
    %c0_i32_1 = arith.constant 0 : i32
    return %c0_i32, %c0_i32_0 : i32, i32
  }
  func.func @transform_9(%arg0: i32) -> (i32, i32) {
    %c0_i32 = arith.constant 0 : i32
    %c0_i32_0 = arith.constant 0 : i32
    %c0_i32_1 = arith.constant 0 : i32
    return %c0_i32, %c0_i32_0 : i32, i32
  }
}

</mosaic_0001>

<sc_bundles>
// kernel: kernel.10.cloned.1.call-start
scs
__scs_entry_jumppad:
0x0: {  	(pc) =	sbr.rel $0x88, $3  }
0x1: {  	(tag) =	ssettag $0x0;
	lr =	simm.s32 $0x1  }
0x2: {  	[smem:$0x3F96] =	sst lr;
	_ =	strace $0xD0000000  }
0x3: {  	_ = 	snop  }
0x4: {  	_ = 	snop  }
0x5: {  	_ = 	snop  }
0x6: {  	_ = 	snop  }
0x7: {  	_ = 	snop  }
__scs_overlays_trampoline_lowered:
0x8: {  	[smem:$0x3FA5] =	sst s0  }
0x9: {  	[smem:$0x3FA6] =	sst s1  }
0xa: {  	[smem:$0x3FA7] =	sst s2  }
0xb: {  	[smem:$0x3FA8] =	sst s3  }
0xc: {  	[smem:$0x3FA9] =	sst s4  }
0xd: {  	[smem:$0x3FAA] =	sst s5  }
0xe: {  	[smem:$0x3FAB] =	sst s6  }
0xf: {  	[smem:$0x3FAC] =	sst s7  }
0x10: {  	[smem:$0x3FAD] =	sst s8  }
0x11: {  	[smem:$0x3FAE] =	sst s9;
	s0 =	simm.s32 @!p0 $0x0  }
0x12: {  	s1 =	sld [smem:$0x3F94];
	s0 =	simm.s32 @p0 $0x1  }
0x13: {  	[smem:$0x3FAF] =	sst s0;
	s0 =	simm.s32 @!p1 $0x0  }
0x14: {  	s2 =	sld [smem:$0x3F93];
	s0 =	simm.s32 @p1 $0x1  }
0x15: {  	[smem:$0x3FB0] =	sst s0;
	s0 =	simm.s32 @!p2 $0x0  }
0x16: {  	s3 =	sld [smem:$0x3FDB];
	s0 =	simm.s32 @p2 $0x1  }
0x17: {  	s4 =	simm.s32 $0x1BF5;
	[smem:$0x3FB2] =	sst s0  }
0x18: {  	s0 =	sld [smem:$0x3F95];
	_ =	swait.ge [sflag:s4], $0x0  }
0x19: {  	s7 =	sld [smem:$0x3F96]  }
0x1a: {  	s8 =	sadd.s32 $0xFFFFE003, lr  }
0x1b: {  	s9 =	sadd.s32 $0xFFFFFEF7, lr;
	s5 =	simm.s32 $0xFFFFFFFF;
	p2 =	slt.u32 s8, $0xFFFFF086  }
0x1c: {  	p1 =	slt.u32 s9, $0xF7A;
	s5 =	simm.s32 @!p2 $0x0  }
0x1d: {  	s5 =	simm.s32 @p1 $0x1;
	p0 =	seq.s32 s7, s2  }
0x1e: {  	s7 =	smul.u32 @!p0 $0xF7A, s2;
	p2 =	seq.s32 @!p0 s5, $0x0  }
0x1f: {  	s9 =	smul.u32 $0xF7A, s1;
	s8 =	simm.s32 @!p0 $0x1BF5;
	p2 =	por !p2, p0  }
0x20: {  	[sflag:s8] =	ssyncset.s32 @!p0 $0xFFFFF086;
	s6 =	sadd.s32 @!p0 s3, s7;
	s7 =	simm.s32 @!p0 $0x108  }
0x21: {  	s3 =	sadd.s32 s3, s9;
	s6 =	sadd.s32 @!p0 $0x88, s6;
	s7 =	simm.s32 @p2 $0x1082  }
0x22: {  	[simem:s7], [sflag:s8] =	dma.local @!p0 [hbm:s6], $0xF7A  }
0x23: {  	s9 =	sor.u32 $0xD0000000, s2;
	s6 =	simm.s32 $0x108;
	_ =	swait.ge @!p0 [sflag:s8], $0x0  }
0x24: {  	s3 =	sadd.s32 $0x88, s3;
	s6 =	simm.s32 @!p1 $0x1082;
	[sflag:s4] =	ssyncset.s32 $0xFFFFF086  }
0x25: {  	[simem:s6], [sflag:s4] =	dma.local [hbm:s3], $0xF7A  }
0x26: {  	[smem:$0x3F96] =	sst s1;
	(tag) =	ssettag s2;
	_ =	strace s9  }
0x27: {  	s1 =	sld [smem:$0x3FA6]  }
0x28: {  	s2 =	sld [smem:$0x3FA7]  }
0x29: {  	s4 =	sld [smem:$0x3FA9]  }
0x2a: {  	p0 =	seq.s32 s5, $0x0;
	s5 =	sld [smem:$0x3FAA]  }
0x2b: {  	s6 =	sld [smem:$0x3FAB]  }
0x2c: {  	s7 =	sld [smem:$0x3FAC]  }
0x2d: {  	s3 =	simm.s32 $0x108;
	s8 =	sld [smem:$0x3FAD]  }
0x2e: {  	s3 =	simm.s32 @!p0 $0x1082;
	s9 =	sld [smem:$0x3FAE]  }
0x2f: {  	lr =	sadd.s32 s0, s3;
	s0 =	sld [smem:$0x3FA5]  }
0x30: {  	s3 =	sld [smem:$0x3FA8]  }
0x31: {  	[smem:$0x3FB1] =	sst s10  }
0x32: {  	s10 =	sld [smem:$0x3FAF];
	_ =	sdelay $0x3  }
0x33: {  	p0 =	seq.s32 s10, $0x1;
	s10 =	sld [smem:$0x3FB1];
	_ =	sdelay $0x3  }
0x34: {  	[smem:$0x3FB1] =	sst s10  }
0x35: {  	s10 =	sld [smem:$0x3FB0];
	_ =	sdelay $0x3  }
0x36: {  	p1 =	seq.s32 s10, $0x1;
	s10 =	sld [smem:$0x3FB1];
	_ =	sdelay $0x3  }
0x37: {  	[smem:$0x3FB1] =	sst s10  }
0x38: {  	s10 =	sld [smem:$0x3FB2]  }
0x39: {  	_ = 	snop;
	(pc) =	sbr.ind lr, $3  }
0x3a: {  	_ = 	snop  }
0x3b: {  	_ = 	snop  }
0x3c: {  	p2 =	seq.s32 s10, $0x1;
	s10 =	sld [smem:$0x3FB1]  }
0x3d: {  	_ =	shalt  }
0x3e: {  	_ =	shalt  }
0x3f: {  	_ =	shalt  }
0x40: {  	_ =	shalt  }
0x41: {  	_ =	shalt  }
0x42: {  	_ =	shalt  }
0x43: {  	_ =	shalt  }
0x44: {  	_ =	shalt  }
0x45: {  	_ =	shalt  }
0x46: {  	_ =	shalt  }
0x47: {  	_ =	shalt  }
0x48: {  	_ =	shalt  }
0x49: {  	_ =	shalt  }
0x4a: {  	_ =	shalt  }
0x4b: {  	_ =	shalt  }
0x4c: {  	_ =	shalt  }
0x4d: {  	_ =	shalt  }
0x4e: {  	_ =	shalt  }
0x4f: {  	_ =	shalt  }
0x50: {  	_ =	shalt  }
0x51: {  	_ =	shalt  }
0x52: {  	_ =	shalt  }
0x53: {  	_ =	shalt  }
0x54: {  	_ =	shalt  }
0x55: {  	_ =	shalt  }
0x56: {  	_ =	shalt  }
0x57: {  	_ =	shalt  }
0x58: {  	_ =	shalt  }
0x59: {  	_ =	shalt  }
0x5a: {  	_ =	shalt  }
0x5b: {  	_ =	shalt  }
0x5c: {  	_ =	shalt  }
0x5d: {  	_ =	shalt  }
0x5e: {  	_ =	shalt  }
0x5f: {  	_ =	shalt  }
0x60: {  	_ =	shalt  }
0x61: {  	_ =	shalt  }
0x62: {  	_ =	shalt  }
0x63: {  	_ =	shalt  }
0x64: {  	_ =	shalt  }
0x65: {  	_ =	shalt  }
0x66: {  	_ =	shalt  }
0x67: {  	_ =	shalt  }
0x68: {  	_ =	shalt  }
0x69: {  	_ =	shalt  }
0x6a: {  	_ =	shalt  }
0x6b: {  	_ =	shalt  }
0x6c: {  	_ =	shalt  }
0x6d: {  	_ =	shalt  }
0x6e: {  	_ =	shalt  }
0x6f: {  	_ =	shalt  }
0x70: {  	_ =	shalt  }
0x71: {  	_ =	shalt  }
0x72: {  	_ =	shalt  }
0x73: {  	_ =	shalt  }
0x74: {  	_ =	shalt  }
0x75: {  	_ =	shalt  }
0x76: {  	_ =	shalt  }
0x77: {  	_ =	shalt  }
0x78: {  	_ =	shalt  }
0x79: {  	_ =	shalt  }
0x7a: {  	_ =	shalt  }
0x7b: {  	_ =	shalt  }
0x7c: {  	_ =	shalt  }
0x7d: {  	_ =	shalt  }
0x7e: {  	_ =	shalt  }
0x7f: {  	_ =	shalt  }
0x80: {  	_ =	shalt  }
0x81: {  	_ =	shalt  }
0x82: {  	_ =	shalt  }
0x83: {  	_ =	shalt  }
0x84: {  	_ =	shalt  }
0x85: {  	_ =	shalt  }
0x86: {  	_ =	shalt  }
0x87: {  	_ =	shalt  }
.Lfunc_end0:
.L_simem_size_0:
called_computation_lowered:
.L_overlay_start_0:
0x88: {  	s2 =	sld [smem:$0x3FD9]  }
0x89: {  	s3 =	sld [smem:$0x3FFE];
	_ =	sdelay $0x1  }
0x8a: {  	s1 =	srdreg.scid  }
0x8b: {  	s0 =	sand.u32 $0x1, s1  }
0x8c: {  	s16 =	sshll.u32 s0, $0xA;
	s2 =	sadd.s32 s3, s2  }
0x8d: {  	s2 =	sadd.s32 s2, s16  }
0x8e: {  	[smem:$0x3FBD] =	sst s2  }
0x8f: {  	_ = 	snop  }
0x90: {  	(tm) =	ssettm $0x1  }
0x91: {  	s17 =	sld [smem:$0x3FFB];
	_ =	sdelay $0x3  }
0x92: {  	_ =	strace s17  }
0x93: {  	s2 =	sld [smem:$0x3FFC];
	_ =	sdelay $0x3  }
0x94: {  	_ =	strace s2  }
0x95: {  	s2 =	sld [smem:$0x3FFD];
	_ =	sdelay $0x3  }
0x96: {  	_ =	strace s2  }
0x97: {  	_ =	strace $0x8FFFFFFF  }
0x98: {  	s18 =	sld [smem:$0x3FDB];
	_ =	sdelay $0x1  }
0x99: {  	s19 =	simm.s32 $_scs_section_size  }
0x9a: {  	s4 =	simm.s32 $_size__tile_overlayer_lowered;
	s5 =	simm.s32 $_tile_overlayer_lowered  }
0x9b: {  	s22 =	simm.s32 $0x1BFF;
	s21 =	sshll.u32 s5, $0x1;
	s2 =	sadd.s32 s19, s18  }
0x9c: {  	s6 =	simm.s32 $0x0;
	s20 =	sshll.u32 s4, $0x1;
	s4 =	sadd.s32 s21, s2  }
0x9d: {  	[timem:s6], [sflag:s22] =	dma.local [hbm:s4], s20  }
0x9e: {  	_ =	swait.ge [sflag:s22], s20  }
0x9f: {  	s3 =	ssub.s32 $0x0, s20;
	[sflag:s22] =	ssyncset.done $0x0  }
0xa0: {  	[sflag:s22] =	ssyncadd.s32 s3;
	_ =	sdelay $0x1  }
0xa1: {  	s23 =	simm.s32 $0x1B8B  }
0xa2: {  	_ =	swait.ge [sflag:s23], $0x1  }
0xa3: {  	[sflag:s23] =	ssyncset.done $0x0  }
0xa4: {  	s25 =	simm.s32 $0x1B8E;
	s24 =	sld [smem:$0x3FFE];
	[sflag:s23] =	ssyncadd.s32 $0xFFFFFFFF  }
0xa5: {  	s26 =	simm.s32 $execute0_lowered;
	[smem:$0x3FD2] =	sst s25  }
0xa6: {  	s4 =	sshll.u32 s26, $0x1;
	_ =	strace $0x80000046;
	[dreg:$0x1] =	wrdreg $0xFFFFFFFF  }
0xa7: {  	s28 =	simm.s32 $_size_execute0_lowered;
	s2 =	sadd.s32 s2, s4;
	[dreg:$0x0] =	wrdreg $0x0  }
0xa8: {  	s4 =	sshll.u32 s28, $0x1;
	[dreg:$0x2] =	wrdreg s2  }
0xa9: {  	[dreg:$0x3] =	wrdreg s4  }
0xaa: {  	[dreg:$0x4] =	wrdreg $0xC0  }
0xab: {  	_ =	task [dreg:s6], $0x5FFFF  }
0xac: {  	[dreg:$0x1] =	wrdreg $0xFFFFFFFF  }
0xad: {  	[dreg:$0x0] =	wrdreg $0x60  }
0xae: {  	[dreg:$0x2] =	wrdreg s24  }
0xaf: {  	[dreg:$0x3] =	wrdreg $0x6C000  }
0xb0: {  	[dreg:$0x4] =	wrdreg $0x9  }
0xb1: {  	_ =	task.clear_ibuf [dreg:s6], $0x5FFFF;
	_ =	strace $0x90000046  }
0xb2: {  	s29 =	simm.s32 $0x9;
	_ =	strace $0x80000048  }
0xb3: {  	_ =	swait.ge [sflag:s29], $0x1  }
0xb4: {  	[sflag:s29] =	ssyncadd.s32 $0xFFFFFFFF  }
0xb5: {  	_ =	strace $0x90000048  }
0xb6: {  	_ =	sfence  }
0xb7: {  	s30 =	sld [smem:$0x0];
	_ =	sdelay $0x2  }
0xb8: {  	s31 =	sshll.u32 s1, $0xD;
	s1 =	sshrl.u32 s1, $0x2  }
0xb9: {  	s3 =	sand.u32 $0x4000, s31;
	s1 =	sadd.s32 s1, s30  }
0xba: {  	s0 =	sor.u32 s3, s0;
	s1 =	sshll.u32 s1, $0x11  }
0xbb: {  	s0 =	sor.u32 s1, s0  }
0xbc: {  	s0 =	sadd.s32 $0x8F2B, s0  }
0xbd: {  	[sflag:s0] =	ssyncadd.remote.s32 $0x1  }
0xbe: {  	_ =	sfence.sel $0xFFFF  }
0xbf: {  	[dreg:$0x0] =	wrdreg $0xFFFFFFFF;
	(pc) =	sbr.abs _section_cstart, $3  }
0xc0: {  	[dreg:$0x1] =	wrdreg $0xFFFFFFFF  }
0xc1: {  	_ =	task.clear_ibuf [dreg:s6], $0x2FFFF;
	_ =	strace $0x9FFFFFFF  }
0xc2: {  	(tm) =	ssettm $0x7FFFFFFF  }
0xc3: {  	_ =	shalt  }
tec
execute0_lowered:
.L_overlay_start_1:
0x0: {  	(tag) =	ssettag $0x1  }
0x1: {  	s0 =	rddreg [dreg:$0x0]  }
0x2: {  	s2 =	rddreg [dreg:$0x1]  }
0x3: {  	s3 =	simm.s32 $0x0;
	s1 =	stileid.u32;
	s4 =	srdreg.scid  }
0x4: {  	s28 =	simm.s32 $0x50;
	s29 =	simm.s32 $0x4000;
	s30 =	simm.s32 $0x0  }
0x5: {  	[smem:$0x7FF] =	sst s3;
	s5 =	sshll.u32 s1, $0xB;
	s8 =	smul.u32 $0x13C00, s1  }
0x6: {  	s4 =	sand.u32 $0x1, s4;
	s26 =	smul.u32 $0x4F000, s1;
	p0 =	seq.s32 s1, $0xF  }
0x7: {  	_ =	strace $0x80000047;
	s5 =	sadd.s32 s5, s0;
	s6 =	ssub.s32 $0x2, s4  }
0x8: {  	s0 =	sadd.s32 $0x1DC00, s0;
	s23 =	sshll.u32 s4, $0xF;
	s24 =	smul.u32 $0x138800, s4  }
0x9: {  	s7 =	sshrl.u32 s6, $0x1;
	s25 =	sadd.s32 s23, s5;
	s10 =	sadd.s32 $0x10400, s8  }
0xa: {  	s5 =	sshrl.u32 s26, $0x2;
	s23 =	simm.s32 $0x6800;
	s26 =	simm.s32 $0x1  }
0xb: {  	s9 =	ssub.s32 s6, s7;
	s4 =	sadd.s32 $0xDC00, s25;
	s31 =	sadd.s32 s8, s24  }
0xc: {  	s7 =	sadd.s32 s24, s10;
	s5 =	sadd.s32 s5, s2;
	s24 =	simm.s32 $0x2  }
0xd: {  	s6 =	sshrl.u32 s31, $0x3;
	s7 =	sshrl.u32 s7, $0x3;
	s8 =	smax.u32 s9, $0x1  }
0xe: {  	s9 =	sadd.s32 $0x10400, s5;
	s11 =	sadd.s32 $0x10C00, s5;
	s12 =	sadd.s32 $0x11000, s5  }
0xf: {  	s13 =	sadd.s32 $0x11400, s5;
	s14 =	sadd.s32 $0x11800, s5;
	s15 =	sadd.s32 $0x11C00, s5  }
0x10: {  	s16 =	sadd.s32 $0x12000, s5;
	s17 =	sadd.s32 $0x12400, s5;
	s18 =	sadd.s32 $0x12800, s5  }
0x11: {  	s19 =	sadd.s32 $0x12C00, s5;
	s20 =	sadd.s32 $0x13000, s5;
	s21 =	sadd.s32 $0x13400, s5  }
0x12: {  	s6 =	sadd.s32 s0, s6;
	s7 =	sadd.s32 s0, s7;
	s0 =	sadd.s32 s10, s2  }
0x13: {  	v0 =	vimm.f32 $1.000000000e+00;
	v1 =	vimm.f32 $0.0e+00;
	s22 =	sadd.s32 $0x13800, s5;
	s10 =	sadd.s32 $0x10800, s5;
	s25 =	sshrl.u32 @!p0 s0, $0x3  }
.LBB2_1:
0x14: {  	[tilespmem:s3], [sflag:$0x1] =	stream.linear.gather [hbm4b:s4+s3], $0x3E80, $0x38;
	[tilespmem:$0x1A480] =	vst v63  }
0x15: {  	s31 =	simm.s32 $0x0;
	s0 =	simm.s32 $0x200  }
.LBB2_2:
0x16: {  	p1 =	sne.s32 s0, $0x9E00;
	[tilespmem:s31+$0x4070] =	vst v0  }
0x17: {  	[tilespmem:s31+$0x4000] =	vst v0  }
0x18: {  	[tilespmem:s31+$0x4010] =	vst v0  }
.Ltmp0:
0x19: {  	[tilespmem:s31+$0x4020] =	vst v0;
	(pc) =	sbr.rel @p1 .LBB2_2-.Ltmp0, $4  }
0x1a: {  	[tilespmem:s31+$0x4030] =	vst v0  }
0x1b: {  	[tilespmem:s31+$0x4040] =	vst v0  }
0x1c: {  	[tilespmem:s31+$0x4050] =	vst v0  }
0x1d: {  	[tilespmem:s31+$0x4060] =	vst v0;
	s31 =	sshra.s32 s0, $0x2;
	s0 =	sadd.s32 $0x200, s0  }
0x1e: {  	[tilespmem:s31+$0x4070] =	vst v0  }
0x1f: {  	[tilespmem:s31+$0x4000] =	vst v0  }
0x20: {  	[tilespmem:s31+$0x4010] =	vst v0  }
0x21: {  	[tilespmem:s31+$0x4020] =	vst v0  }
0x22: {  	[tilespmem:s31+$0x4030] =	vst v0  }
0x23: {  	[tilespmem:s31+$0x4040] =	vst v0  }
0x24: {  	[tilespmem:s31+$0x4050] =	vst v0  }
0x25: {  	[tilespmem:s31+$0x4060] =	vst v0  }
0x26: {  	[tilespmem:$0x6800] =	vst v1  }
0x27: {  	[tilespmem:$0x6810] =	vst v1  }
0x28: {  	[tilespmem:$0x6820] =	vst v1  }
0x29: {  	[tilespmem:$0x6830] =	vst v1  }
0x2a: {  	[tilespmem:$0x6840] =	vst v1  }
0x2b: {  	[tilespmem:$0x6850] =	vst v1  }
0x2c: {  	[tilespmem:$0x6860] =	vst v1  }
0x2d: {  	[tilespmem:$0x6870] =	vst v1  }
0x2e: {  	[tilespmem:$0x6880] =	vst v1  }
0x2f: {  	[tilespmem:$0x6890] =	vst v1  }
0x30: {  	[tilespmem:$0x68A0] =	vst v1  }
0x31: {  	[tilespmem:$0x68B0] =	vst v1  }
0x32: {  	[tilespmem:$0x68C0] =	vst v1  }
0x33: {  	[tilespmem:$0x68D0] =	vst v1  }
0x34: {  	[tilespmem:$0x68E0] =	vst v1  }
0x35: {  	[tilespmem:$0x68F0] =	vst v1  }
0x36: {  	[tilespmem:$0x6900] =	vst v1  }
0x37: {  	[tilespmem:$0x6910] =	vst v1  }
0x38: {  	[tilespmem:$0x6920] =	vst v1  }
0x39: {  	[tilespmem:$0x6930] =	vst v1  }
0x3a: {  	[tilespmem:$0x6940] =	vst v1  }
0x3b: {  	[tilespmem:$0x6950] =	vst v1  }
0x3c: {  	[tilespmem:$0x6960] =	vst v1  }
0x3d: {  	[tilespmem:$0x6970] =	vst v1  }
0x3e: {  	[tilespmem:$0x6980] =	vst v1  }
0x3f: {  	[tilespmem:$0x6990] =	vst v1  }
0x40: {  	[tilespmem:$0x69A0] =	vst v1  }
0x41: {  	[tilespmem:$0x69B0] =	vst v1  }
0x42: {  	[tilespmem:$0x69C0] =	vst v1  }
0x43: {  	[tilespmem:$0x69D0] =	vst v1  }
0x44: {  	[tilespmem:$0x69E0] =	vst v1  }
0x45: {  	[tilespmem:$0x69F0] =	vst v1  }
0x46: {  	[tilespmem:$0x6A00] =	vst v1  }
0x47: {  	[tilespmem:$0x6A10] =	vst v1  }
0x48: {  	[tilespmem:$0x6A20] =	vst v1  }
0x49: {  	[tilespmem:$0x6A30] =	vst v1  }
0x4a: {  	[tilespmem:$0x6A40] =	vst v1  }
0x4b: {  	[tilespmem:$0x6A50] =	vst v1  }
0x4c: {  	[tilespmem:$0x6A60] =	vst v1  }
0x4d: {  	[tilespmem:$0x6A70] =	vst v1  }
0x4e: {  	[tilespmem:$0x6A80] =	vst v1  }
0x4f: {  	[tilespmem:$0x6A90] =	vst v1  }
0x50: {  	[tilespmem:$0x6AA0] =	vst v1  }
0x51: {  	[tilespmem:$0x6AB0] =	vst v1  }
0x52: {  	[tilespmem:$0x6AC0] =	vst v1  }
0x53: {  	[tilespmem:$0x6AD0] =	vst v1  }
0x54: {  	[tilespmem:$0x6AE0] =	vst v1  }
0x55: {  	[tilespmem:$0x6AF0] =	vst v1  }
0x56: {  	[tilespmem:$0x6B00] =	vst v1  }
0x57: {  	[tilespmem:$0x6B10] =	vst v1  }
0x58: {  	[tilespmem:$0x6B20] =	vst v1  }
0x59: {  	[tilespmem:$0x6B30] =	vst v1  }
0x5a: {  	[tilespmem:$0x6B40] =	vst v1  }
0x5b: {  	[tilespmem:$0x6B50] =	vst v1  }
0x5c: {  	[tilespmem:$0x6B60] =	vst v1  }
0x5d: {  	[tilespmem:$0x6B70] =	vst v1  }
0x5e: {  	[tilespmem:$0x6B80] =	vst v1  }
0x5f: {  	[tilespmem:$0x6B90] =	vst v1  }
0x60: {  	[tilespmem:$0x6BA0] =	vst v1  }
0x61: {  	[tilespmem:$0x6BB0] =	vst v1  }
0x62: {  	[tilespmem:$0x6BC0] =	vst v1  }
0x63: {  	[tilespmem:$0x6BD0] =	vst v1  }
0x64: {  	[tilespmem:$0x6BE0] =	vst v1  }
0x65: {  	s0 =	sadd.s32 $0x0, s5;
	[tilespmem:$0x6BF0] =	vst v1  }
0x66: {  	[spmem:s0] =	stream.linear.scatter [tilespmem:s23], [sflag:$0x2], $0x400, $0x38;
	[tilespmem:$0x1A480] =	vst v63  }
0x67: {  	s0 =	simm.s32 $0x1000;
	_ =	swait.ge [sflag:s24], $0x400  }
.LBB2_4:
0x68: {  	s31 =	sshra.s32 s0, $0x2;
	[sflag:s24] =	ssyncset.done $0x0;
	p1 =	sne.s32 s0, $0x40000  }
.Ltmp1:
0x69: {  	s31 =	sadd.s32 s31, s5;
	[sflag:s24] =	ssyncadd.s32 $0xFFFFFC00;
	(pc) =	sbr.rel @p1 .LBB2_4-.Ltmp1, $3  }
0x6a: {  	[spmem:s31] =	stream.linear.scatter [tilespmem:s23], [sflag:$0x2], $0x400, $0x38;
	[tilespmem:$0x1A480] =	vst v63  }
0x6b: {  	s0 =	sadd.s32 $0x1000, s0;
	_ =	sdelay $0x1  }
0x6c: {  	_ =	swait.ge [sflag:s24], $0x400  }
0x6d: {  	[sflag:s24] =	ssyncset.done $0x0  }
0x6e: {  	s0 =	simm.s32 @!p0 $0x6800;
	s31 =	simm.s32 @!p0 $0x2;
	[sflag:s24] =	ssyncadd.s32 $0xFFFFFC00  }
0x6f: {  	[spmem:s9] =	stream.linear.scatter @!p0 [tilespmem:s0], [sflag:$0x2], $0x400, $0x38;
	[tilespmem:$0x1A480] =	vst v63  }
0x70: {  	_ =	swait.ge @!p0 [sflag:s31], $0x400  }
0x71: {  	[sflag:s31] =	ssyncset.done @!p0 $0x0  }
0x72: {  	[sflag:s31] =	ssyncadd.s32 @!p0 $0xFFFFFC00  }
0x73: {  	[spmem:s10] =	stream.linear.scatter @!p0 [tilespmem:s0], [sflag:$0x2], $0x400, $0x38;
	[tilespmem:$0x1A480] =	vst v63  }
0x74: {  	_ =	swait.ge @!p0 [sflag:s31], $0x400  }
0x75: {  	[sflag:s31] =	ssyncset.done @!p0 $0x0  }
0x76: {  	[sflag:s31] =	ssyncadd.s32 @!p0 $0xFFFFFC00  }
0x77: {  	[spmem:s11] =	stream.linear.scatter @!p0 [tilespmem:s0], [sflag:$0x2], $0x400, $0x38;
	[tilespmem:$0x1A480] =	vst v63  }
0x78: {  	_ =	swait.ge @!p0 [sflag:s31], $0x400  }
0x79: {  	[sflag:s31] =	ssyncset.done @!p0 $0x0  }
0x7a: {  	[sflag:s31] =	ssyncadd.s32 @!p0 $0xFFFFFC00  }
0x7b: {  	[spmem:s12] =	stream.linear.scatter @!p0 [tilespmem:s0], [sflag:$0x2], $0x400, $0x38;
	[tilespmem:$0x1A480] =	vst v63  }
0x7c: {  	_ =	swait.ge @!p0 [sflag:s31], $0x400  }
0x7d: {  	[sflag:s31] =	ssyncset.done @!p0 $0x0  }
0x7e: {  	[sflag:s31] =	ssyncadd.s32 @!p0 $0xFFFFFC00  }
0x7f: {  	[spmem:s13] =	stream.linear.scatter @!p0 [tilespmem:s0], [sflag:$0x2], $0x400, $0x38;
	[tilespmem:$0x1A480] =	vst v63  }
0x80: {  	_ =	swait.ge @!p0 [sflag:s31], $0x400  }
0x81: {  	[sflag:s31] =	ssyncset.done @!p0 $0x0  }
0x82: {  	[sflag:s31] =	ssyncadd.s32 @!p0 $0xFFFFFC00  }
0x83: {  	[spmem:s14] =	stream.linear.scatter @!p0 [tilespmem:s0], [sflag:$0x2], $0x400, $0x38;
	[tilespmem:$0x1A480] =	vst v63  }
0x84: {  	_ =	swait.ge @!p0 [sflag:s31], $0x400  }
0x85: {  	[sflag:s31] =	ssyncset.done @!p0 $0x0  }
0x86: {  	[sflag:s31] =	ssyncadd.s32 @!p0 $0xFFFFFC00  }
0x87: {  	[spmem:s15] =	stream.linear.scatter @!p0 [tilespmem:s0], [sflag:$0x2], $0x400, $0x38;
	[tilespmem:$0x1A480] =	vst v63  }
0x88: {  	_ =	swait.ge @!p0 [sflag:s31], $0x400  }
0x89: {  	[sflag:s31] =	ssyncset.done @!p0 $0x0  }
0x8a: {  	[sflag:s31] =	ssyncadd.s32 @!p0 $0xFFFFFC00  }
0x8b: {  	[spmem:s16] =	stream.linear.scatter @!p0 [tilespmem:s0], [sflag:$0x2], $0x400, $0x38;
	[tilespmem:$0x1A480] =	vst v63  }
0x8c: {  	_ =	swait.ge @!p0 [sflag:s31], $0x400  }
0x8d: {  	[sflag:s31] =	ssyncset.done @!p0 $0x0  }
0x8e: {  	[sflag:s31] =	ssyncadd.s32 @!p0 $0xFFFFFC00  }
0x8f: {  	[spmem:s17] =	stream.linear.scatter @!p0 [tilespmem:s0], [sflag:$0x2], $0x400, $0x38;
	[tilespmem:$0x1A480] =	vst v63  }
0x90: {  	_ =	swait.ge @!p0 [sflag:s31], $0x400  }
0x91: {  	[sflag:s31] =	ssyncset.done @!p0 $0x0  }
0x92: {  	[sflag:s31] =	ssyncadd.s32 @!p0 $0xFFFFFC00  }
0x93: {  	[spmem:s18] =	stream.linear.scatter @!p0 [tilespmem:s0], [sflag:$0x2], $0x400, $0x38;
	[tilespmem:$0x1A480] =	vst v63  }
0x94: {  	_ =	swait.ge @!p0 [sflag:s31], $0x400  }
0x95: {  	[sflag:s31] =	ssyncset.done @!p0 $0x0  }
0x96: {  	[sflag:s31] =	ssyncadd.s32 @!p0 $0xFFFFFC00  }
0x97: {  	[spmem:s19] =	stream.linear.scatter @!p0 [tilespmem:s0], [sflag:$0x2], $0x400, $0x38;
	[tilespmem:$0x1A480] =	vst v63  }
0x98: {  	_ =	swait.ge @!p0 [sflag:s31], $0x400  }
0x99: {  	[sflag:s31] =	ssyncset.done @!p0 $0x0  }
0x9a: {  	[sflag:s31] =	ssyncadd.s32 @!p0 $0xFFFFFC00  }
0x9b: {  	[spmem:s20] =	stream.linear.scatter @!p0 [tilespmem:s0], [sflag:$0x2], $0x400, $0x38;
	[tilespmem:$0x1A480] =	vst v63  }
0x9c: {  	_ =	swait.ge @!p0 [sflag:s31], $0x400  }
0x9d: {  	[sflag:s31] =	ssyncset.done @!p0 $0x0  }
0x9e: {  	[sflag:s31] =	ssyncadd.s32 @!p0 $0xFFFFFC00  }
0x9f: {  	[spmem:s21] =	stream.linear.scatter @!p0 [tilespmem:s0], [sflag:$0x2], $0x400, $0x38;
	[tilespmem:$0x1A480] =	vst v63  }
0xa0: {  	_ =	swait.ge @!p0 [sflag:s31], $0x400  }
0xa1: {  	[sflag:s31] =	ssyncset.done @!p0 $0x0  }
0xa2: {  	[sflag:s31] =	ssyncadd.s32 @!p0 $0xFFFFFC00  }
0xa3: {  	[spmem:s22] =	stream.linear.scatter @!p0 [tilespmem:s0], [sflag:$0x2], $0x400, $0x38;
	[tilespmem:$0x1A480] =	vst v63  }
0xa4: {  	_ =	swait.ge @!p0 [sflag:s31], $0x400  }
0xa5: {  	[sflag:s31] =	ssyncset.done @!p0 $0x0  }
0xa6: {  	[sflag:s31] =	ssyncadd.s32 @!p0 $0xFFFFFC00  }
0xa7: {  	[bflag:$0x0] =	sbarrier.arrive $0xFFFF  }
0xa8: {  	_ =	swait.ge [sflag:s26], $0x3E80  }
0xa9: {  	[sflag:s26] =	ssyncset.done $0x0  }
0xaa: {  	s31 =	simm.s32 $0x0;
	[sflag:s26] =	ssyncadd.s32 $0xFFFFC180  }
0xab: {  	[spmem:s2] =	stream.indirect.scatter.add.f32 [tilespmem:s29], [sflag:$0x2], $0x80, s31, s28, $0xb8;
	[tilespmem:$0x1A480] =	vst v63  }
0xac: {  	_ =	swait.ge [sflag:s24], $0x2800  }
0xad: {  	s0 =	simm.s32 $0x200;
	[sflag:s24] =	ssyncset.done $0x0  }
.LBB2_6:
0xae: {  	s31 =	sshra.s32 s0, $0x2;
	[sflag:s24] =	ssyncadd.s32 $0xFFFFD800;
	p1 =	sne.s32 s0, $0xF800  }
0xaf: {  	[spmem:s2] =	stream.indirect.scatter.add.f32 [tilespmem:s29], [sflag:$0x2], $0x80, s31, s28, $0xb8;
	[tilespmem:$0x1A480] =	vst v63  }
.Ltmp2:
0xb0: {  	_ = 	snop;
	(pc) =	sbr.rel @p1 .LBB2_6-.Ltmp2, $4  }
0xb1: {  	_ = 	snop  }
0xb2: {  	s0 =	sadd.s32 $0x200, s0  }
0xb3: {  	_ =	swait.ge [sflag:s24], $0x2800  }
0xb4: {  	[sflag:s24] =	ssyncset.done $0x0  }
0xb5: {  	[sflag:s24] =	ssyncadd.s32 $0xFFFFD800;
	s0 =	sshll.u32 s1, $0x6  }
0xb6: {  	s31 =	sshrl.u32 s5, $0x3;
	[bflag:$0x0] =	sbarrier.arrive $0xFFFF;
	s0 =	sor.u32 $0x1C02, s0  }
0xb7: {  	[hbm:s6], [sflag:s0] =	dma.local [spmem:s31], $0x2080  }
0xb8: {  	_ =	swait.ge [sflag:s24], $0x2080  }
0xb9: {  	s30 =	sadd.s32 $0x1, s30;
	[sflag:s24] =	ssyncset.done $0x0  }
0xba: {  	p1 =	sne.s32 s30, s8;
	[sflag:s24] =	ssyncadd.s32 $0xFFFFDF80  }
0xbb: {  	[hbm:s7], [sflag:s0] =	dma.local @!p0 [spmem:s25], $0x700  }
.Ltmp3:
0xbc: {  	_ = 	snop;
	(pc) =	sbr.rel @p1 .LBB2_1-.Ltmp3, $4  }
0xbd: {  	s0 =	simm.s32 @!p0 $0x2  }
0xbe: {  	_ =	swait.ge @!p0 [sflag:s0], $0x700  }
0xbf: {  	[sflag:s0] =	ssyncset.done @!p0 $0x0  }
0xc0: {  	[sflag:s0] =	ssyncadd.s32 @!p0 $0xFFFFF900  }
0xc1: {  	_ =	sfence.sel $0x180000  }
0xc2: {  	[bflag:$0x0] =	sbarrier.arrive $0xFFFF  }
0xc3: {  	_ =	strace $0x90000047  }
0xc4: {  	[bflag:$0x2] =	sbarrier.arrive $0xFFFF  }
0xc5: {  	p0 =	sne.s32 s1, $0x0;
	s0 =	rddreg [dreg:$0x2]  }
0xc6: {  	s0 =	sadd.s32 @!p0 $0x100000, s0  }
0xc7: {  	[sflag:s0] =	ssyncadd.tile.s32 @!p0 $0x1;
	_ =	shalt  }
.Lfunc_end2:
_tile_overlayer_lowered:
.L_overlay_start_2:
0xc8: {  	(tag) =	ssettag $0x2  }
0xc9: {  	s0 =	rddreg [dreg:$0x0];
	s2 =	stileid.u32  }
0xca: {  	s1 =	rddreg [dreg:$0x1];
	p0 =	sne.s32 s2, $0x0  }
0xcb: {  	s3 =	rddreg [dreg:$0x2];
	[bflag:$0x3] =	sbarrier.arrive $0xFFFF;
	s2 =	simm.s32 @!p0 $0x1C02  }
0xcc: {  	[timem:s3], [sflag:s2] =	dma.local @!p0 [hbm:s0], s1  }
0xcd: {  	s0 =	simm.s32 @!p0 $0x2  }
0xce: {  	_ =	swait.ge @!p0 [sflag:s0], s1  }
0xcf: {  	s1 =	ssub.s32 @!p0 $0x0, s1;
	[sflag:s0] =	ssyncset.done @!p0 $0x0  }
0xd0: {  	[sflag:s0] =	ssyncadd.s32 @!p0 s1  }
0xd1: {  	[bflag:$0x3] =	sbarrier.arrive $0xFFFF  }
0xd2: {  	_ =	shalt  }

// kernel: kernel.13.cloned.1.call-start
scs
__scs_entry_jumppad:
0x0: {  	(pc) =	sbr.rel $0x88, $3  }
0x1: {  	(tag) =	ssettag $0x0;
	lr =	simm.s32 $0x1  }
0x2: {  	[smem:$0x3F96] =	sst lr;
	_ =	strace $0xD0000000  }
0x3: {  	_ = 	snop  }
0x4: {  	_ = 	snop  }
0x5: {  	_ = 	snop  }
0x6: {  	_ = 	snop  }
0x7: {  	_ = 	snop  }
__scs_overlays_trampoline_lowered:
0x8: {  	[smem:$0x3FA5] =	sst s0  }
0x9: {  	[smem:$0x3FA6] =	sst s1  }
0xa: {  	[smem:$0x3FA7] =	sst s2  }
0xb: {  	[smem:$0x3FA8] =	sst s3  }
0xc: {  	[smem:$0x3FA9] =	sst s4  }
0xd: {  	[smem:$0x3FAA] =	sst s5  }
0xe: {  	[smem:$0x3FAB] =	sst s6  }
0xf: {  	[smem:$0x3FAC] =	sst s7  }
0x10: {  	[smem:$0x3FAD] =	sst s8  }
0x11: {  	[smem:$0x3FAE] =	sst s9;
	s0 =	simm.s32 @!p0 $0x0  }
0x12: {  	s1 =	sld [smem:$0x3F94];
	s0 =	simm.s32 @p0 $0x1  }
0x13: {  	[smem:$0x3FAF] =	sst s0;
	s0 =	simm.s32 @!p1 $0x0  }
0x14: {  	s2 =	sld [smem:$0x3F93];
	s0 =	simm.s32 @p1 $0x1  }
0x15: {  	[smem:$0x3FB0] =	sst s0;
	s0 =	simm.s32 @!p2 $0x0  }
0x16: {  	s3 =	sld [smem:$0x3FDB];
	s0 =	simm.s32 @p2 $0x1  }
0x17: {  	s4 =	simm.s32 $0x1BF5;
	[smem:$0x3FB2] =	sst s0  }
0x18: {  	s0 =	sld [smem:$0x3F95];
	_ =	swait.ge [sflag:s4], $0x0  }
0x19: {  	s7 =	sld [smem:$0x3F96]  }
0x1a: {  	s8 =	sadd.s32 $0xFFFFE003, lr  }
0x1b: {  	s9 =	sadd.s32 $0xFFFFFEF7, lr;
	s5 =	simm.s32 $0xFFFFFFFF;
	p2 =	slt.u32 s8, $0xFFFFF086  }
0x1c: {  	p1 =	slt.u32 s9, $0xF7A;
	s5 =	simm.s32 @!p2 $0x0  }
0x1d: {  	s5 =	simm.s32 @p1 $0x1;
	p0 =	seq.s32 s7, s2  }
0x1e: {  	s7 =	smul.u32 @!p0 $0xF7A, s2;
	p2 =	seq.s32 @!p0 s5, $0x0  }
0x1f: {  	s9 =	smul.u32 $0xF7A, s1;
	s8 =	simm.s32 @!p0 $0x1BF5;
	p2 =	por !p2, p0  }
0x20: {  	[sflag:s8] =	ssyncset.s32 @!p0 $0xFFFFF086;
	s6 =	sadd.s32 @!p0 s3, s7;
	s7 =	simm.s32 @!p0 $0x108  }
0x21: {  	s3 =	sadd.s32 s3, s9;
	s6 =	sadd.s32 @!p0 $0x88, s6;
	s7 =	simm.s32 @p2 $0x1082  }
0x22: {  	[simem:s7], [sflag:s8] =	dma.local @!p0 [hbm:s6], $0xF7A  }
0x23: {  	s9 =	sor.u32 $0xD0000000, s2;
	s6 =	simm.s32 $0x108;
	_ =	swait.ge @!p0 [sflag:s8], $0x0  }
0x24: {  	s3 =	sadd.s32 $0x88, s3;
	s6 =	simm.s32 @!p1 $0x1082;
	[sflag:s4] =	ssyncset.s32 $0xFFFFF086  }
0x25: {  	[simem:s6], [sflag:s4] =	dma.local [hbm:s3], $0xF7A  }
0x26: {  	[smem:$0x3F96] =	sst s1;
	(tag) =	ssettag s2;
	_ =	strace s9  }
0x27: {  	s1 =	sld [smem:$0x3FA6]  }
0x28: {  	s2 =	sld [smem:$0x3FA7]  }
0x29: {  	s4 =	sld [smem:$0x3FA9]  }
0x2a: {  	p0 =	seq.s32 s5, $0x0;
	s5 =	sld [smem:$0x3FAA]  }
0x2b: {  	s6 =	sld [smem:$0x3FAB]  }
0x2c: {  	s7 =	sld [smem:$0x3FAC]  }
0x2d: {  	s3 =	simm.s32 $0x108;
	s8 =	sld [smem:$0x3FAD]  }
0x2e: {  	s3 =	simm.s32 @!p0 $0x1082;
	s9 =	sld [smem:$0x3FAE]  }
0x2f: {  	lr =	sadd.s32 s0, s3;
	s0 =	sld [smem:$0x3FA5]  }
0x30: {  	s3 =	sld [smem:$0x3FA8]  }
0x31: {  	[smem:$0x3FB1] =	sst s10  }
0x32: {  	s10 =	sld [smem:$0x3FAF];
	_ =	sdelay $0x3  }
0x33: {  	p0 =	seq.s32 s10, $0x1;
	s10 =	sld [smem:$0x3FB1];
	_ =	sdelay $0x3  }
0x34: {  	[smem:$0x3FB1] =	sst s10  }
0x35: {  	s10 =	sld [smem:$0x3FB0];
	_ =	sdelay $0x3  }
0x36: {  	p1 =	seq.s32 s10, $0x1;
	s10 =	sld [smem:$0x3FB1];
	_ =	sdelay $0x3  }
0x37: {  	[smem:$0x3FB1] =	sst s10  }
0x38: {  	s10 =	sld [smem:$0x3FB2]  }
0x39: {  	_ = 	snop;
	(pc) =	sbr.ind lr, $3  }
0x3a: {  	_ = 	snop  }
0x3b: {  	_ = 	snop  }
0x3c: {  	p2 =	seq.s32 s10, $0x1;
	s10 =	sld [smem:$0x3FB1]  }
0x3d: {  	_ =	shalt  }
0x3e: {  	_ =	shalt  }
0x3f: {  	_ =	shalt  }
0x40: {  	_ =	shalt  }
0x41: {  	_ =	shalt  }
0x42: {  	_ =	shalt  }
0x43: {  	_ =	shalt  }
0x44: {  	_ =	shalt  }
0x45: {  	_ =	shalt  }
0x46: {  	_ =	shalt  }
0x47: {  	_ =	shalt  }
0x48: {  	_ =	shalt  }
0x49: {  	_ =	shalt  }
0x4a: {  	_ =	shalt  }
0x4b: {  	_ =	shalt  }
0x4c: {  	_ =	shalt  }
0x4d: {  	_ =	shalt  }
0x4e: {  	_ =	shalt  }
0x4f: {  	_ =	shalt  }
0x50: {  	_ =	shalt  }
0x51: {  	_ =	shalt  }
0x52: {  	_ =	shalt  }
0x53: {  	_ =	shalt  }
0x54: {  	_ =	shalt  }
0x55: {  	_ =	shalt  }
0x56: {  	_ =	shalt  }
0x57: {  	_ =	shalt  }
0x58: {  	_ =	shalt  }
0x59: {  	_ =	shalt  }
0x5a: {  	_ =	shalt  }
0x5b: {  	_ =	shalt  }
0x5c: {  	_ =	shalt  }
0x5d: {  	_ =	shalt  }
0x5e: {  	_ =	shalt  }
0x5f: {  	_ =	shalt  }
0x60: {  	_ =	shalt  }
0x61: {  	_ =	shalt  }
0x62: {  	_ =	shalt  }
0x63: {  	_ =	shalt  }
0x64: {  	_ =	shalt  }
0x65: {  	_ =	shalt  }
0x66: {  	_ =	shalt  }
0x67: {  	_ =	shalt  }
0x68: {  	_ =	shalt  }
0x69: {  	_ =	shalt  }
0x6a: {  	_ =	shalt  }
0x6b: {  	_ =	shalt  }
0x6c: {  	_ =	shalt  }
0x6d: {  	_ =	shalt  }
0x6e: {  	_ =	shalt  }
0x6f: {  	_ =	shalt  }
0x70: {  	_ =	shalt  }
0x71: {  	_ =	shalt  }
0x72: {  	_ =	shalt  }
0x73: {  	_ =	shalt  }
0x74: {  	_ =	shalt  }
0x75: {  	_ =	shalt  }
0x76: {  	_ =	shalt  }
0x77: {  	_ =	shalt  }
0x78: {  	_ =	shalt  }
0x79: {  	_ =	shalt  }
0x7a: {  	_ =	shalt  }
0x7b: {  	_ =	shalt  }
0x7c: {  	_ =	shalt  }
0x7d: {  	_ =	shalt  }
0x7e: {  	_ =	shalt  }
0x7f: {  	_ =	shalt  }
0x80: {  	_ =	shalt  }
0x81: {  	_ =	shalt  }
0x82: {  	_ =	shalt  }
0x83: {  	_ =	shalt  }
0x84: {  	_ =	shalt  }
0x85: {  	_ =	shalt  }
0x86: {  	_ =	shalt  }
0x87: {  	_ =	shalt  }
.Lfunc_end0:
.L_simem_size_0:
called_computation.1_lowered:
.L_overlay_start_0:
0x88: {  	s2 =	sld [smem:$0x3FD9]  }
0x89: {  	s3 =	sld [smem:$0x3FFE];
	_ =	sdelay $0x1  }
0x8a: {  	s1 =	srdreg.scid  }
0x8b: {  	s0 =	sand.u32 $0x1, s1  }
0x8c: {  	s16 =	sshll.u32 s0, $0xA;
	s2 =	sadd.s32 s3, s2  }
0x8d: {  	s2 =	sadd.s32 s2, s16  }
0x8e: {  	[smem:$0x3FBD] =	sst s2  }
0x8f: {  	_ = 	snop  }
0x90: {  	(tm) =	ssettm $0x1  }
0x91: {  	s17 =	sld [smem:$0x3FFB];
	_ =	sdelay $0x3  }
0x92: {  	_ =	strace s17  }
0x93: {  	s2 =	sld [smem:$0x3FFC];
	_ =	sdelay $0x3  }
0x94: {  	_ =	strace s2  }
0x95: {  	s2 =	sld [smem:$0x3FFD];
	_ =	sdelay $0x3  }
0x96: {  	_ =	strace s2  }
0x97: {  	_ =	strace $0x8FFFFFFF  }
0x98: {  	s18 =	sld [smem:$0x3FDB];
	_ =	sdelay $0x1  }
0x99: {  	s19 =	simm.s32 $_scs_section_size  }
0x9a: {  	s4 =	simm.s32 $_size__tile_overlayer_lowered;
	s5 =	simm.s32 $_tile_overlayer_lowered  }
0x9b: {  	s22 =	simm.s32 $0x1BFF;
	s21 =	sshll.u32 s5, $0x1;
	s2 =	sadd.s32 s19, s18  }
0x9c: {  	s6 =	simm.s32 $0x0;
	s20 =	sshll.u32 s4, $0x1;
	s4 =	sadd.s32 s21, s2  }
0x9d: {  	[timem:s6], [sflag:s22] =	dma.local [hbm:s4], s20  }
0x9e: {  	_ =	swait.ge [sflag:s22], s20  }
0x9f: {  	s3 =	ssub.s32 $0x0, s20;
	[sflag:s22] =	ssyncset.done $0x0  }
0xa0: {  	[sflag:s22] =	ssyncadd.s32 s3;
	_ =	sdelay $0x1  }
0xa1: {  	s23 =	simm.s32 $0x1B8B  }
0xa2: {  	_ =	swait.ge [sflag:s23], $0x1  }
0xa3: {  	[sflag:s23] =	ssyncset.done $0x0  }
0xa4: {  	s25 =	simm.s32 $0x1B8E;
	s24 =	sld [smem:$0x3FFE];
	[sflag:s23] =	ssyncadd.s32 $0xFFFFFFFF  }
0xa5: {  	s26 =	simm.s32 $execute0_lowered;
	[smem:$0x3FD2] =	sst s25  }
0xa6: {  	s4 =	sshll.u32 s26, $0x1;
	_ =	strace $0x80000049;
	[dreg:$0x1] =	wrdreg $0xFFFFFFFF  }
0xa7: {  	s28 =	simm.s32 $_size_execute0_lowered;
	s2 =	sadd.s32 s2, s4;
	[dreg:$0x0] =	wrdreg $0x0  }
0xa8: {  	s4 =	sshll.u32 s28, $0x1;
	[dreg:$0x2] =	wrdreg s2  }
0xa9: {  	[dreg:$0x3] =	wrdreg s4  }
0xaa: {  	[dreg:$0x4] =	wrdreg $0xC0  }
0xab: {  	_ =	task [dreg:s6], $0x5FFFF  }
0xac: {  	[dreg:$0x1] =	wrdreg $0xFFFFFFFF  }
0xad: {  	[dreg:$0x0] =	wrdreg $0x60  }
0xae: {  	[dreg:$0x2] =	wrdreg s24  }
0xaf: {  	[dreg:$0x3] =	wrdreg $0x95000  }
0xb0: {  	[dreg:$0x4] =	wrdreg $0x9  }
0xb1: {  	_ =	task.clear_ibuf [dreg:s6], $0x5FFFF;
	_ =	strace $0x90000049  }
0xb2: {  	s29 =	simm.s32 $0x9;
	_ =	strace $0x8000004B  }
0xb3: {  	_ =	swait.ge [sflag:s29], $0x1  }
0xb4: {  	[sflag:s29] =	ssyncadd.s32 $0xFFFFFFFF  }
0xb5: {  	_ =	strace $0x9000004B  }
0xb6: {  	_ =	sfence  }
0xb7: {  	s30 =	sld [smem:$0x0];
	_ =	sdelay $0x2  }
0xb8: {  	s31 =	sshll.u32 s1, $0xD;
	s1 =	sshrl.u32 s1, $0x2  }
0xb9: {  	s3 =	sand.u32 $0x4000, s31;
	s1 =	sadd.s32 s1, s30  }
0xba: {  	s0 =	sor.u32 s3, s0;
	s1 =	sshll.u32 s1, $0x11  }
0xbb: {  	s0 =	sor.u32 s1, s0  }
0xbc: {  	s0 =	sadd.s32 $0x8F2B, s0  }
0xbd: {  	[sflag:s0] =	ssyncadd.remote.s32 $0x1  }
0xbe: {  	_ =	sfence.sel $0xFFFF  }
0xbf: {  	[dreg:$0x0] =	wrdreg $0xFFFFFFFF;
	(pc) =	sbr.abs _section_cstart, $3  }
0xc0: {  	[dreg:$0x1] =	wrdreg $0xFFFFFFFF  }
0xc1: {  	_ =	task.clear_ibuf [dreg:s6], $0x2FFFF;
	_ =	strace $0x9FFFFFFF  }
0xc2: {  	(tm) =	ssettm $0x7FFFFFFF  }
0xc3: {  	_ =	shalt  }
tec
execute0_lowered:
.L_overlay_start_1:
0x0: {  	(tag) =	ssettag $0x1  }
0x1: {  	s0 =	rddreg [dreg:$0x0];
	s13 =	stileid.u32  }
0x2: {  	s1 =	rddreg [dreg:$0x1];
	s7 =	smul.u32 $0x4F000, s13  }
0x3: {  	s2 =	srdreg.scid;
	s3 =	simm.s32 $0x0;
	s12 =	smul.u32 $0x13C00, s13  }
0x4: {  	s2 =	sand.u32 $0x1, s2;
	[smem:$0x7FF] =	sst s3;
	s16 =	smul.u32 $0x2710, s13  }
0x5: {  	p0 =	seq.s32 s13, $0xF;
	s4 =	sshll.u32 s2, $0x4;
	s10 =	smul.u32 $0x138800, s2  }
0x6: {  	_ =	strace $0x8000004A;
	s9 =	ssub.s32 $0x2, s2;
	s2 =	smul.u32 $0x27100, s2  }
0x7: {  	s5 =	sor.u32 s13, s4;
	s4 =	sadd.s32 $0xDC00, s0;
	s11 =	sshrl.u32 s9, $0x1  }
0x8: {  	s7 =	sshrl.u32 s7, $0x2;
	s23 =	sadd.s32 $0x10400, s12;
	s13 =	simm.s32 $0x4080  }
0x9: {  	s6 =	sshll.u32 s5, $0xB;
	s8 =	smul.u32 $0x2710, s5;
	s5 =	sadd.s32 $0x3E00, s0  }
0xa: {  	s9 =	ssub.s32 s9, s11;
	s7 =	sadd.s32 s7, s1;
	s22 =	sadd.s32 s12, s10  }
0xb: {  	s25 =	sadd.s32 s10, s23;
	s2 =	sadd.s32 s16, s2;
	s11 =	simm.s32 $0x4000  }
0xc: {  	s16 =	simm.s32 $0x2;
	s6 =	sadd.s32 s6, s0;
	s14 =	smax.u32 s9, $0x1  }
0xd: {  	s0 =	sadd.s32 $0x7BE00, s0;
	s15 =	sadd.s32 $0x10400, s7;
	[dreg:$0x7] =	wrdreg s14  }
0xe: {  	s24 =	sshrl.u32 s22, $0x3;
	s17 =	sadd.s32 $0x10800, s7;
	[dreg:$0x8] =	wrdreg s15  }
0xf: {  	s10 =	sshrl.u32 s25, $0x3;
	s18 =	sadd.s32 $0x10C00, s7;
	[dreg:$0x9] =	wrdreg s17  }
0x10: {  	s19 =	sadd.s32 $0x11000, s7;
	s20 =	sadd.s32 $0x11400, s7;
	[dreg:$0xa] =	wrdreg s18  }
0x11: {  	s22 =	sadd.s32 $0x11C00, s7;
	s25 =	sadd.s32 $0x12400, s7;
	[dreg:$0xb] =	wrdreg s19  }
0x12: {  	s28 =	sadd.s32 $0x13000, s7;
	s29 =	sadd.s32 $0x13400, s7;
	[dreg:$0xc] =	wrdreg s20  }
0x13: {  	s30 =	sadd.s32 $0x13800, s7;
	s9 =	simm.s32 $0x50;
	[dreg:$0xe] =	wrdreg s22  }
0x14: {  	s6 =	sadd.s32 $0x6BE00, s6;
	s21 =	sshrl.u32 s8, $0x3;
	[dreg:$0x10] =	wrdreg s25  }
0x15: {  	s14 =	simm.s32 $0x1;
	s15 =	simm.s32 $0x3;
	s17 =	simm.s32 $0x4  }
0x16: {  	s18 =	simm.s32 $0x0;
	[dreg:$0x3] =	wrdreg s6;
	s12 =	sadd.s32 s5, s21  }
0x17: {  	s6 =	sadd.s32 s0, s24;
	s0 =	sadd.s32 s0, s10;
	s21 =	sadd.s32 $0x11800, s7  }
0x18: {  	s24 =	sadd.s32 $0xF0, s2;
	s10 =	simm.s32 $0x4100;
	[dreg:$0x5] =	wrdreg s6  }
0x19: {  	s26 =	sadd.s32 $0xA, s12;
	[dreg:$0x6] =	wrdreg s0;
	s0 =	sadd.s32 s23, s1  }
0x1a: {  	[dreg:$0xd] =	wrdreg s21;
	s23 =	sadd.s32 $0x12000, s7;
	s6 =	sshrl.u32 s24, $0x3  }
0x1b: {  	s25 =	smov.u32 s12;
	s31 =	sadd.s32 $0x4D8, s12;
	[dreg:$0x4] =	wrdreg s26  }
0x1c: {  	s12 =	simm.s32 $0x6900;
	[dreg:$0xf] =	wrdreg s23;
	s26 =	sadd.s32 $0x12800, s7  }
0x1d: {  	s23 =	sadd.s32 $0xA0, s2;
	s24 =	sadd.s32 s6, s5;
	s0 =	sshrl.u32 @!p0 s0, $0x3  }
0x1e: {  	s2 =	simm.s32 $0x6;
	s6 =	simm.s32 $0x5;
	[dreg:$0x11] =	wrdreg s26  }
0x1f: {  	v0 =	vimm.f32 $0.0e+00;
	[dreg:$0x12] =	wrdreg s0;
	s26 =	sadd.s32 $0x12C00, s7;
	s0 =	simm.s32 $0x9100  }
.LBB2_1:
0x20: {  	s8 =	rddreg [dreg:$0x3]  }
0x21: {  	[tilespmem:s3], [sflag:$0x5] =	stream.linear.gather [hbm4b:s8+s3], $0x3E80, $0x38;
	[tilespmem:$0x1CD80] =	vst v63  }
0x22: {  	[tilespmem:$0x9100] =	vst v0  }
0x23: {  	[tilespmem:$0x9110] =	vst v0  }
0x24: {  	[tilespmem:$0x9120] =	vst v0  }
0x25: {  	[tilespmem:$0x9130] =	vst v0  }
0x26: {  	[tilespmem:$0x9140] =	vst v0  }
0x27: {  	[tilespmem:$0x9150] =	vst v0  }
0x28: {  	[tilespmem:$0x9160] =	vst v0  }
0x29: {  	[tilespmem:$0x9170] =	vst v0  }
0x2a: {  	[tilespmem:$0x9180] =	vst v0  }
0x2b: {  	[tilespmem:$0x9190] =	vst v0  }
0x2c: {  	[tilespmem:$0x91A0] =	vst v0  }
0x2d: {  	[tilespmem:$0x91B0] =	vst v0  }
0x2e: {  	[tilespmem:$0x91C0] =	vst v0  }
0x2f: {  	[tilespmem:$0x91D0] =	vst v0  }
0x30: {  	[tilespmem:$0x91E0] =	vst v0  }
0x31: {  	[tilespmem:$0x91F0] =	vst v0  }
0x32: {  	[tilespmem:$0x9200] =	vst v0  }
0x33: {  	[tilespmem:$0x9210] =	vst v0  }
0x34: {  	[tilespmem:$0x9220] =	vst v0  }
0x35: {  	[tilespmem:$0x9230] =	vst v0  }
0x36: {  	[tilespmem:$0x9240] =	vst v0  }
0x37: {  	[tilespmem:$0x9250] =	vst v0  }
0x38: {  	[tilespmem:$0x9260] =	vst v0  }
0x39: {  	[tilespmem:$0x9270] =	vst v0  }
0x3a: {  	[tilespmem:$0x9280] =	vst v0  }
0x3b: {  	[tilespmem:$0x9290] =	vst v0  }
0x3c: {  	[tilespmem:$0x92A0] =	vst v0  }
0x3d: {  	[tilespmem:$0x92B0] =	vst v0  }
0x3e: {  	[tilespmem:$0x92C0] =	vst v0  }
0x3f: {  	[tilespmem:$0x92D0] =	vst v0  }
0x40: {  	[tilespmem:$0x92E0] =	vst v0  }
0x41: {  	[tilespmem:$0x92F0] =	vst v0  }
0x42: {  	[tilespmem:$0x9300] =	vst v0  }
0x43: {  	[tilespmem:$0x9310] =	vst v0  }
0x44: {  	[tilespmem:$0x9320] =	vst v0  }
0x45: {  	[tilespmem:$0x9330] =	vst v0  }
0x46: {  	[tilespmem:$0x9340] =	vst v0  }
0x47: {  	[tilespmem:$0x9350] =	vst v0  }
0x48: {  	[tilespmem:$0x9360] =	vst v0  }
0x49: {  	[tilespmem:$0x9370] =	vst v0  }
0x4a: {  	[tilespmem:$0x9380] =	vst v0  }
0x4b: {  	[tilespmem:$0x9390] =	vst v0  }
0x4c: {  	[tilespmem:$0x93A0] =	vst v0  }
0x4d: {  	[tilespmem:$0x93B0] =	vst v0  }
0x4e: {  	[tilespmem:$0x93C0] =	vst v0  }
0x4f: {  	[tilespmem:$0x93D0] =	vst v0  }
0x50: {  	[tilespmem:$0x93E0] =	vst v0  }
0x51: {  	[tilespmem:$0x93F0] =	vst v0  }
0x52: {  	[tilespmem:$0x9400] =	vst v0  }
0x53: {  	[tilespmem:$0x9410] =	vst v0  }
0x54: {  	[tilespmem:$0x9420] =	vst v0  }
0x55: {  	[tilespmem:$0x9430] =	vst v0  }
0x56: {  	[tilespmem:$0x9440] =	vst v0  }
0x57: {  	[tilespmem:$0x9450] =	vst v0  }
0x58: {  	[tilespmem:$0x9460] =	vst v0  }
0x59: {  	[tilespmem:$0x9470] =	vst v0  }
0x5a: {  	[tilespmem:$0x9480] =	vst v0  }
0x5b: {  	[tilespmem:$0x9490] =	vst v0  }
0x5c: {  	[tilespmem:$0x94A0] =	vst v0  }
0x5d: {  	[tilespmem:$0x94B0] =	vst v0  }
0x5e: {  	[tilespmem:$0x94C0] =	vst v0  }
0x5f: {  	[tilespmem:$0x94D0] =	vst v0  }
0x60: {  	[tilespmem:$0x94E0] =	vst v0  }
0x61: {  	s22 =	sadd.s32 $0x0, s7;
	[tilespmem:$0x94F0] =	vst v0  }
0x62: {  	[spmem:s22] =	stream.linear.scatter [tilespmem:s0], [sflag:$0x6], $0x400, $0x38;
	[tilespmem:$0x1CD80] =	vst v63  }
0x63: {  	s19 =	simm.s32 $0x1000;
	_ =	swait.ge [sflag:s2], $0x400  }
.LBB2_2:
0x64: {  	s8 =	sshra.s32 s19, $0x2;
	[sflag:s2] =	ssyncset.done $0x0;
	p1 =	sne.s32 s19, $0x40000  }
.Ltmp0:
0x65: {  	s8 =	sadd.s32 s8, s7;
	[sflag:s2] =	ssyncadd.s32 $0xFFFFFC00;
	(pc) =	sbr.rel @p1 .LBB2_2-.Ltmp0, $3  }
0x66: {  	[spmem:s8] =	stream.linear.scatter [tilespmem:s0], [sflag:$0x6], $0x400, $0x38;
	[tilespmem:$0x1CD80] =	vst v63  }
0x67: {  	s19 =	sadd.s32 $0x1000, s19;
	_ =	sdelay $0x1  }
0x68: {  	_ =	swait.ge [sflag:s2], $0x400  }
0x69: {  	[sflag:s2] =	ssyncset.done $0x0  }
0x6a: {  	s8 =	simm.s32 @!p0 $0x9100;
	s19 =	rddreg [dreg:$0x8];
	[sflag:s2] =	ssyncadd.s32 $0xFFFFFC00  }
0x6b: {  	[spmem:s19] =	stream.linear.scatter @!p0 [tilespmem:s8], [sflag:$0x6], $0x400, $0x38;
	[tilespmem:$0x1CD80] =	vst v63  }
0x6c: {  	s19 =	simm.s32 @!p0 $0x6  }
0x6d: {  	_ =	swait.ge @!p0 [sflag:s19], $0x400  }
0x6e: {  	[sflag:s19] =	ssyncset.done @!p0 $0x0  }
0x6f: {  	s20 =	rddreg [dreg:$0x9];
	[sflag:s19] =	ssyncadd.s32 @!p0 $0xFFFFFC00  }
0x70: {  	[spmem:s20] =	stream.linear.scatter @!p0 [tilespmem:s8], [sflag:$0x6], $0x400, $0x38;
	[tilespmem:$0x1CD80] =	vst v63  }
0x71: {  	_ =	swait.ge @!p0 [sflag:s19], $0x400  }
0x72: {  	[sflag:s19] =	ssyncset.done @!p0 $0x0  }
0x73: {  	s20 =	rddreg [dreg:$0xa];
	[sflag:s19] =	ssyncadd.s32 @!p0 $0xFFFFFC00  }
0x74: {  	[spmem:s20] =	stream.linear.scatter @!p0 [tilespmem:s8], [sflag:$0x6], $0x400, $0x38;
	[tilespmem:$0x1CD80] =	vst v63  }
0x75: {  	_ =	swait.ge @!p0 [sflag:s19], $0x400  }
0x76: {  	[sflag:s19] =	ssyncset.done @!p0 $0x0  }
0x77: {  	s20 =	rddreg [dreg:$0xb];
	[sflag:s19] =	ssyncadd.s32 @!p0 $0xFFFFFC00  }
0x78: {  	[spmem:s20] =	stream.linear.scatter @!p0 [tilespmem:s8], [sflag:$0x6], $0x400, $0x38;
	[tilespmem:$0x1CD80] =	vst v63  }
0x79: {  	_ =	swait.ge @!p0 [sflag:s19], $0x400  }
0x7a: {  	[sflag:s19] =	ssyncset.done @!p0 $0x0  }
0x7b: {  	s20 =	rddreg [dreg:$0xc];
	[sflag:s19] =	ssyncadd.s32 @!p0 $0xFFFFFC00  }
0x7c: {  	[spmem:s20] =	stream.linear.scatter @!p0 [tilespmem:s8], [sflag:$0x6], $0x400, $0x38;
	[tilespmem:$0x1CD80] =	vst v63  }
0x7d: {  	_ =	swait.ge @!p0 [sflag:s19], $0x400  }
0x7e: {  	[sflag:s19] =	ssyncset.done @!p0 $0x0  }
0x7f: {  	s20 =	rddreg [dreg:$0xd];
	[sflag:s19] =	ssyncadd.s32 @!p0 $0xFFFFFC00  }
0x80: {  	[spmem:s20] =	stream.linear.scatter @!p0 [tilespmem:s8], [sflag:$0x6], $0x400, $0x38;
	[tilespmem:$0x1CD80] =	vst v63  }
0x81: {  	_ =	swait.ge @!p0 [sflag:s19], $0x400  }
0x82: {  	[sflag:s19] =	ssyncset.done @!p0 $0x0  }
0x83: {  	s20 =	rddreg [dreg:$0xe];
	[sflag:s19] =	ssyncadd.s32 @!p0 $0xFFFFFC00  }
0x84: {  	[spmem:s20] =	stream.linear.scatter @!p0 [tilespmem:s8], [sflag:$0x6], $0x400, $0x38;
	[tilespmem:$0x1CD80] =	vst v63  }
0x85: {  	_ =	swait.ge @!p0 [sflag:s19], $0x400  }
0x86: {  	[sflag:s19] =	ssyncset.done @!p0 $0x0  }
0x87: {  	s20 =	rddreg [dreg:$0xf];
	[sflag:s19] =	ssyncadd.s32 @!p0 $0xFFFFFC00  }
0x88: {  	[spmem:s20] =	stream.linear.scatter @!p0 [tilespmem:s8], [sflag:$0x6], $0x400, $0x38;
	[tilespmem:$0x1CD80] =	vst v63  }
0x89: {  	_ =	swait.ge @!p0 [sflag:s19], $0x400  }
0x8a: {  	[sflag:s19] =	ssyncset.done @!p0 $0x0  }
0x8b: {  	s20 =	rddreg [dreg:$0x10];
	[sflag:s19] =	ssyncadd.s32 @!p0 $0xFFFFFC00  }
0x8c: {  	[spmem:s20] =	stream.linear.scatter @!p0 [tilespmem:s8], [sflag:$0x6], $0x400, $0x38;
	[tilespmem:$0x1CD80] =	vst v63  }
0x8d: {  	_ =	swait.ge @!p0 [sflag:s19], $0x400  }
0x8e: {  	[sflag:s19] =	ssyncset.done @!p0 $0x0  }
0x8f: {  	s20 =	rddreg [dreg:$0x11];
	[sflag:s19] =	ssyncadd.s32 @!p0 $0xFFFFFC00  }
0x90: {  	[spmem:s20] =	stream.linear.scatter @!p0 [tilespmem:s8], [sflag:$0x6], $0x400, $0x38;
	[tilespmem:$0x1CD80] =	vst v63  }
0x91: {  	_ =	swait.ge @!p0 [sflag:s19], $0x400  }
0x92: {  	[sflag:s19] =	ssyncset.done @!p0 $0x0  }
0x93: {  	[sflag:s19] =	ssyncadd.s32 @!p0 $0xFFFFFC00  }
0x94: {  	[spmem:s26] =	stream.linear.scatter @!p0 [tilespmem:s8], [sflag:$0x6], $0x400, $0x38;
	[tilespmem:$0x1CD80] =	vst v63  }
0x95: {  	_ =	swait.ge @!p0 [sflag:s19], $0x400  }
0x96: {  	[sflag:s19] =	ssyncset.done @!p0 $0x0  }
0x97: {  	[sflag:s19] =	ssyncadd.s32 @!p0 $0xFFFFFC00  }
0x98: {  	[spmem:s28] =	stream.linear.scatter @!p0 [tilespmem:s8], [sflag:$0x6], $0x400, $0x38;
	[tilespmem:$0x1CD80] =	vst v63  }
0x99: {  	_ =	swait.ge @!p0 [sflag:s19], $0x400  }
0x9a: {  	[sflag:s19] =	ssyncset.done @!p0 $0x0  }
0x9b: {  	[sflag:s19] =	ssyncadd.s32 @!p0 $0xFFFFFC00  }
0x9c: {  	[spmem:s29] =	stream.linear.scatter @!p0 [tilespmem:s8], [sflag:$0x6], $0x400, $0x38;
	[tilespmem:$0x1CD80] =	vst v63  }
0x9d: {  	_ =	swait.ge @!p0 [sflag:s19], $0x400  }
0x9e: {  	[sflag:s19] =	ssyncset.done @!p0 $0x0  }
0x9f: {  	[sflag:s19] =	ssyncadd.s32 @!p0 $0xFFFFFC00  }
0xa0: {  	[spmem:s30] =	stream.linear.scatter @!p0 [tilespmem:s8], [sflag:$0x6], $0x400, $0x38;
	[tilespmem:$0x1CD80] =	vst v63  }
0xa1: {  	_ =	swait.ge @!p0 [sflag:s19], $0x400  }
0xa2: {  	[sflag:s19] =	ssyncset.done @!p0 $0x0  }
0xa3: {  	[sflag:s19] =	ssyncadd.s32 @!p0 $0xFFFFFC00  }
0xa4: {  	[bflag:$0x0] =	sbarrier.arrive $0xFFFF  }
0xa5: {  	_ =	swait.ge [sflag:s6], $0x3E80  }
0xa6: {  	[sflag:s6] =	ssyncset.done $0x0  }
0xa7: {  	s20 =	simm.s32 $0x0;
	[sflag:s6] =	ssyncadd.s32 $0xFFFFC180  }
0xa8: {  	[tilespmem:s10], [sflag:$0x1] =	stream.indirect.gather [hbm4b:s4+s9], $0x80, s20, s9, $0xb8;
	[tilespmem:$0x1CD80] =	vst v63  }
0xa9: {  	_ = 	snop  }
0xaa: {  	[tilespmem:s11], [sflag:$0x3] =	stream.linear.gather [hbm4b:s25+s20], $0x50, $0x38;
	[tilespmem:$0x1CD80] =	vst v63  }
0xab: {  	s21 =	simm.s32 $0x80  }
0xac: {  	[tilespmem:s12], [sflag:$0x2] =	stream.indirect.gather [hbm4b:s4+s9], $0x80, s21, s9, $0xb8;
	[tilespmem:$0x1CD80] =	vst v63  }
0xad: {  	s22 =	rddreg [dreg:$0x4]  }
0xae: {  	[tilespmem:s13], [sflag:$0x4] =	stream.linear.gather [hbm4b:s22+s20], $0x50, $0x38;
	[tilespmem:$0x1CD80] =	vst v63  }
0xaf: {  	_ =	swait.ge [sflag:s14], $0x2800  }
0xb0: {  	[sflag:s14] =	ssyncset.done $0x0  }
0xb1: {  	[sflag:s14] =	ssyncadd.s32 $0xFFFFD800  }
0xb2: {  	_ =	swait.ge [sflag:s15], $0x50  }
0xb3: {  	[sflag:s15] =	ssyncset.done $0x0  }
0xb4: {  	[sflag:s15] =	ssyncadd.s32 $0xFFFFFFB0  }
0xb5: {  	[spmem:s1] =	stream.indirect.scatter.add.f32 [tilespmem:s10], [sflag:$0x6], $0x80, s11, s9, $0xb8;
	[tilespmem:$0x1CD80] =	vst v63  }
0xb6: {  	_ =	swait.ge [sflag:s2], $0x2800  }
0xb7: {  	[sflag:s2] =	ssyncset.done $0x0  }
0xb8: {  	s19 =	simm.s32 $0x100;
	s20 =	sshrl.u32 s23, $0x3;
	[sflag:s2] =	ssyncadd.s32 $0xFFFFD800  }
0xb9: {  	[tilespmem:s10], [sflag:$0x1] =	stream.indirect.gather [hbm4b:s4+s9], $0x80, s19, s9, $0xb8;
	[tilespmem:$0x1CD80] =	vst v63  }
0xba: {  	s21 =	sadd.s32 s5, s20  }
0xbb: {  	[tilespmem:s11], [sflag:$0x3] =	stream.linear.gather [hbm4b:s21+s3], $0x50, $0x38;
	[tilespmem:$0x1CD80] =	vst v63  }
0xbc: {  	_ =	swait.ge [sflag:s16], $0x2800  }
0xbd: {  	[sflag:s16] =	ssyncset.done $0x0  }
0xbe: {  	[sflag:s16] =	ssyncadd.s32 $0xFFFFD800  }
0xbf: {  	_ =	swait.ge [sflag:s17], $0x50  }
0xc0: {  	[sflag:s17] =	ssyncset.done $0x0  }
0xc1: {  	[sflag:s17] =	ssyncadd.s32 $0xFFFFFFB0  }
0xc2: {  	[spmem:s1] =	stream.indirect.scatter.add.f32 [tilespmem:s12], [sflag:$0x6], $0x80, s13, s9, $0xb8;
	[tilespmem:$0x1CD80] =	vst v63  }
0xc3: {  	s8 =	sadd.s32 $0x0, s24;
	_ =	swait.ge [sflag:s2], $0x2800  }
0xc4: {  	s22 =	simm.s32 $0x180;
	s20 =	simm.s32 $0x200;
	[sflag:s2] =	ssyncset.done $0x0  }
0xc5: {  	s19 =	simm.s32 $0x14;
	s21 =	sadd.s32 $0xA0, s23;
	[sflag:s2] =	ssyncadd.s32 $0xFFFFD800  }
0xc6: {  	[tilespmem:s12], [sflag:$0x2] =	stream.indirect.gather [hbm4b:s4+s9], $0x80, s22, s9, $0xb8;
	[tilespmem:$0x1CD80] =	vst v63  }
.LBB2_4:
0xc7: {  	[tilespmem:s13], [sflag:$0x4] =	stream.linear.gather [hbm4b:s8+s3], $0x50, $0x38;
	[tilespmem:$0x1CD80] =	vst v63  }
0xc8: {  	s8 =	smov.u32 s19  }
0xc9: {  	p1 =	sne.s32 s19, $0x4B0;
	s19 =	sadd.s32 $0x14, s19;
	_ =	swait.ge [sflag:s14], $0x2800  }
0xca: {  	[sflag:s14] =	ssyncset.done $0x0  }
0xcb: {  	[sflag:s14] =	ssyncadd.s32 $0xFFFFD800  }
0xcc: {  	_ =	swait.ge [sflag:s15], $0x50  }
0xcd: {  	[sflag:s15] =	ssyncset.done $0x0  }
0xce: {  	[sflag:s15] =	ssyncadd.s32 $0xFFFFFFB0  }
0xcf: {  	[spmem:s1] =	stream.indirect.scatter.add.f32 [tilespmem:s10], [sflag:$0x6], $0x80, s11, s9, $0xb8;
	[tilespmem:$0x1CD80] =	vst v63  }
0xd0: {  	_ =	swait.ge [sflag:s2], $0x2800  }
0xd1: {  	[sflag:s2] =	ssyncset.done $0x0  }
0xd2: {  	s22 =	sshrl.u32 s21, $0x3;
	[sflag:s2] =	ssyncadd.s32 $0xFFFFD800  }
0xd3: {  	[tilespmem:s10], [sflag:$0x1] =	stream.indirect.gather [hbm4b:s4+s9], $0x80, s20, s9, $0xb8;
	[tilespmem:$0x1CD80] =	vst v63  }
0xd4: {  	s22 =	sadd.s32 s5, s22  }
0xd5: {  	[tilespmem:s11], [sflag:$0x3] =	stream.linear.gather [hbm4b:s22+s3], $0x50, $0x38;
	[tilespmem:$0x1CD80] =	vst v63  }
0xd6: {  	_ =	swait.ge [sflag:s16], $0x2800  }
0xd7: {  	[sflag:s16] =	ssyncset.done $0x0  }
0xd8: {  	[sflag:s16] =	ssyncadd.s32 $0xFFFFD800  }
0xd9: {  	_ =	swait.ge [sflag:s17], $0x50  }
0xda: {  	[sflag:s17] =	ssyncset.done $0x0  }
0xdb: {  	[sflag:s17] =	ssyncadd.s32 $0xFFFFFFB0  }
0xdc: {  	[spmem:s1] =	stream.indirect.scatter.add.f32 [tilespmem:s12], [sflag:$0x6], $0x80, s13, s9, $0xb8;
	[tilespmem:$0x1CD80] =	vst v63  }
.Ltmp1:
0xdd: {  	_ =	swait.ge [sflag:s2], $0x2800;
	(pc) =	sbr.rel @p1 .LBB2_4-.Ltmp1, $4  }
0xde: {  	[sflag:s2] =	ssyncset.done $0x0  }
0xdf: {  	s22 =	sadd.s32 $0x80, s20;
	[sflag:s2] =	ssyncadd.s32 $0xFFFFD800  }
0xe0: {  	[tilespmem:s12], [sflag:$0x2] =	stream.indirect.gather [hbm4b:s4+s9], $0x80, s22, s9, $0xb8;
	[tilespmem:$0x1CD80] =	vst v63  }
0xe1: {  	s21 =	sadd.s32 $0xA0, s21;
	s8 =	sadd.s32 s8, s24;
	s20 =	sadd.s32 $0x100, s20  }
0xe2: {  	[tilespmem:s13], [sflag:$0x4] =	stream.linear.gather [hbm4b:s8+s3], $0x50, $0x38;
	[tilespmem:$0x1CD80] =	vst v63  }
0xe3: {  	_ =	swait.ge [sflag:s14], $0x2800  }
0xe4: {  	[sflag:s14] =	ssyncset.done $0x0  }
0xe5: {  	[sflag:s14] =	ssyncadd.s32 $0xFFFFD800  }
0xe6: {  	_ =	swait.ge [sflag:s15], $0x50  }
0xe7: {  	[sflag:s15] =	ssyncset.done $0x0  }
0xe8: {  	[sflag:s15] =	ssyncadd.s32 $0xFFFFFFB0  }
0xe9: {  	[spmem:s1] =	stream.indirect.scatter.add.f32 [tilespmem:s10], [sflag:$0x6], $0x80, s11, s9, $0xb8;
	[tilespmem:$0x1CD80] =	vst v63  }
0xea: {  	_ =	swait.ge [sflag:s2], $0x2800  }
0xeb: {  	[sflag:s2] =	ssyncset.done $0x0  }
0xec: {  	s20 =	simm.s32 $0x3E00;
	[sflag:s2] =	ssyncadd.s32 $0xFFFFD800  }
0xed: {  	[tilespmem:s10], [sflag:$0x1] =	stream.indirect.gather [hbm4b:s4+s9], $0x80, s20, s9, $0xb8;
	[tilespmem:$0x1CD80] =	vst v63  }
0xee: {  	_ = 	snop  }
0xef: {  	[tilespmem:s11], [sflag:$0x3] =	stream.linear.gather [hbm4b:s31+s3], $0x50, $0x38;
	[tilespmem:$0x1CD80] =	vst v63  }
0xf0: {  	_ =	swait.ge [sflag:s16], $0x2800  }
0xf1: {  	[sflag:s16] =	ssyncset.done $0x0  }
0xf2: {  	[sflag:s16] =	ssyncadd.s32 $0xFFFFD800  }
0xf3: {  	_ =	swait.ge [sflag:s17], $0x50  }
0xf4: {  	[sflag:s17] =	ssyncset.done $0x0  }
0xf5: {  	[sflag:s17] =	ssyncadd.s32 $0xFFFFFFB0  }
0xf6: {  	[spmem:s1] =	stream.indirect.scatter.add.f32 [tilespmem:s12], [sflag:$0x6], $0x80, s13, s9, $0xb8;
	[tilespmem:$0x1CD80] =	vst v63  }
0xf7: {  	_ =	swait.ge [sflag:s2], $0x2800  }
0xf8: {  	[sflag:s2] =	ssyncset.done $0x0  }
0xf9: {  	[sflag:s2] =	ssyncadd.s32 $0xFFFFD800  }
0xfa: {  	_ =	swait.ge [sflag:s14], $0x2800  }
0xfb: {  	[sflag:s14] =	ssyncset.done $0x0  }
0xfc: {  	[sflag:s14] =	ssyncadd.s32 $0xFFFFD800  }
0xfd: {  	_ =	swait.ge [sflag:s15], $0x50  }
0xfe: {  	[sflag:s15] =	ssyncset.done $0x0  }
0xff: {  	[sflag:s15] =	ssyncadd.s32 $0xFFFFFFB0  }
0x100: {  	[spmem:s1] =	stream.indirect.scatter.add.f32 [tilespmem:s10], [sflag:$0x6], $0x80, s11, s9, $0xb8;
	[tilespmem:$0x1CD80] =	vst v63  }
0x101: {  	_ =	swait.ge [sflag:s2], $0x2800  }
0x102: {  	[sflag:s2] =	ssyncset.done $0x0  }
0x103: {  	s21 =	stileid.u32;
	[sflag:s2] =	ssyncadd.s32 $0xFFFFD800  }
0x104: {  	s8 =	sshll.u32 s21, $0x6;
	[bflag:$0x0] =	sbarrier.arrive $0xFFFF  }
0x105: {  	s19 =	sshrl.u32 s7, $0x3;
	s8 =	sor.u32 $0x1C06, s8;
	s20 =	rddreg [dreg:$0x5]  }
0x106: {  	[hbm:s20], [sflag:s8] =	dma.local [spmem:s19], $0x2080  }
0x107: {  	_ =	swait.ge [sflag:s2], $0x2080  }
0x108: {  	[sflag:s2] =	ssyncset.done $0x0;
	s19 =	rddreg [dreg:$0x6]  }
0x109: {  	s20 =	rddreg [dreg:$0x12];
	[sflag:s2] =	ssyncadd.s32 $0xFFFFDF80  }
0x10a: {  	[hbm:s19], [sflag:s8] =	dma.local @!p0 [spmem:s20], $0x700  }
0x10b: {  	s8 =	simm.s32 @!p0 $0x6  }
0x10c: {  	_ =	swait.ge @!p0 [sflag:s8], $0x700  }
0x10d: {  	s18 =	sadd.s32 $0x1, s18;
	s22 =	rddreg [dreg:$0x7]  }
0x10e: {  	p1 =	sne.s32 s18, s22  }
.Ltmp2:
0x10f: {  	_ = 	snop;
	(pc) =	sbr.rel @p1 .LBB2_1-.Ltmp2, $3  }
0x110: {  	_ =	sdelay $0x1  }
0x111: {  	[sflag:s8] =	ssyncset.done @!p0 $0x0  }
0x112: {  	[sflag:s8] =	ssyncadd.s32 @!p0 $0xFFFFF900  }
0x113: {  	_ =	sfence.sel $0x180000  }
0x114: {  	[bflag:$0x0] =	sbarrier.arrive $0xFFFF  }
0x115: {  	_ =	strace $0x9000004A  }
0x116: {  	s0 =	stileid.u32;
	[bflag:$0x2] =	sbarrier.arrive $0xFFFF  }
0x117: {  	p0 =	sne.s32 s0, $0x0;
	s0 =	rddreg [dreg:$0x2]  }
0x118: {  	s0 =	sadd.s32 @!p0 $0x100000, s0  }
0x119: {  	[sflag:s0] =	ssyncadd.tile.s32 @!p0 $0x1;
	_ =	shalt  }
.Lfunc_end2:
_tile_overlayer_lowered:
.L_overlay_start_2:
0x11a: {  	(tag) =	ssettag $0x2  }
0x11b: {  	s0 =	rddreg [dreg:$0x0];
	s2 =	stileid.u32  }
0x11c: {  	s1 =	rddreg [dreg:$0x1];
	p0 =	sne.s32 s2, $0x0  }
0x11d: {  	s3 =	rddreg [dreg:$0x2];
	[bflag:$0x3] =	sbarrier.arrive $0xFFFF;
	s2 =	simm.s32 @!p0 $0x1C06  }
0x11e: {  	[timem:s3], [sflag:s2] =	dma.local @!p0 [hbm:s0], s1  }
0x11f: {  	s0 =	simm.s32 @!p0 $0x6  }
0x120: {  	_ =	swait.ge @!p0 [sflag:s0], s1  }
0x121: {  	s1 =	ssub.s32 @!p0 $0x0, s1;
	[sflag:s0] =	ssyncset.done @!p0 $0x0  }
0x122: {  	[sflag:s0] =	ssyncadd.s32 @!p0 s1  }
0x123: {  	[bflag:$0x3] =	sbarrier.arrive $0xFFFF  }
0x124: {  	_ =	shalt  }

// kernel: kernel.16.cloned.1.call-start
scs
__scs_entry_jumppad:
0x0: {  	(pc) =	sbr.rel $0x88, $3  }
0x1: {  	(tag) =	ssettag $0x0;
	lr =	simm.s32 $0x1  }
0x2: {  	[smem:$0x3F96] =	sst lr;
	_ =	strace $0xD0000000  }
0x3: {  	_ = 	snop  }
0x4: {  	_ = 	snop  }
0x5: {  	_ = 	snop  }
0x6: {  	_ = 	snop  }
0x7: {  	_ = 	snop  }
__scs_overlays_trampoline_lowered:
0x8: {  	[smem:$0x3FA5] =	sst s0  }
0x9: {  	[smem:$0x3FA6] =	sst s1  }
0xa: {  	[smem:$0x3FA7] =	sst s2  }
0xb: {  	[smem:$0x3FA8] =	sst s3  }
0xc: {  	[smem:$0x3FA9] =	sst s4  }
0xd: {  	[smem:$0x3FAA] =	sst s5  }
0xe: {  	[smem:$0x3FAB] =	sst s6  }
0xf: {  	[smem:$0x3FAC] =	sst s7  }
0x10: {  	[smem:$0x3FAD] =	sst s8  }
0x11: {  	[smem:$0x3FAE] =	sst s9;
	s0 =	simm.s32 @!p0 $0x0  }
0x12: {  	s1 =	sld [smem:$0x3F94];
	s0 =	simm.s32 @p0 $0x1  }
0x13: {  	[smem:$0x3FAF] =	sst s0;
	s0 =	simm.s32 @!p1 $0x0  }
0x14: {  	s2 =	sld [smem:$0x3F93];
	s0 =	simm.s32 @p1 $0x1  }
0x15: {  	[smem:$0x3FB0] =	sst s0;
	s0 =	simm.s32 @!p2 $0x0  }
0x16: {  	s3 =	sld [smem:$0x3FDB];
	s0 =	simm.s32 @p2 $0x1  }
0x17: {  	s4 =	simm.s32 $0x1BF5;
	[smem:$0x3FB2] =	sst s0  }
0x18: {  	s0 =	sld [smem:$0x3F95];
	_ =	swait.ge [sflag:s4], $0x0  }
0x19: {  	s7 =	sld [smem:$0x3F96]  }
0x1a: {  	s8 =	sadd.s32 $0xFFFFE003, lr  }
0x1b: {  	s9 =	sadd.s32 $0xFFFFFEF7, lr;
	s5 =	simm.s32 $0xFFFFFFFF;
	p2 =	slt.u32 s8, $0xFFFFF086  }
0x1c: {  	p1 =	slt.u32 s9, $0xF7A;
	s5 =	simm.s32 @!p2 $0x0  }
0x1d: {  	s5 =	simm.s32 @p1 $0x1;
	p0 =	seq.s32 s7, s2  }
0x1e: {  	s7 =	smul.u32 @!p0 $0xF7A, s2;
	p2 =	seq.s32 @!p0 s5, $0x0  }
0x1f: {  	s9 =	smul.u32 $0xF7A, s1;
	s8 =	simm.s32 @!p0 $0x1BF5;
	p2 =	por !p2, p0  }
0x20: {  	[sflag:s8] =	ssyncset.s32 @!p0 $0xFFFFF086;
	s6 =	sadd.s32 @!p0 s3, s7;
	s7 =	simm.s32 @!p0 $0x108  }
0x21: {  	s3 =	sadd.s32 s3, s9;
	s6 =	sadd.s32 @!p0 $0x88, s6;
	s7 =	simm.s32 @p2 $0x1082  }
0x22: {  	[simem:s7], [sflag:s8] =	dma.local @!p0 [hbm:s6], $0xF7A  }
0x23: {  	s9 =	sor.u32 $0xD0000000, s2;
	s6 =	simm.s32 $0x108;
	_ =	swait.ge @!p0 [sflag:s8], $0x0  }
0x24: {  	s3 =	sadd.s32 $0x88, s3;
	s6 =	simm.s32 @!p1 $0x1082;
	[sflag:s4] =	ssyncset.s32 $0xFFFFF086  }
0x25: {  	[simem:s6], [sflag:s4] =	dma.local [hbm:s3], $0xF7A  }
0x26: {  	[smem:$0x3F96] =	sst s1;
	(tag) =	ssettag s2;
	_ =	strace s9  }
0x27: {  	s1 =	sld [smem:$0x3FA6]  }
0x28: {  	s2 =	sld [smem:$0x3FA7]  }
0x29: {  	s4 =	sld [smem:$0x3FA9]  }
0x2a: {  	p0 =	seq.s32 s5, $0x0;
	s5 =	sld [smem:$0x3FAA]  }
0x2b: {  	s6 =	sld [smem:$0x3FAB]  }
0x2c: {  	s7 =	sld [smem:$0x3FAC]  }
0x2d: {  	s3 =	simm.s32 $0x108;
	s8 =	sld [smem:$0x3FAD]  }
0x2e: {  	s3 =	simm.s32 @!p0 $0x1082;
	s9 =	sld [smem:$0x3FAE]  }
0x2f: {  	lr =	sadd.s32 s0, s3;
	s0 =	sld [smem:$0x3FA5]  }
0x30: {  	s3 =	sld [smem:$0x3FA8]  }
0x31: {  	[smem:$0x3FB1] =	sst s10  }
0x32: {  	s10 =	sld [smem:$0x3FAF];
	_ =	sdelay $0x3  }
0x33: {  	p0 =	seq.s32 s10, $0x1;
	s10 =	sld [smem:$0x3FB1];
	_ =	sdelay $0x3  }
0x34: {  	[smem:$0x3FB1] =	sst s10  }
0x35: {  	s10 =	sld [smem:$0x3FB0];
	_ =	sdelay $0x3  }
0x36: {  	p1 =	seq.s32 s10, $0x1;
	s10 =	sld [smem:$0x3FB1];
	_ =	sdelay $0x3  }
0x37: {  	[smem:$0x3FB1] =	sst s10  }
0x38: {  	s10 =	sld [smem:$0x3FB2]  }
0x39: {  	_ = 	snop;
	(pc) =	sbr.ind lr, $3  }
0x3a: {  	_ = 	snop  }
0x3b: {  	_ = 	snop  }
0x3c: {  	p2 =	seq.s32 s10, $0x1;
	s10 =	sld [smem:$0x3FB1]  }
0x3d: {  	_ =	shalt  }
0x3e: {  	_ =	shalt  }
0x3f: {  	_ =	shalt  }
0x40: {  	_ =	shalt  }
0x41: {  	_ =	shalt  }
0x42: {  	_ =	shalt  }
0x43: {  	_ =	shalt  }
0x44: {  	_ =	shalt  }
0x45: {  	_ =	shalt  }
0x46: {  	_ =	shalt  }
0x47: {  	_ =	shalt  }
0x48: {  	_ =	shalt  }
0x49: {  	_ =	shalt  }
0x4a: {  	_ =	shalt  }
0x4b: {  	_ =	shalt  }
0x4c: {  	_ =	shalt  }
0x4d: {  	_ =	shalt  }
0x4e: {  	_ =	shalt  }
0x4f: {  	_ =	shalt  }
0x50: {  	_ =	shalt  }
0x51: {  	_ =	shalt  }
0x52: {  	_ =	shalt  }
0x53: {  	_ =	shalt  }
0x54: {  	_ =	shalt  }
0x55: {  	_ =	shalt  }
0x56: {  	_ =	shalt  }
0x57: {  	_ =	shalt  }
0x58: {  	_ =	shalt  }
0x59: {  	_ =	shalt  }
0x5a: {  	_ =	shalt  }
0x5b: {  	_ =	shalt  }
0x5c: {  	_ =	shalt  }
0x5d: {  	_ =	shalt  }
0x5e: {  	_ =	shalt  }
0x5f: {  	_ =	shalt  }
0x60: {  	_ =	shalt  }
0x61: {  	_ =	shalt  }
0x62: {  	_ =	shalt  }
0x63: {  	_ =	shalt  }
0x64: {  	_ =	shalt  }
0x65: {  	_ =	shalt  }
0x66: {  	_ =	shalt  }
0x67: {  	_ =	shalt  }
0x68: {  	_ =	shalt  }
0x69: {  	_ =	shalt  }
0x6a: {  	_ =	shalt  }
0x6b: {  	_ =	shalt  }
0x6c: {  	_ =	shalt  }
0x6d: {  	_ =	shalt  }
0x6e: {  	_ =	shalt  }
0x6f: {  	_ =	shalt  }
0x70: {  	_ =	shalt  }
0x71: {  	_ =	shalt  }
0x72: {  	_ =	shalt  }
0x73: {  	_ =	shalt  }
0x74: {  	_ =	shalt  }
0x75: {  	_ =	shalt  }
0x76: {  	_ =	shalt  }
0x77: {  	_ =	shalt  }
0x78: {  	_ =	shalt  }
0x79: {  	_ =	shalt  }
0x7a: {  	_ =	shalt  }
0x7b: {  	_ =	shalt  }
0x7c: {  	_ =	shalt  }
0x7d: {  	_ =	shalt  }
0x7e: {  	_ =	shalt  }
0x7f: {  	_ =	shalt  }
0x80: {  	_ =	shalt  }
0x81: {  	_ =	shalt  }
0x82: {  	_ =	shalt  }
0x83: {  	_ =	shalt  }
0x84: {  	_ =	shalt  }
0x85: {  	_ =	shalt  }
0x86: {  	_ =	shalt  }
0x87: {  	_ =	shalt  }
.Lfunc_end0:
.L_simem_size_0:
called_computation.2_lowered:
.L_overlay_start_0:
0x88: {  	s2 =	sld [smem:$0x3FD9]  }
0x89: {  	s3 =	sld [smem:$0x3FFE];
	_ =	sdelay $0x1  }
0x8a: {  	s1 =	srdreg.scid  }
0x8b: {  	s0 =	sand.u32 $0x1, s1  }
0x8c: {  	s16 =	sshll.u32 s0, $0xA;
	s2 =	sadd.s32 s3, s2  }
0x8d: {  	s2 =	sadd.s32 s2, s16  }
0x8e: {  	[smem:$0x3FBD] =	sst s2  }
0x8f: {  	_ = 	snop  }
0x90: {  	(tm) =	ssettm $0x1  }
0x91: {  	s17 =	sld [smem:$0x3FFB];
	_ =	sdelay $0x3  }
0x92: {  	_ =	strace s17  }
0x93: {  	s2 =	sld [smem:$0x3FFC];
	_ =	sdelay $0x3  }
0x94: {  	_ =	strace s2  }
0x95: {  	s2 =	sld [smem:$0x3FFD];
	_ =	sdelay $0x3  }
0x96: {  	_ =	strace s2  }
0x97: {  	_ =	strace $0x8FFFFFFF  }
0x98: {  	s18 =	sld [smem:$0x3FDB];
	_ =	sdelay $0x1  }
0x99: {  	s19 =	simm.s32 $_scs_section_size  }
0x9a: {  	s4 =	simm.s32 $_size__tile_overlayer_lowered;
	s5 =	simm.s32 $_tile_overlayer_lowered  }
0x9b: {  	s22 =	simm.s32 $0x1BFF;
	s21 =	sshll.u32 s5, $0x1;
	s2 =	sadd.s32 s19, s18  }
0x9c: {  	s6 =	simm.s32 $0x0;
	s20 =	sshll.u32 s4, $0x1;
	s4 =	sadd.s32 s21, s2  }
0x9d: {  	[timem:s6], [sflag:s22] =	dma.local [hbm:s4], s20  }
0x9e: {  	_ =	swait.ge [sflag:s22], s20  }
0x9f: {  	s3 =	ssub.s32 $0x0, s20;
	[sflag:s22] =	ssyncset.done $0x0  }
0xa0: {  	[sflag:s22] =	ssyncadd.s32 s3;
	_ =	sdelay $0x1  }
0xa1: {  	s23 =	simm.s32 $0x1B8B  }
0xa2: {  	_ =	swait.ge [sflag:s23], $0x1  }
0xa3: {  	[sflag:s23] =	ssyncset.done $0x0  }
0xa4: {  	s25 =	simm.s32 $0x1B8E;
	s24 =	sld [smem:$0x3FFE];
	[sflag:s23] =	ssyncadd.s32 $0xFFFFFFFF  }
0xa5: {  	s26 =	simm.s32 $execute0_lowered;
	[smem:$0x3FD2] =	sst s25  }
0xa6: {  	s4 =	sshll.u32 s26, $0x1;
	_ =	strace $0x8000004C;
	[dreg:$0x1] =	wrdreg $0xFFFFFFFF  }
0xa7: {  	s28 =	simm.s32 $_size_execute0_lowered;
	s2 =	sadd.s32 s2, s4;
	[dreg:$0x0] =	wrdreg $0x0  }
0xa8: {  	s4 =	sshll.u32 s28, $0x1;
	[dreg:$0x2] =	wrdreg s2  }
0xa9: {  	[dreg:$0x3] =	wrdreg s4  }
0xaa: {  	[dreg:$0x4] =	wrdreg $0xC0  }
0xab: {  	_ =	task [dreg:s6], $0x5FFFF  }
0xac: {  	[dreg:$0x1] =	wrdreg $0xFFFFFFFF  }
0xad: {  	[dreg:$0x0] =	wrdreg $0x60  }
0xae: {  	[dreg:$0x2] =	wrdreg s24  }
0xaf: {  	[dreg:$0x3] =	wrdreg $0x95000  }
0xb0: {  	[dreg:$0x4] =	wrdreg $0x9  }
0xb1: {  	_ =	task.clear_ibuf [dreg:s6], $0x5FFFF;
	_ =	strace $0x9000004C  }
0xb2: {  	s29 =	simm.s32 $0x9;
	_ =	strace $0x8000004E  }
0xb3: {  	_ =	swait.ge [sflag:s29], $0x1  }
0xb4: {  	[sflag:s29] =	ssyncadd.s32 $0xFFFFFFFF  }
0xb5: {  	_ =	strace $0x9000004E  }
0xb6: {  	_ =	sfence  }
0xb7: {  	s30 =	sld [smem:$0x0];
	_ =	sdelay $0x2  }
0xb8: {  	s31 =	sshll.u32 s1, $0xD;
	s1 =	sshrl.u32 s1, $0x2  }
0xb9: {  	s3 =	sand.u32 $0x4000, s31;
	s1 =	sadd.s32 s1, s30  }
0xba: {  	s0 =	sor.u32 s3, s0;
	s1 =	sshll.u32 s1, $0x11  }
0xbb: {  	s0 =	sor.u32 s1, s0  }
0xbc: {  	s0 =	sadd.s32 $0x8F2B, s0  }
0xbd: {  	[sflag:s0] =	ssyncadd.remote.s32 $0x1  }
0xbe: {  	_ =	sfence.sel $0xFFFF  }
0xbf: {  	[dreg:$0x0] =	wrdreg $0xFFFFFFFF;
	(pc) =	sbr.abs _section_cstart, $3  }
0xc0: {  	[dreg:$0x1] =	wrdreg $0xFFFFFFFF  }
0xc1: {  	_ =	task.clear_ibuf [dreg:s6], $0x2FFFF;
	_ =	strace $0x9FFFFFFF  }
0xc2: {  	(tm) =	ssettm $0x7FFFFFFF  }
0xc3: {  	_ =	shalt  }
tec
execute0_lowered:
.L_overlay_start_1:
0x0: {  	(tag) =	ssettag $0x1  }
0x1: {  	s0 =	rddreg [dreg:$0x0];
	s13 =	stileid.u32  }
0x2: {  	s1 =	rddreg [dreg:$0x1];
	s7 =	smul.u32 $0x4F000, s13  }
0x3: {  	s2 =	srdreg.scid;
	s3 =	simm.s32 $0x0;
	s12 =	smul.u32 $0x13C00, s13  }
0x4: {  	s2 =	sand.u32 $0x1, s2;
	[smem:$0x7FF] =	sst s3;
	s16 =	smul.u32 $0x2710, s13  }
0x5: {  	p0 =	seq.s32 s13, $0xF;
	s4 =	sshll.u32 s2, $0x4;
	s10 =	smul.u32 $0x138800, s2  }
0x6: {  	_ =	strace $0x8000004D;
	s9 =	ssub.s32 $0x2, s2;
	s2 =	smul.u32 $0x27100, s2  }
0x7: {  	s5 =	sor.u32 s13, s4;
	s4 =	sadd.s32 $0xDC00, s0;
	s11 =	sshrl.u32 s9, $0x1  }
0x8: {  	s7 =	sshrl.u32 s7, $0x2;
	s23 =	sadd.s32 $0x10400, s12;
	s13 =	simm.s32 $0x4080  }
0x9: {  	s6 =	sshll.u32 s5, $0xB;
	s8 =	smul.u32 $0x2710, s5;
	s5 =	sadd.s32 $0x3E00, s0  }
0xa: {  	s9 =	ssub.s32 s9, s11;
	s7 =	sadd.s32 s7, s1;
	s22 =	sadd.s32 s12, s10  }
0xb: {  	s25 =	sadd.s32 s10, s23;
	s2 =	sadd.s32 s16, s2;
	s11 =	simm.s32 $0x4000  }
0xc: {  	s16 =	simm.s32 $0x2;
	s6 =	sadd.s32 s6, s0;
	s14 =	smax.u32 s9, $0x1  }
0xd: {  	s0 =	sadd.s32 $0x7BE00, s0;
	s15 =	sadd.s32 $0x10400, s7;
	[dreg:$0x7] =	wrdreg s14  }
0xe: {  	s24 =	sshrl.u32 s22, $0x3;
	s17 =	sadd.s32 $0x10800, s7;
	[dreg:$0x8] =	wrdreg s15  }
0xf: {  	s10 =	sshrl.u32 s25, $0x3;
	s18 =	sadd.s32 $0x10C00, s7;
	[dreg:$0x9] =	wrdreg s17  }
0x10: {  	s19 =	sadd.s32 $0x11000, s7;
	s20 =	sadd.s32 $0x11400, s7;
	[dreg:$0xa] =	wrdreg s18  }
0x11: {  	s22 =	sadd.s32 $0x11C00, s7;
	s25 =	sadd.s32 $0x12400, s7;
	[dreg:$0xb] =	wrdreg s19  }
0x12: {  	s28 =	sadd.s32 $0x13000, s7;
	s29 =	sadd.s32 $0x13400, s7;
	[dreg:$0xc] =	wrdreg s20  }
0x13: {  	s30 =	sadd.s32 $0x13800, s7;
	s9 =	simm.s32 $0x50;
	[dreg:$0xe] =	wrdreg s22  }
0x14: {  	s6 =	sadd.s32 $0x6BE00, s6;
	s21 =	sshrl.u32 s8, $0x3;
	[dreg:$0x10] =	wrdreg s25  }
0x15: {  	s14 =	simm.s32 $0x1;
	s15 =	simm.s32 $0x3;
	s17 =	simm.s32 $0x4  }
0x16: {  	s18 =	simm.s32 $0x0;
	[dreg:$0x3] =	wrdreg s6;
	s12 =	sadd.s32 s5, s21  }
0x17: {  	s6 =	sadd.s32 s0, s24;
	s0 =	sadd.s32 s0, s10;
	s21 =	sadd.s32 $0x11800, s7  }
0x18: {  	s24 =	sadd.s32 $0xF0, s2;
	s10 =	simm.s32 $0x4100;
	[dreg:$0x5] =	wrdreg s6  }
0x19: {  	s26 =	sadd.s32 $0xA, s12;
	[dreg:$0x6] =	wrdreg s0;
	s0 =	sadd.s32 s23, s1  }
0x1a: {  	[dreg:$0xd] =	wrdreg s21;
	s23 =	sadd.s32 $0x12000, s7;
	s6 =	sshrl.u32 s24, $0x3  }
0x1b: {  	s25 =	smov.u32 s12;
	s31 =	sadd.s32 $0x4D8, s12;
	[dreg:$0x4] =	wrdreg s26  }
0x1c: {  	s12 =	simm.s32 $0x6900;
	[dreg:$0xf] =	wrdreg s23;
	s26 =	sadd.s32 $0x12800, s7  }
0x1d: {  	s23 =	sadd.s32 $0xA0, s2;
	s24 =	sadd.s32 s6, s5;
	s0 =	sshrl.u32 @!p0 s0, $0x3  }
0x1e: {  	s2 =	simm.s32 $0x6;
	s6 =	simm.s32 $0x5;
	[dreg:$0x11] =	wrdreg s26  }
0x1f: {  	v0 =	vimm.f32 $0.0e+00;
	[dreg:$0x12] =	wrdreg s0;
	s26 =	sadd.s32 $0x12C00, s7;
	s0 =	simm.s32 $0x9100  }
.LBB2_1:
0x20: {  	s8 =	rddreg [dreg:$0x3]  }
0x21: {  	[tilespmem:s3], [sflag:$0x5] =	stream.linear.gather [hbm4b:s8+s3], $0x3E80, $0x38;
	[tilespmem:$0x1CD80] =	vst v63  }
0x22: {  	[tilespmem:$0x9100] =	vst v0  }
0x23: {  	[tilespmem:$0x9110] =	vst v0  }
0x24: {  	[tilespmem:$0x9120] =	vst v0  }
0x25: {  	[tilespmem:$0x9130] =	vst v0  }
0x26: {  	[tilespmem:$0x9140] =	vst v0  }
0x27: {  	[tilespmem:$0x9150] =	vst v0  }
0x28: {  	[tilespmem:$0x9160] =	vst v0  }
0x29: {  	[tilespmem:$0x9170] =	vst v0  }
0x2a: {  	[tilespmem:$0x9180] =	vst v0  }
0x2b: {  	[tilespmem:$0x9190] =	vst v0  }
0x2c: {  	[tilespmem:$0x91A0] =	vst v0  }
0x2d: {  	[tilespmem:$0x91B0] =	vst v0  }
0x2e: {  	[tilespmem:$0x91C0] =	vst v0  }
0x2f: {  	[tilespmem:$0x91D0] =	vst v0  }
0x30: {  	[tilespmem:$0x91E0] =	vst v0  }
0x31: {  	[tilespmem:$0x91F0] =	vst v0  }
0x32: {  	[tilespmem:$0x9200] =	vst v0  }
0x33: {  	[tilespmem:$0x9210] =	vst v0  }
0x34: {  	[tilespmem:$0x9220] =	vst v0  }
0x35: {  	[tilespmem:$0x9230] =	vst v0  }
0x36: {  	[tilespmem:$0x9240] =	vst v0  }
0x37: {  	[tilespmem:$0x9250] =	vst v0  }
0x38: {  	[tilespmem:$0x9260] =	vst v0  }
0x39: {  	[tilespmem:$0x9270] =	vst v0  }
0x3a: {  	[tilespmem:$0x9280] =	vst v0  }
0x3b: {  	[tilespmem:$0x9290] =	vst v0  }
0x3c: {  	[tilespmem:$0x92A0] =	vst v0  }
0x3d: {  	[tilespmem:$0x92B0] =	vst v0  }
0x3e: {  	[tilespmem:$0x92C0] =	vst v0  }
0x3f: {  	[tilespmem:$0x92D0] =	vst v0  }
0x40: {  	[tilespmem:$0x92E0] =	vst v0  }
0x41: {  	[tilespmem:$0x92F0] =	vst v0  }
0x42: {  	[tilespmem:$0x9300] =	vst v0  }
0x43: {  	[tilespmem:$0x9310] =	vst v0  }
0x44: {  	[tilespmem:$0x9320] =	vst v0  }
0x45: {  	[tilespmem:$0x9330] =	vst v0  }
0x46: {  	[tilespmem:$0x9340] =	vst v0  }
0x47: {  	[tilespmem:$0x9350] =	vst v0  }
0x48: {  	[tilespmem:$0x9360] =	vst v0  }
0x49: {  	[tilespmem:$0x9370] =	vst v0  }
0x4a: {  	[tilespmem:$0x9380] =	vst v0  }
0x4b: {  	[tilespmem:$0x9390] =	vst v0  }
0x4c: {  	[tilespmem:$0x93A0] =	vst v0  }
0x4d: {  	[tilespmem:$0x93B0] =	vst v0  }
0x4e: {  	[tilespmem:$0x93C0] =	vst v0  }
0x4f: {  	[tilespmem:$0x93D0] =	vst v0  }
0x50: {  	[tilespmem:$0x93E0] =	vst v0  }
0x51: {  	[tilespmem:$0x93F0] =	vst v0  }
0x52: {  	[tilespmem:$0x9400] =	vst v0  }
0x53: {  	[tilespmem:$0x9410] =	vst v0  }
0x54: {  	[tilespmem:$0x9420] =	vst v0  }
0x55: {  	[tilespmem:$0x9430] =	vst v0  }
0x56: {  	[tilespmem:$0x9440] =	vst v0  }
0x57: {  	[tilespmem:$0x9450] =	vst v0  }
0x58: {  	[tilespmem:$0x9460] =	vst v0  }
0x59: {  	[tilespmem:$0x9470] =	vst v0  }
0x5a: {  	[tilespmem:$0x9480] =	vst v0  }
0x5b: {  	[tilespmem:$0x9490] =	vst v0  }
0x5c: {  	[tilespmem:$0x94A0] =	vst v0  }
0x5d: {  	[tilespmem:$0x94B0] =	vst v0  }
0x5e: {  	[tilespmem:$0x94C0] =	vst v0  }
0x5f: {  	[tilespmem:$0x94D0] =	vst v0  }
0x60: {  	[tilespmem:$0x94E0] =	vst v0  }
0x61: {  	s22 =	sadd.s32 $0x0, s7;
	[tilespmem:$0x94F0] =	vst v0  }
0x62: {  	[spmem:s22] =	stream.linear.scatter [tilespmem:s0], [sflag:$0x6], $0x400, $0x38;
	[tilespmem:$0x1CD80] =	vst v63  }
0x63: {  	s19 =	simm.s32 $0x1000;
	_ =	swait.ge [sflag:s2], $0x400  }
.LBB2_2:
0x64: {  	s8 =	sshra.s32 s19, $0x2;
	[sflag:s2] =	ssyncset.done $0x0;
	p1 =	sne.s32 s19, $0x40000  }
.Ltmp0:
0x65: {  	s8 =	sadd.s32 s8, s7;
	[sflag:s2] =	ssyncadd.s32 $0xFFFFFC00;
	(pc) =	sbr.rel @p1 .LBB2_2-.Ltmp0, $3  }
0x66: {  	[spmem:s8] =	stream.linear.scatter [tilespmem:s0], [sflag:$0x6], $0x400, $0x38;
	[tilespmem:$0x1CD80] =	vst v63  }
0x67: {  	s19 =	sadd.s32 $0x1000, s19;
	_ =	sdelay $0x1  }
0x68: {  	_ =	swait.ge [sflag:s2], $0x400  }
0x69: {  	[sflag:s2] =	ssyncset.done $0x0  }
0x6a: {  	s8 =	simm.s32 @!p0 $0x9100;
	s19 =	rddreg [dreg:$0x8];
	[sflag:s2] =	ssyncadd.s32 $0xFFFFFC00  }
0x6b: {  	[spmem:s19] =	stream.linear.scatter @!p0 [tilespmem:s8], [sflag:$0x6], $0x400, $0x38;
	[tilespmem:$0x1CD80] =	vst v63  }
0x6c: {  	s19 =	simm.s32 @!p0 $0x6  }
0x6d: {  	_ =	swait.ge @!p0 [sflag:s19], $0x400  }
0x6e: {  	[sflag:s19] =	ssyncset.done @!p0 $0x0  }
0x6f: {  	s20 =	rddreg [dreg:$0x9];
	[sflag:s19] =	ssyncadd.s32 @!p0 $0xFFFFFC00  }
0x70: {  	[spmem:s20] =	stream.linear.scatter @!p0 [tilespmem:s8], [sflag:$0x6], $0x400, $0x38;
	[tilespmem:$0x1CD80] =	vst v63  }
0x71: {  	_ =	swait.ge @!p0 [sflag:s19], $0x400  }
0x72: {  	[sflag:s19] =	ssyncset.done @!p0 $0x0  }
0x73: {  	s20 =	rddreg [dreg:$0xa];
	[sflag:s19] =	ssyncadd.s32 @!p0 $0xFFFFFC00  }
0x74: {  	[spmem:s20] =	stream.linear.scatter @!p0 [tilespmem:s8], [sflag:$0x6], $0x400, $0x38;
	[tilespmem:$0x1CD80] =	vst v63  }
0x75: {  	_ =	swait.ge @!p0 [sflag:s19], $0x400  }
0x76: {  	[sflag:s19] =	ssyncset.done @!p0 $0x0  }
0x77: {  	s20 =	rddreg [dreg:$0xb];
	[sflag:s19] =	ssyncadd.s32 @!p0 $0xFFFFFC00  }
0x78: {  	[spmem:s20] =	stream.linear.scatter @!p0 [tilespmem:s8], [sflag:$0x6], $0x400, $0x38;
	[tilespmem:$0x1CD80] =	vst v63  }
0x79: {  	_ =	swait.ge @!p0 [sflag:s19], $0x400  }
0x7a: {  	[sflag:s19] =	ssyncset.done @!p0 $0x0  }
0x7b: {  	s20 =	rddreg [dreg:$0xc];
	[sflag:s19] =	ssyncadd.s32 @!p0 $0xFFFFFC00  }
0x7c: {  	[spmem:s20] =	stream.linear.scatter @!p0 [tilespmem:s8], [sflag:$0x6], $0x400, $0x38;
	[tilespmem:$0x1CD80] =	vst v63  }
0x7d: {  	_ =	swait.ge @!p0 [sflag:s19], $0x400  }
0x7e: {  	[sflag:s19] =	ssyncset.done @!p0 $0x0  }
0x7f: {  	s20 =	rddreg [dreg:$0xd];
	[sflag:s19] =	ssyncadd.s32 @!p0 $0xFFFFFC00  }
0x80: {  	[spmem:s20] =	stream.linear.scatter @!p0 [tilespmem:s8], [sflag:$0x6], $0x400, $0x38;
	[tilespmem:$0x1CD80] =	vst v63  }
0x81: {  	_ =	swait.ge @!p0 [sflag:s19], $0x400  }
0x82: {  	[sflag:s19] =	ssyncset.done @!p0 $0x0  }
0x83: {  	s20 =	rddreg [dreg:$0xe];
	[sflag:s19] =	ssyncadd.s32 @!p0 $0xFFFFFC00  }
0x84: {  	[spmem:s20] =	stream.linear.scatter @!p0 [tilespmem:s8], [sflag:$0x6], $0x400, $0x38;
	[tilespmem:$0x1CD80] =	vst v63  }
0x85: {  	_ =	swait.ge @!p0 [sflag:s19], $0x400  }
0x86: {  	[sflag:s19] =	ssyncset.done @!p0 $0x0  }
0x87: {  	s20 =	rddreg [dreg:$0xf];
	[sflag:s19] =	ssyncadd.s32 @!p0 $0xFFFFFC00  }
0x88: {  	[spmem:s20] =	stream.linear.scatter @!p0 [tilespmem:s8], [sflag:$0x6], $0x400, $0x38;
	[tilespmem:$0x1CD80] =	vst v63  }
0x89: {  	_ =	swait.ge @!p0 [sflag:s19], $0x400  }
0x8a: {  	[sflag:s19] =	ssyncset.done @!p0 $0x0  }
0x8b: {  	s20 =	rddreg [dreg:$0x10];
	[sflag:s19] =	ssyncadd.s32 @!p0 $0xFFFFFC00  }
0x8c: {  	[spmem:s20] =	stream.linear.scatter @!p0 [tilespmem:s8], [sflag:$0x6], $0x400, $0x38;
	[tilespmem:$0x1CD80] =	vst v63  }
0x8d: {  	_ =	swait.ge @!p0 [sflag:s19], $0x400  }
0x8e: {  	[sflag:s19] =	ssyncset.done @!p0 $0x0  }
0x8f: {  	s20 =	rddreg [dreg:$0x11];
	[sflag:s19] =	ssyncadd.s32 @!p0 $0xFFFFFC00  }
0x90: {  	[spmem:s20] =	stream.linear.scatter @!p0 [tilespmem:s8], [sflag:$0x6], $0x400, $0x38;
	[tilespmem:$0x1CD80] =	vst v63  }
0x91: {  	_ =	swait.ge @!p0 [sflag:s19], $0x400  }
0x92: {  	[sflag:s19] =	ssyncset.done @!p0 $0x0  }
0x93: {  	[sflag:s19] =	ssyncadd.s32 @!p0 $0xFFFFFC00  }
0x94: {  	[spmem:s26] =	stream.linear.scatter @!p0 [tilespmem:s8], [sflag:$0x6], $0x400, $0x38;
	[tilespmem:$0x1CD80] =	vst v63  }
0x95: {  	_ =	swait.ge @!p0 [sflag:s19], $0x400  }
0x96: {  	[sflag:s19] =	ssyncset.done @!p0 $0x0  }
0x97: {  	[sflag:s19] =	ssyncadd.s32 @!p0 $0xFFFFFC00  }
0x98: {  	[spmem:s28] =	stream.linear.scatter @!p0 [tilespmem:s8], [sflag:$0x6], $0x400, $0x38;
	[tilespmem:$0x1CD80] =	vst v63  }
0x99: {  	_ =	swait.ge @!p0 [sflag:s19], $0x400  }
0x9a: {  	[sflag:s19] =	ssyncset.done @!p0 $0x0  }
0x9b: {  	[sflag:s19] =	ssyncadd.s32 @!p0 $0xFFFFFC00  }
0x9c: {  	[spmem:s29] =	stream.linear.scatter @!p0 [tilespmem:s8], [sflag:$0x6], $0x400, $0x38;
	[tilespmem:$0x1CD80] =	vst v63  }
0x9d: {  	_ =	swait.ge @!p0 [sflag:s19], $0x400  }
0x9e: {  	[sflag:s19] =	ssyncset.done @!p0 $0x0  }
0x9f: {  	[sflag:s19] =	ssyncadd.s32 @!p0 $0xFFFFFC00  }
0xa0: {  	[spmem:s30] =	stream.linear.scatter @!p0 [tilespmem:s8], [sflag:$0x6], $0x400, $0x38;
	[tilespmem:$0x1CD80] =	vst v63  }
0xa1: {  	_ =	swait.ge @!p0 [sflag:s19], $0x400  }
0xa2: {  	[sflag:s19] =	ssyncset.done @!p0 $0x0  }
0xa3: {  	[sflag:s19] =	ssyncadd.s32 @!p0 $0xFFFFFC00  }
0xa4: {  	[bflag:$0x0] =	sbarrier.arrive $0xFFFF  }
0xa5: {  	_ =	swait.ge [sflag:s6], $0x3E80  }
0xa6: {  	[sflag:s6] =	ssyncset.done $0x0  }
0xa7: {  	s20 =	simm.s32 $0x0;
	[sflag:s6] =	ssyncadd.s32 $0xFFFFC180  }
0xa8: {  	[tilespmem:s10], [sflag:$0x1] =	stream.indirect.gather [hbm4b:s4+s9], $0x80, s20, s9, $0xb8;
	[tilespmem:$0x1CD80] =	vst v63  }
0xa9: {  	_ = 	snop  }
0xaa: {  	[tilespmem:s11], [sflag:$0x3] =	stream.linear.gather [hbm4b:s25+s20], $0x50, $0x38;
	[tilespmem:$0x1CD80] =	vst v63  }
0xab: {  	s21 =	simm.s32 $0x80  }
0xac: {  	[tilespmem:s12], [sflag:$0x2] =	stream.indirect.gather [hbm4b:s4+s9], $0x80, s21, s9, $0xb8;
	[tilespmem:$0x1CD80] =	vst v63  }
0xad: {  	s22 =	rddreg [dreg:$0x4]  }
0xae: {  	[tilespmem:s13], [sflag:$0x4] =	stream.linear.gather [hbm4b:s22+s20], $0x50, $0x38;
	[tilespmem:$0x1CD80] =	vst v63  }
0xaf: {  	_ =	swait.ge [sflag:s14], $0x2800  }
0xb0: {  	[sflag:s14] =	ssyncset.done $0x0  }
0xb1: {  	[sflag:s14] =	ssyncadd.s32 $0xFFFFD800  }
0xb2: {  	_ =	swait.ge [sflag:s15], $0x50  }
0xb3: {  	[sflag:s15] =	ssyncset.done $0x0  }
0xb4: {  	[sflag:s15] =	ssyncadd.s32 $0xFFFFFFB0  }
0xb5: {  	[spmem:s1] =	stream.indirect.scatter.add.f32 [tilespmem:s10], [sflag:$0x6], $0x80, s11, s9, $0xb8;
	[tilespmem:$0x1CD80] =	vst v63  }
0xb6: {  	_ =	swait.ge [sflag:s2], $0x2800  }
0xb7: {  	[sflag:s2] =	ssyncset.done $0x0  }
0xb8: {  	s19 =	simm.s32 $0x100;
	s20 =	sshrl.u32 s23, $0x3;
	[sflag:s2] =	ssyncadd.s32 $0xFFFFD800  }
0xb9: {  	[tilespmem:s10], [sflag:$0x1] =	stream.indirect.gather [hbm4b:s4+s9], $0x80, s19, s9, $0xb8;
	[tilespmem:$0x1CD80] =	vst v63  }
0xba: {  	s21 =	sadd.s32 s5, s20  }
0xbb: {  	[tilespmem:s11], [sflag:$0x3] =	stream.linear.gather [hbm4b:s21+s3], $0x50, $0x38;
	[tilespmem:$0x1CD80] =	vst v63  }
0xbc: {  	_ =	swait.ge [sflag:s16], $0x2800  }
0xbd: {  	[sflag:s16] =	ssyncset.done $0x0  }
0xbe: {  	[sflag:s16] =	ssyncadd.s32 $0xFFFFD800  }
0xbf: {  	_ =	swait.ge [sflag:s17], $0x50  }
0xc0: {  	[sflag:s17] =	ssyncset.done $0x0  }
0xc1: {  	[sflag:s17] =	ssyncadd.s32 $0xFFFFFFB0  }
0xc2: {  	[spmem:s1] =	stream.indirect.scatter.add.f32 [tilespmem:s12], [sflag:$0x6], $0x80, s13, s9, $0xb8;
	[tilespmem:$0x1CD80] =	vst v63  }
0xc3: {  	s8 =	sadd.s32 $0x0, s24;
	_ =	swait.ge [sflag:s2], $0x2800  }
0xc4: {  	s22 =	simm.s32 $0x180;
	s20 =	simm.s32 $0x200;
	[sflag:s2] =	ssyncset.done $0x0  }
0xc5: {  	s19 =	simm.s32 $0x14;
	s21 =	sadd.s32 $0xA0, s23;
	[sflag:s2] =	ssyncadd.s32 $0xFFFFD800  }
0xc6: {  	[tilespmem:s12], [sflag:$0x2] =	stream.indirect.gather [hbm4b:s4+s9], $0x80, s22, s9, $0xb8;
	[tilespmem:$0x1CD80] =	vst v63  }
.LBB2_4:
0xc7: {  	[tilespmem:s13], [sflag:$0x4] =	stream.linear.gather [hbm4b:s8+s3], $0x50, $0x38;
	[tilespmem:$0x1CD80] =	vst v63  }
0xc8: {  	s8 =	smov.u32 s19  }
0xc9: {  	p1 =	sne.s32 s19, $0x4B0;
	s19 =	sadd.s32 $0x14, s19;
	_ =	swait.ge [sflag:s14], $0x2800  }
0xca: {  	[sflag:s14] =	ssyncset.done $0x0  }
0xcb: {  	[sflag:s14] =	ssyncadd.s32 $0xFFFFD800  }
0xcc: {  	_ =	swait.ge [sflag:s15], $0x50  }
0xcd: {  	[sflag:s15] =	ssyncset.done $0x0  }
0xce: {  	[sflag:s15] =	ssyncadd.s32 $0xFFFFFFB0  }
0xcf: {  	[spmem:s1] =	stream.indirect.scatter.add.f32 [tilespmem:s10], [sflag:$0x6], $0x80, s11, s9, $0xb8;
	[tilespmem:$0x1CD80] =	vst v63  }
0xd0: {  	_ =	swait.ge [sflag:s2], $0x2800  }
0xd1: {  	[sflag:s2] =	ssyncset.done $0x0  }
0xd2: {  	s22 =	sshrl.u32 s21, $0x3;
	[sflag:s2] =	ssyncadd.s32 $0xFFFFD800  }
0xd3: {  	[tilespmem:s10], [sflag:$0x1] =	stream.indirect.gather [hbm4b:s4+s9], $0x80, s20, s9, $0xb8;
	[tilespmem:$0x1CD80] =	vst v63  }
0xd4: {  	s22 =	sadd.s32 s5, s22  }
0xd5: {  	[tilespmem:s11], [sflag:$0x3] =	stream.linear.gather [hbm4b:s22+s3], $0x50, $0x38;
	[tilespmem:$0x1CD80] =	vst v63  }
0xd6: {  	_ =	swait.ge [sflag:s16], $0x2800  }
0xd7: {  	[sflag:s16] =	ssyncset.done $0x0  }
0xd8: {  	[sflag:s16] =	ssyncadd.s32 $0xFFFFD800  }
0xd9: {  	_ =	swait.ge [sflag:s17], $0x50  }
0xda: {  	[sflag:s17] =	ssyncset.done $0x0  }
0xdb: {  	[sflag:s17] =	ssyncadd.s32 $0xFFFFFFB0  }
0xdc: {  	[spmem:s1] =	stream.indirect.scatter.add.f32 [tilespmem:s12], [sflag:$0x6], $0x80, s13, s9, $0xb8;
	[tilespmem:$0x1CD80] =	vst v63  }
.Ltmp1:
0xdd: {  	_ =	swait.ge [sflag:s2], $0x2800;
	(pc) =	sbr.rel @p1 .LBB2_4-.Ltmp1, $4  }
0xde: {  	[sflag:s2] =	ssyncset.done $0x0  }
0xdf: {  	s22 =	sadd.s32 $0x80, s20;
	[sflag:s2] =	ssyncadd.s32 $0xFFFFD800  }
0xe0: {  	[tilespmem:s12], [sflag:$0x2] =	stream.indirect.gather [hbm4b:s4+s9], $0x80, s22, s9, $0xb8;
	[tilespmem:$0x1CD80] =	vst v63  }
0xe1: {  	s21 =	sadd.s32 $0xA0, s21;
	s8 =	sadd.s32 s8, s24;
	s20 =	sadd.s32 $0x100, s20  }
0xe2: {  	[tilespmem:s13], [sflag:$0x4] =	stream.linear.gather [hbm4b:s8+s3], $0x50, $0x38;
	[tilespmem:$0x1CD80] =	vst v63  }
0xe3: {  	_ =	swait.ge [sflag:s14], $0x2800  }
0xe4: {  	[sflag:s14] =	ssyncset.done $0x0  }
0xe5: {  	[sflag:s14] =	ssyncadd.s32 $0xFFFFD800  }
0xe6: {  	_ =	swait.ge [sflag:s15], $0x50  }
0xe7: {  	[sflag:s15] =	ssyncset.done $0x0  }
0xe8: {  	[sflag:s15] =	ssyncadd.s32 $0xFFFFFFB0  }
0xe9: {  	[spmem:s1] =	stream.indirect.scatter.add.f32 [tilespmem:s10], [sflag:$0x6], $0x80, s11, s9, $0xb8;
	[tilespmem:$0x1CD80] =	vst v63  }
0xea: {  	_ =	swait.ge [sflag:s2], $0x2800  }
0xeb: {  	[sflag:s2] =	ssyncset.done $0x0  }
0xec: {  	s20 =	simm.s32 $0x3E00;
	[sflag:s2] =	ssyncadd.s32 $0xFFFFD800  }
0xed: {  	[tilespmem:s10], [sflag:$0x1] =	stream.indirect.gather [hbm4b:s4+s9], $0x80, s20, s9, $0xb8;
	[tilespmem:$0x1CD80] =	vst v63  }
0xee: {  	_ = 	snop  }
0xef: {  	[tilespmem:s11], [sflag:$0x3] =	stream.linear.gather [hbm4b:s31+s3], $0x50, $0x38;
	[tilespmem:$0x1CD80] =	vst v63  }
0xf0: {  	_ =	swait.ge [sflag:s16], $0x2800  }
0xf1: {  	[sflag:s16] =	ssyncset.done $0x0  }
0xf2: {  	[sflag:s16] =	ssyncadd.s32 $0xFFFFD800  }
0xf3: {  	_ =	swait.ge [sflag:s17], $0x50  }
0xf4: {  	[sflag:s17] =	ssyncset.done $0x0  }
0xf5: {  	[sflag:s17] =	ssyncadd.s32 $0xFFFFFFB0  }
0xf6: {  	[spmem:s1] =	stream.indirect.scatter.add.f32 [tilespmem:s12], [sflag:$0x6], $0x80, s13, s9, $0xb8;
	[tilespmem:$0x1CD80] =	vst v63  }
0xf7: {  	_ =	swait.ge [sflag:s2], $0x2800  }
0xf8: {  	[sflag:s2] =	ssyncset.done $0x0  }
0xf9: {  	[sflag:s2] =	ssyncadd.s32 $0xFFFFD800  }
0xfa: {  	_ =	swait.ge [sflag:s14], $0x2800  }
0xfb: {  	[sflag:s14] =	ssyncset.done $0x0  }
0xfc: {  	[sflag:s14] =	ssyncadd.s32 $0xFFFFD800  }
0xfd: {  	_ =	swait.ge [sflag:s15], $0x50  }
0xfe: {  	[sflag:s15] =	ssyncset.done $0x0  }
0xff: {  	[sflag:s15] =	ssyncadd.s32 $0xFFFFFFB0  }
0x100: {  	[spmem:s1] =	stream.indirect.scatter.add.f32 [tilespmem:s10], [sflag:$0x6], $0x80, s11, s9, $0xb8;
	[tilespmem:$0x1CD80] =	vst v63  }
0x101: {  	_ =	swait.ge [sflag:s2], $0x2800  }
0x102: {  	[sflag:s2] =	ssyncset.done $0x0  }
0x103: {  	s21 =	stileid.u32;
	[sflag:s2] =	ssyncadd.s32 $0xFFFFD800  }
0x104: {  	s8 =	sshll.u32 s21, $0x6;
	[bflag:$0x0] =	sbarrier.arrive $0xFFFF  }
0x105: {  	s19 =	sshrl.u32 s7, $0x3;
	s8 =	sor.u32 $0x1C06, s8;
	s20 =	rddreg [dreg:$0x5]  }
0x106: {  	[hbm:s20], [sflag:s8] =	dma.local [spmem:s19], $0x2080  }
0x107: {  	_ =	swait.ge [sflag:s2], $0x2080  }
0x108: {  	[sflag:s2] =	ssyncset.done $0x0;
	s19 =	rddreg [dreg:$0x6]  }
0x109: {  	s20 =	rddreg [dreg:$0x12];
	[sflag:s2] =	ssyncadd.s32 $0xFFFFDF80  }
0x10a: {  	[hbm:s19], [sflag:s8] =	dma.local @!p0 [spmem:s20], $0x700  }
0x10b: {  	s8 =	simm.s32 @!p0 $0x6  }
0x10c: {  	_ =	swait.ge @!p0 [sflag:s8], $0x700  }
0x10d: {  	s18 =	sadd.s32 $0x1, s18;
	s22 =	rddreg [dreg:$0x7]  }
0x10e: {  	p1 =	sne.s32 s18, s22  }
.Ltmp2:
0x10f: {  	_ = 	snop;
	(pc) =	sbr.rel @p1 .LBB2_1-.Ltmp2, $3  }
0x110: {  	_ =	sdelay $0x1  }
0x111: {  	[sflag:s8] =	ssyncset.done @!p0 $0x0  }
0x112: {  	[sflag:s8] =	ssyncadd.s32 @!p0 $0xFFFFF900  }
0x113: {  	_ =	sfence.sel $0x180000  }
0x114: {  	[bflag:$0x0] =	sbarrier.arrive $0xFFFF  }
0x115: {  	_ =	strace $0x9000004D  }
0x116: {  	s0 =	stileid.u32;
	[bflag:$0x2] =	sbarrier.arrive $0xFFFF  }
0x117: {  	p0 =	sne.s32 s0, $0x0;
	s0 =	rddreg [dreg:$0x2]  }
0x118: {  	s0 =	sadd.s32 @!p0 $0x100000, s0  }
0x119: {  	[sflag:s0] =	ssyncadd.tile.s32 @!p0 $0x1;
	_ =	shalt  }
.Lfunc_end2:
_tile_overlayer_lowered:
.L_overlay_start_2:
0x11a: {  	(tag) =	ssettag $0x2  }
0x11b: {  	s0 =	rddreg [dreg:$0x0];
	s2 =	stileid.u32  }
0x11c: {  	s1 =	rddreg [dreg:$0x1];
	p0 =	sne.s32 s2, $0x0  }
0x11d: {  	s3 =	rddreg [dreg:$0x2];
	[bflag:$0x3] =	sbarrier.arrive $0xFFFF;
	s2 =	simm.s32 @!p0 $0x1C06  }
0x11e: {  	[timem:s3], [sflag:s2] =	dma.local @!p0 [hbm:s0], s1  }
0x11f: {  	s0 =	simm.s32 @!p0 $0x6  }
0x120: {  	_ =	swait.ge @!p0 [sflag:s0], s1  }
0x121: {  	s1 =	ssub.s32 @!p0 $0x0, s1;
	[sflag:s0] =	ssyncset.done @!p0 $0x0  }
0x122: {  	[sflag:s0] =	ssyncadd.s32 @!p0 s1  }
0x123: {  	[bflag:$0x3] =	sbarrier.arrive $0xFFFF  }
0x124: {  	_ =	shalt  }

// kernel: kernel.19.cloned.1.call-start
scs
__scs_entry_jumppad:
0x0: {  	(pc) =	sbr.rel $0x88, $3  }
0x1: {  	(tag) =	ssettag $0x0;
	lr =	simm.s32 $0x1  }
0x2: {  	[smem:$0x3F96] =	sst lr;
	_ =	strace $0xD0000000  }
0x3: {  	_ = 	snop  }
0x4: {  	_ = 	snop  }
0x5: {  	_ = 	snop  }
0x6: {  	_ = 	snop  }
0x7: {  	_ = 	snop  }
__scs_overlays_trampoline_lowered:
0x8: {  	[smem:$0x3FA5] =	sst s0  }
0x9: {  	[smem:$0x3FA6] =	sst s1  }
0xa: {  	[smem:$0x3FA7] =	sst s2  }
0xb: {  	[smem:$0x3FA8] =	sst s3  }
0xc: {  	[smem:$0x3FA9] =	sst s4  }
0xd: {  	[smem:$0x3FAA] =	sst s5  }
0xe: {  	[smem:$0x3FAB] =	sst s6  }
0xf: {  	[smem:$0x3FAC] =	sst s7  }
0x10: {  	[smem:$0x3FAD] =	sst s8  }
0x11: {  	[smem:$0x3FAE] =	sst s9;
	s0 =	simm.s32 @!p0 $0x0  }
0x12: {  	s1 =	sld [smem:$0x3F94];
	s0 =	simm.s32 @p0 $0x1  }
0x13: {  	[smem:$0x3FAF] =	sst s0;
	s0 =	simm.s32 @!p1 $0x0  }
0x14: {  	s2 =	sld [smem:$0x3F93];
	s0 =	simm.s32 @p1 $0x1  }
0x15: {  	[smem:$0x3FB0] =	sst s0;
	s0 =	simm.s32 @!p2 $0x0  }
0x16: {  	s3 =	sld [smem:$0x3FDB];
	s0 =	simm.s32 @p2 $0x1  }
0x17: {  	s4 =	simm.s32 $0x1BF5;
	[smem:$0x3FB2] =	sst s0  }
0x18: {  	s0 =	sld [smem:$0x3F95];
	_ =	swait.ge [sflag:s4], $0x0  }
0x19: {  	s7 =	sld [smem:$0x3F96]  }
0x1a: {  	s8 =	sadd.s32 $0xFFFFE003, lr  }
0x1b: {  	s9 =	sadd.s32 $0xFFFFFEF7, lr;
	s5 =	simm.s32 $0xFFFFFFFF;
	p2 =	slt.u32 s8, $0xFFFFF086  }
0x1c: {  	p1 =	slt.u32 s9, $0xF7A;
	s5 =	simm.s32 @!p2 $0x0  }
0x1d: {  	s5 =	simm.s32 @p1 $0x1;
	p0 =	seq.s32 s7, s2  }
0x1e: {  	s7 =	smul.u32 @!p0 $0xF7A, s2;
	p2 =	seq.s32 @!p0 s5, $0x0  }
0x1f: {  	s9 =	smul.u32 $0xF7A, s1;
	s8 =	simm.s32 @!p0 $0x1BF5;
	p2 =	por !p2, p0  }
0x20: {  	[sflag:s8] =	ssyncset.s32 @!p0 $0xFFFFF086;
	s6 =	sadd.s32 @!p0 s3, s7;
	s7 =	simm.s32 @!p0 $0x108  }
0x21: {  	s3 =	sadd.s32 s3, s9;
	s6 =	sadd.s32 @!p0 $0x88, s6;
	s7 =	simm.s32 @p2 $0x1082  }
0x22: {  	[simem:s7], [sflag:s8] =	dma.local @!p0 [hbm:s6], $0xF7A  }
0x23: {  	s9 =	sor.u32 $0xD0000000, s2;
	s6 =	simm.s32 $0x108;
	_ =	swait.ge @!p0 [sflag:s8], $0x0  }
0x24: {  	s3 =	sadd.s32 $0x88, s3;
	s6 =	simm.s32 @!p1 $0x1082;
	[sflag:s4] =	ssyncset.s32 $0xFFFFF086  }
0x25: {  	[simem:s6], [sflag:s4] =	dma.local [hbm:s3], $0xF7A  }
0x26: {  	[smem:$0x3F96] =	sst s1;
	(tag) =	ssettag s2;
	_ =	strace s9  }
0x27: {  	s1 =	sld [smem:$0x3FA6]  }
0x28: {  	s2 =	sld [smem:$0x3FA7]  }
0x29: {  	s4 =	sld [smem:$0x3FA9]  }
0x2a: {  	p0 =	seq.s32 s5, $0x0;
	s5 =	sld [smem:$0x3FAA]  }
0x2b: {  	s6 =	sld [smem:$0x3FAB]  }
0x2c: {  	s7 =	sld [smem:$0x3FAC]  }
0x2d: {  	s3 =	simm.s32 $0x108;
	s8 =	sld [smem:$0x3FAD]  }
0x2e: {  	s3 =	simm.s32 @!p0 $0x1082;
	s9 =	sld [smem:$0x3FAE]  }
0x2f: {  	lr =	sadd.s32 s0, s3;
	s0 =	sld [smem:$0x3FA5]  }
0x30: {  	s3 =	sld [smem:$0x3FA8]  }
0x31: {  	[smem:$0x3FB1] =	sst s10  }
0x32: {  	s10 =	sld [smem:$0x3FAF];
	_ =	sdelay $0x3  }
0x33: {  	p0 =	seq.s32 s10, $0x1;
	s10 =	sld [smem:$0x3FB1];
	_ =	sdelay $0x3  }
0x34: {  	[smem:$0x3FB1] =	sst s10  }
0x35: {  	s10 =	sld [smem:$0x3FB0];
	_ =	sdelay $0x3  }
0x36: {  	p1 =	seq.s32 s10, $0x1;
	s10 =	sld [smem:$0x3FB1];
	_ =	sdelay $0x3  }
0x37: {  	[smem:$0x3FB1] =	sst s10  }
0x38: {  	s10 =	sld [smem:$0x3FB2]  }
0x39: {  	_ = 	snop;
	(pc) =	sbr.ind lr, $3  }
0x3a: {  	_ = 	snop  }
0x3b: {  	_ = 	snop  }
0x3c: {  	p2 =	seq.s32 s10, $0x1;
	s10 =	sld [smem:$0x3FB1]  }
0x3d: {  	_ =	shalt  }
0x3e: {  	_ =	shalt  }
0x3f: {  	_ =	shalt  }
0x40: {  	_ =	shalt  }
0x41: {  	_ =	shalt  }
0x42: {  	_ =	shalt  }
0x43: {  	_ =	shalt  }
0x44: {  	_ =	shalt  }
0x45: {  	_ =	shalt  }
0x46: {  	_ =	shalt  }
0x47: {  	_ =	shalt  }
0x48: {  	_ =	shalt  }
0x49: {  	_ =	shalt  }
0x4a: {  	_ =	shalt  }
0x4b: {  	_ =	shalt  }
0x4c: {  	_ =	shalt  }
0x4d: {  	_ =	shalt  }
0x4e: {  	_ =	shalt  }
0x4f: {  	_ =	shalt  }
0x50: {  	_ =	shalt  }
0x51: {  	_ =	shalt  }
0x52: {  	_ =	shalt  }
0x53: {  	_ =	shalt  }
0x54: {  	_ =	shalt  }
0x55: {  	_ =	shalt  }
0x56: {  	_ =	shalt  }
0x57: {  	_ =	shalt  }
0x58: {  	_ =	shalt  }
0x59: {  	_ =	shalt  }
0x5a: {  	_ =	shalt  }
0x5b: {  	_ =	shalt  }
0x5c: {  	_ =	shalt  }
0x5d: {  	_ =	shalt  }
0x5e: {  	_ =	shalt  }
0x5f: {  	_ =	shalt  }
0x60: {  	_ =	shalt  }
0x61: {  	_ =	shalt  }
0x62: {  	_ =	shalt  }
0x63: {  	_ =	shalt  }
0x64: {  	_ =	shalt  }
0x65: {  	_ =	shalt  }
0x66: {  	_ =	shalt  }
0x67: {  	_ =	shalt  }
0x68: {  	_ =	shalt  }
0x69: {  	_ =	shalt  }
0x6a: {  	_ =	shalt  }
0x6b: {  	_ =	shalt  }
0x6c: {  	_ =	shalt  }
0x6d: {  	_ =	shalt  }
0x6e: {  	_ =	shalt  }
0x6f: {  	_ =	shalt  }
0x70: {  	_ =	shalt  }
0x71: {  	_ =	shalt  }
0x72: {  	_ =	shalt  }
0x73: {  	_ =	shalt  }
0x74: {  	_ =	shalt  }
0x75: {  	_ =	shalt  }
0x76: {  	_ =	shalt  }
0x77: {  	_ =	shalt  }
0x78: {  	_ =	shalt  }
0x79: {  	_ =	shalt  }
0x7a: {  	_ =	shalt  }
0x7b: {  	_ =	shalt  }
0x7c: {  	_ =	shalt  }
0x7d: {  	_ =	shalt  }
0x7e: {  	_ =	shalt  }
0x7f: {  	_ =	shalt  }
0x80: {  	_ =	shalt  }
0x81: {  	_ =	shalt  }
0x82: {  	_ =	shalt  }
0x83: {  	_ =	shalt  }
0x84: {  	_ =	shalt  }
0x85: {  	_ =	shalt  }
0x86: {  	_ =	shalt  }
0x87: {  	_ =	shalt  }
.Lfunc_end0:
.L_simem_size_0:
called_computation.3_lowered:
.L_overlay_start_0:
0x88: {  	s2 =	sld [smem:$0x3FD9]  }
0x89: {  	s3 =	sld [smem:$0x3FFE];
	_ =	sdelay $0x1  }
0x8a: {  	s1 =	srdreg.scid  }
0x8b: {  	s0 =	sand.u32 $0x1, s1  }
0x8c: {  	s16 =	sshll.u32 s0, $0xA;
	s2 =	sadd.s32 s3, s2  }
0x8d: {  	s2 =	sadd.s32 s2, s16  }
0x8e: {  	[smem:$0x3FBD] =	sst s2  }
0x8f: {  	_ = 	snop  }
0x90: {  	(tm) =	ssettm $0x1  }
0x91: {  	s17 =	sld [smem:$0x3FFB];
	_ =	sdelay $0x3  }
0x92: {  	_ =	strace s17  }
0x93: {  	s2 =	sld [smem:$0x3FFC];
	_ =	sdelay $0x3  }
0x94: {  	_ =	strace s2  }
0x95: {  	s2 =	sld [smem:$0x3FFD];
	_ =	sdelay $0x3  }
0x96: {  	_ =	strace s2  }
0x97: {  	_ =	strace $0x8FFFFFFF  }
0x98: {  	s18 =	sld [smem:$0x3FDB];
	_ =	sdelay $0x1  }
0x99: {  	s19 =	simm.s32 $_scs_section_size  }
0x9a: {  	s4 =	simm.s32 $_size__tile_overlayer_lowered;
	s5 =	simm.s32 $_tile_overlayer_lowered  }
0x9b: {  	s22 =	simm.s32 $0x1BFF;
	s21 =	sshll.u32 s5, $0x1;
	s2 =	sadd.s32 s19, s18  }
0x9c: {  	s6 =	simm.s32 $0x0;
	s20 =	sshll.u32 s4, $0x1;
	s4 =	sadd.s32 s21, s2  }
0x9d: {  	[timem:s6], [sflag:s22] =	dma.local [hbm:s4], s20  }
0x9e: {  	_ =	swait.ge [sflag:s22], s20  }
0x9f: {  	s3 =	ssub.s32 $0x0, s20;
	[sflag:s22] =	ssyncset.done $0x0  }
0xa0: {  	[sflag:s22] =	ssyncadd.s32 s3;
	_ =	sdelay $0x1  }
0xa1: {  	s23 =	simm.s32 $0x1B8B  }
0xa2: {  	_ =	swait.ge [sflag:s23], $0x1  }
0xa3: {  	[sflag:s23] =	ssyncset.done $0x0  }
0xa4: {  	s25 =	simm.s32 $0x1B8E;
	s24 =	sld [smem:$0x3FFE];
	[sflag:s23] =	ssyncadd.s32 $0xFFFFFFFF  }
0xa5: {  	s26 =	simm.s32 $execute0_lowered;
	[smem:$0x3FD2] =	sst s25  }
0xa6: {  	s4 =	sshll.u32 s26, $0x1;
	_ =	strace $0x8000004F;
	[dreg:$0x1] =	wrdreg $0xFFFFFFFF  }
0xa7: {  	s28 =	simm.s32 $_size_execute0_lowered;
	s2 =	sadd.s32 s2, s4;
	[dreg:$0x0] =	wrdreg $0x0  }
0xa8: {  	s4 =	sshll.u32 s28, $0x1;
	[dreg:$0x2] =	wrdreg s2  }
0xa9: {  	[dreg:$0x3] =	wrdreg s4  }
0xaa: {  	[dreg:$0x4] =	wrdreg $0xC0  }
0xab: {  	_ =	task [dreg:s6], $0x5FFFF  }
0xac: {  	[dreg:$0x1] =	wrdreg $0xFFFFFFFF  }
0xad: {  	[dreg:$0x0] =	wrdreg $0x60  }
0xae: {  	[dreg:$0x2] =	wrdreg s24  }
0xaf: {  	[dreg:$0x3] =	wrdreg $0x95000  }
0xb0: {  	[dreg:$0x4] =	wrdreg $0x9  }
0xb1: {  	_ =	task.clear_ibuf [dreg:s6], $0x5FFFF;
	_ =	strace $0x9000004F  }
0xb2: {  	s29 =	simm.s32 $0x9;
	_ =	strace $0x80000051  }
0xb3: {  	_ =	swait.ge [sflag:s29], $0x1  }
0xb4: {  	[sflag:s29] =	ssyncadd.s32 $0xFFFFFFFF  }
0xb5: {  	_ =	strace $0x90000051  }
0xb6: {  	_ =	sfence  }
0xb7: {  	s30 =	sld [smem:$0x0];
	_ =	sdelay $0x2  }
0xb8: {  	s31 =	sshll.u32 s1, $0xD;
	s1 =	sshrl.u32 s1, $0x2  }
0xb9: {  	s3 =	sand.u32 $0x4000, s31;
	s1 =	sadd.s32 s1, s30  }
0xba: {  	s0 =	sor.u32 s3, s0;
	s1 =	sshll.u32 s1, $0x11  }
0xbb: {  	s0 =	sor.u32 s1, s0  }
0xbc: {  	s0 =	sadd.s32 $0x8F2B, s0  }
0xbd: {  	[sflag:s0] =	ssyncadd.remote.s32 $0x1  }
0xbe: {  	_ =	sfence.sel $0xFFFF  }
0xbf: {  	[dreg:$0x0] =	wrdreg $0xFFFFFFFF;
	(pc) =	sbr.abs _section_cstart, $3  }
0xc0: {  	[dreg:$0x1] =	wrdreg $0xFFFFFFFF  }
0xc1: {  	_ =	task.clear_ibuf [dreg:s6], $0x2FFFF;
	_ =	strace $0x9FFFFFFF  }
0xc2: {  	(tm) =	ssettm $0x7FFFFFFF  }
0xc3: {  	_ =	shalt  }
tec
execute0_lowered:
.L_overlay_start_1:
0x0: {  	(tag) =	ssettag $0x1  }
0x1: {  	s0 =	rddreg [dreg:$0x0];
	s13 =	stileid.u32  }
0x2: {  	s1 =	rddreg [dreg:$0x1];
	s7 =	smul.u32 $0x4F000, s13  }
0x3: {  	s2 =	srdreg.scid;
	s3 =	simm.s32 $0x0;
	s12 =	smul.u32 $0x13C00, s13  }
0x4: {  	s2 =	sand.u32 $0x1, s2;
	[smem:$0x7FF] =	sst s3;
	s16 =	smul.u32 $0x2710, s13  }
0x5: {  	p0 =	seq.s32 s13, $0xF;
	s4 =	sshll.u32 s2, $0x4;
	s10 =	smul.u32 $0x138800, s2  }
0x6: {  	_ =	strace $0x80000050;
	s9 =	ssub.s32 $0x2, s2;
	s2 =	smul.u32 $0x27100, s2  }
0x7: {  	s5 =	sor.u32 s13, s4;
	s4 =	sadd.s32 $0xDC00, s0;
	s11 =	sshrl.u32 s9, $0x1  }
0x8: {  	s7 =	sshrl.u32 s7, $0x2;
	s23 =	sadd.s32 $0x10400, s12;
	s13 =	simm.s32 $0x4080  }
0x9: {  	s6 =	sshll.u32 s5, $0xB;
	s8 =	smul.u32 $0x2710, s5;
	s5 =	sadd.s32 $0x3E00, s0  }
0xa: {  	s9 =	ssub.s32 s9, s11;
	s7 =	sadd.s32 s7, s1;
	s22 =	sadd.s32 s12, s10  }
0xb: {  	s25 =	sadd.s32 s10, s23;
	s2 =	sadd.s32 s16, s2;
	s11 =	simm.s32 $0x4000  }
0xc: {  	s16 =	simm.s32 $0x2;
	s6 =	sadd.s32 s6, s0;
	s14 =	smax.u32 s9, $0x1  }
0xd: {  	s0 =	sadd.s32 $0x7BE00, s0;
	s15 =	sadd.s32 $0x10400, s7;
	[dreg:$0x7] =	wrdreg s14  }
0xe: {  	s24 =	sshrl.u32 s22, $0x3;
	s17 =	sadd.s32 $0x10800, s7;
	[dreg:$0x8] =	wrdreg s15  }
0xf: {  	s10 =	sshrl.u32 s25, $0x3;
	s18 =	sadd.s32 $0x10C00, s7;
	[dreg:$0x9] =	wrdreg s17  }
0x10: {  	s19 =	sadd.s32 $0x11000, s7;
	s20 =	sadd.s32 $0x11400, s7;
	[dreg:$0xa] =	wrdreg s18  }
0x11: {  	s22 =	sadd.s32 $0x11C00, s7;
	s25 =	sadd.s32 $0x12400, s7;
	[dreg:$0xb] =	wrdreg s19  }
0x12: {  	s28 =	sadd.s32 $0x13000, s7;
	s29 =	sadd.s32 $0x13400, s7;
	[dreg:$0xc] =	wrdreg s20  }
0x13: {  	s30 =	sadd.s32 $0x13800, s7;
	s9 =	simm.s32 $0x50;
	[dreg:$0xe] =	wrdreg s22  }
0x14: {  	s6 =	sadd.s32 $0x6BE00, s6;
	s21 =	sshrl.u32 s8, $0x3;
	[dreg:$0x10] =	wrdreg s25  }
0x15: {  	s14 =	simm.s32 $0x1;
	s15 =	simm.s32 $0x3;
	s17 =	simm.s32 $0x4  }
0x16: {  	s18 =	simm.s32 $0x0;
	[dreg:$0x3] =	wrdreg s6;
	s12 =	sadd.s32 s5, s21  }
0x17: {  	s6 =	sadd.s32 s0, s24;
	s0 =	sadd.s32 s0, s10;
	s21 =	sadd.s32 $0x11800, s7  }
0x18: {  	s24 =	sadd.s32 $0xF0, s2;
	s10 =	simm.s32 $0x4100;
	[dreg:$0x5] =	wrdreg s6  }
0x19: {  	s26 =	sadd.s32 $0xA, s12;
	[dreg:$0x6] =	wrdreg s0;
	s0 =	sadd.s32 s23, s1  }
0x1a: {  	[dreg:$0xd] =	wrdreg s21;
	s23 =	sadd.s32 $0x12000, s7;
	s6 =	sshrl.u32 s24, $0x3  }
0x1b: {  	s25 =	smov.u32 s12;
	s31 =	sadd.s32 $0x4D8, s12;
	[dreg:$0x4] =	wrdreg s26  }
0x1c: {  	s12 =	simm.s32 $0x6900;
	[dreg:$0xf] =	wrdreg s23;
	s26 =	sadd.s32 $0x12800, s7  }
0x1d: {  	s23 =	sadd.s32 $0xA0, s2;
	s24 =	sadd.s32 s6, s5;
	s0 =	sshrl.u32 @!p0 s0, $0x3  }
0x1e: {  	s2 =	simm.s32 $0x6;
	s6 =	simm.s32 $0x5;
	[dreg:$0x11] =	wrdreg s26  }
0x1f: {  	v0 =	vimm.f32 $0.0e+00;
	[dreg:$0x12] =	wrdreg s0;
	s26 =	sadd.s32 $0x12C00, s7;
	s0 =	simm.s32 $0x9100  }
.LBB2_1:
0x20: {  	s8 =	rddreg [dreg:$0x3]  }
0x21: {  	[tilespmem:s3], [sflag:$0x5] =	stream.linear.gather [hbm4b:s8+s3], $0x3E80, $0x38;
	[tilespmem:$0x1CD80] =	vst v63  }
0x22: {  	[tilespmem:$0x9100] =	vst v0  }
0x23: {  	[tilespmem:$0x9110] =	vst v0  }
0x24: {  	[tilespmem:$0x9120] =	vst v0  }
0x25: {  	[tilespmem:$0x9130] =	vst v0  }
0x26: {  	[tilespmem:$0x9140] =	vst v0  }
0x27: {  	[tilespmem:$0x9150] =	vst v0  }
0x28: {  	[tilespmem:$0x9160] =	vst v0  }
0x29: {  	[tilespmem:$0x9170] =	vst v0  }
0x2a: {  	[tilespmem:$0x9180] =	vst v0  }
0x2b: {  	[tilespmem:$0x9190] =	vst v0  }
0x2c: {  	[tilespmem:$0x91A0] =	vst v0  }
0x2d: {  	[tilespmem:$0x91B0] =	vst v0  }
0x2e: {  	[tilespmem:$0x91C0] =	vst v0  }
0x2f: {  	[tilespmem:$0x91D0] =	vst v0  }
0x30: {  	[tilespmem:$0x91E0] =	vst v0  }
0x31: {  	[tilespmem:$0x91F0] =	vst v0  }
0x32: {  	[tilespmem:$0x9200] =	vst v0  }
0x33: {  	[tilespmem:$0x9210] =	vst v0  }
0x34: {  	[tilespmem:$0x9220] =	vst v0  }
0x35: {  	[tilespmem:$0x9230] =	vst v0  }
0x36: {  	[tilespmem:$0x9240] =	vst v0  }
0x37: {  	[tilespmem:$0x9250] =	vst v0  }
0x38: {  	[tilespmem:$0x9260] =	vst v0  }
0x39: {  	[tilespmem:$0x9270] =	vst v0  }
0x3a: {  	[tilespmem:$0x9280] =	vst v0  }
0x3b: {  	[tilespmem:$0x9290] =	vst v0  }
0x3c: {  	[tilespmem:$0x92A0] =	vst v0  }
0x3d: {  	[tilespmem:$0x92B0] =	vst v0  }
0x3e: {  	[tilespmem:$0x92C0] =	vst v0  }
0x3f: {  	[tilespmem:$0x92D0] =	vst v0  }
0x40: {  	[tilespmem:$0x92E0] =	vst v0  }
0x41: {  	[tilespmem:$0x92F0] =	vst v0  }
0x42: {  	[tilespmem:$0x9300] =	vst v0  }
0x43: {  	[tilespmem:$0x9310] =	vst v0  }
0x44: {  	[tilespmem:$0x9320] =	vst v0  }
0x45: {  	[tilespmem:$0x9330] =	vst v0  }
0x46: {  	[tilespmem:$0x9340] =	vst v0  }
0x47: {  	[tilespmem:$0x9350] =	vst v0  }
0x48: {  	[tilespmem:$0x9360] =	vst v0  }
0x49: {  	[tilespmem:$0x9370] =	vst v0  }
0x4a: {  	[tilespmem:$0x9380] =	vst v0  }
0x4b: {  	[tilespmem:$0x9390] =	vst v0  }
0x4c: {  	[tilespmem:$0x93A0] =	vst v0  }
0x4d: {  	[tilespmem:$0x93B0] =	vst v0  }
0x4e: {  	[tilespmem:$0x93C0] =	vst v0  }
0x4f: {  	[tilespmem:$0x93D0] =	vst v0  }
0x50: {  	[tilespmem:$0x93E0] =	vst v0  }
0x51: {  	[tilespmem:$0x93F0] =	vst v0  }
0x52: {  	[tilespmem:$0x9400] =	vst v0  }
0x53: {  	[tilespmem:$0x9410] =	vst v0  }
0x54: {  	[tilespmem:$0x9420] =	vst v0  }
0x55: {  	[tilespmem:$0x9430] =	vst v0  }
0x56: {  	[tilespmem:$0x9440] =	vst v0  }
0x57: {  	[tilespmem:$0x9450] =	vst v0  }
0x58: {  	[tilespmem:$0x9460] =	vst v0  }
0x59: {  	[tilespmem:$0x9470] =	vst v0  }
0x5a: {  	[tilespmem:$0x9480] =	vst v0  }
0x5b: {  	[tilespmem:$0x9490] =	vst v0  }
0x5c: {  	[tilespmem:$0x94A0] =	vst v0  }
0x5d: {  	[tilespmem:$0x94B0] =	vst v0  }
0x5e: {  	[tilespmem:$0x94C0] =	vst v0  }
0x5f: {  	[tilespmem:$0x94D0] =	vst v0  }
0x60: {  	[tilespmem:$0x94E0] =	vst v0  }
0x61: {  	s22 =	sadd.s32 $0x0, s7;
	[tilespmem:$0x94F0] =	vst v0  }
0x62: {  	[spmem:s22] =	stream.linear.scatter [tilespmem:s0], [sflag:$0x6], $0x400, $0x38;
	[tilespmem:$0x1CD80] =	vst v63  }
0x63: {  	s19 =	simm.s32 $0x1000;
	_ =	swait.ge [sflag:s2], $0x400  }
.LBB2_2:
0x64: {  	s8 =	sshra.s32 s19, $0x2;
	[sflag:s2] =	ssyncset.done $0x0;
	p1 =	sne.s32 s19, $0x40000  }
.Ltmp0:
0x65: {  	s8 =	sadd.s32 s8, s7;
	[sflag:s2] =	ssyncadd.s32 $0xFFFFFC00;
	(pc) =	sbr.rel @p1 .LBB2_2-.Ltmp0, $3  }
0x66: {  	[spmem:s8] =	stream.linear.scatter [tilespmem:s0], [sflag:$0x6], $0x400, $0x38;
	[tilespmem:$0x1CD80] =	vst v63  }
0x67: {  	s19 =	sadd.s32 $0x1000, s19;
	_ =	sdelay $0x1  }
0x68: {  	_ =	swait.ge [sflag:s2], $0x400  }
0x69: {  	[sflag:s2] =	ssyncset.done $0x0  }
0x6a: {  	s8 =	simm.s32 @!p0 $0x9100;
	s19 =	rddreg [dreg:$0x8];
	[sflag:s2] =	ssyncadd.s32 $0xFFFFFC00  }
0x6b: {  	[spmem:s19] =	stream.linear.scatter @!p0 [tilespmem:s8], [sflag:$0x6], $0x400, $0x38;
	[tilespmem:$0x1CD80] =	vst v63  }
0x6c: {  	s19 =	simm.s32 @!p0 $0x6  }
0x6d: {  	_ =	swait.ge @!p0 [sflag:s19], $0x400  }
0x6e: {  	[sflag:s19] =	ssyncset.done @!p0 $0x0  }
0x6f: {  	s20 =	rddreg [dreg:$0x9];
	[sflag:s19] =	ssyncadd.s32 @!p0 $0xFFFFFC00  }
0x70: {  	[spmem:s20] =	stream.linear.scatter @!p0 [tilespmem:s8], [sflag:$0x6], $0x400, $0x38;
	[tilespmem:$0x1CD80] =	vst v63  }
0x71: {  	_ =	swait.ge @!p0 [sflag:s19], $0x400  }
0x72: {  	[sflag:s19] =	ssyncset.done @!p0 $0x0  }
0x73: {  	s20 =	rddreg [dreg:$0xa];
	[sflag:s19] =	ssyncadd.s32 @!p0 $0xFFFFFC00  }
0x74: {  	[spmem:s20] =	stream.linear.scatter @!p0 [tilespmem:s8], [sflag:$0x6], $0x400, $0x38;
	[tilespmem:$0x1CD80] =	vst v63  }
0x75: {  	_ =	swait.ge @!p0 [sflag:s19], $0x400  }
0x76: {  	[sflag:s19] =	ssyncset.done @!p0 $0x0  }
0x77: {  	s20 =	rddreg [dreg:$0xb];
	[sflag:s19] =	ssyncadd.s32 @!p0 $0xFFFFFC00  }
0x78: {  	[spmem:s20] =	stream.linear.scatter @!p0 [tilespmem:s8], [sflag:$0x6], $0x400, $0x38;
	[tilespmem:$0x1CD80] =	vst v63  }
0x79: {  	_ =	swait.ge @!p0 [sflag:s19], $0x400  }
0x7a: {  	[sflag:s19] =	ssyncset.done @!p0 $0x0  }
0x7b: {  	s20 =	rddreg [dreg:$0xc];
	[sflag:s19] =	ssyncadd.s32 @!p0 $0xFFFFFC00  }
0x7c: {  	[spmem:s20] =	stream.linear.scatter @!p0 [tilespmem:s8], [sflag:$0x6], $0x400, $0x38;
	[tilespmem:$0x1CD80] =	vst v63  }
0x7d: {  	_ =	swait.ge @!p0 [sflag:s19], $0x400  }
0x7e: {  	[sflag:s19] =	ssyncset.done @!p0 $0x0  }
0x7f: {  	s20 =	rddreg [dreg:$0xd];
	[sflag:s19] =	ssyncadd.s32 @!p0 $0xFFFFFC00  }
0x80: {  	[spmem:s20] =	stream.linear.scatter @!p0 [tilespmem:s8], [sflag:$0x6], $0x400, $0x38;
	[tilespmem:$0x1CD80] =	vst v63  }
0x81: {  	_ =	swait.ge @!p0 [sflag:s19], $0x400  }
0x82: {  	[sflag:s19] =	ssyncset.done @!p0 $0x0  }
0x83: {  	s20 =	rddreg [dreg:$0xe];
	[sflag:s19] =	ssyncadd.s32 @!p0 $0xFFFFFC00  }
0x84: {  	[spmem:s20] =	stream.linear.scatter @!p0 [tilespmem:s8], [sflag:$0x6], $0x400, $0x38;
	[tilespmem:$0x1CD80] =	vst v63  }
0x85: {  	_ =	swait.ge @!p0 [sflag:s19], $0x400  }
0x86: {  	[sflag:s19] =	ssyncset.done @!p0 $0x0  }
0x87: {  	s20 =	rddreg [dreg:$0xf];
	[sflag:s19] =	ssyncadd.s32 @!p0 $0xFFFFFC00  }
0x88: {  	[spmem:s20] =	stream.linear.scatter @!p0 [tilespmem:s8], [sflag:$0x6], $0x400, $0x38;
	[tilespmem:$0x1CD80] =	vst v63  }
0x89: {  	_ =	swait.ge @!p0 [sflag:s19], $0x400  }
0x8a: {  	[sflag:s19] =	ssyncset.done @!p0 $0x0  }
0x8b: {  	s20 =	rddreg [dreg:$0x10];
	[sflag:s19] =	ssyncadd.s32 @!p0 $0xFFFFFC00  }
0x8c: {  	[spmem:s20] =	stream.linear.scatter @!p0 [tilespmem:s8], [sflag:$0x6], $0x400, $0x38;
	[tilespmem:$0x1CD80] =	vst v63  }
0x8d: {  	_ =	swait.ge @!p0 [sflag:s19], $0x400  }
0x8e: {  	[sflag:s19] =	ssyncset.done @!p0 $0x0  }
0x8f: {  	s20 =	rddreg [dreg:$0x11];
	[sflag:s19] =	ssyncadd.s32 @!p0 $0xFFFFFC00  }
0x90: {  	[spmem:s20] =	stream.linear.scatter @!p0 [tilespmem:s8], [sflag:$0x6], $0x400, $0x38;
	[tilespmem:$0x1CD80] =	vst v63  }
0x91: {  	_ =	swait.ge @!p0 [sflag:s19], $0x400  }
0x92: {  	[sflag:s19] =	ssyncset.done @!p0 $0x0  }
0x93: {  	[sflag:s19] =	ssyncadd.s32 @!p0 $0xFFFFFC00  }
0x94: {  	[spmem:s26] =	stream.linear.scatter @!p0 [tilespmem:s8], [sflag:$0x6], $0x400, $0x38;
	[tilespmem:$0x1CD80] =	vst v63  }
0x95: {  	_ =	swait.ge @!p0 [sflag:s19], $0x400  }
0x96: {  	[sflag:s19] =	ssyncset.done @!p0 $0x0  }
0x97: {  	[sflag:s19] =	ssyncadd.s32 @!p0 $0xFFFFFC00  }
0x98: {  	[spmem:s28] =	stream.linear.scatter @!p0 [tilespmem:s8], [sflag:$0x6], $0x400, $0x38;
	[tilespmem:$0x1CD80] =	vst v63  }
0x99: {  	_ =	swait.ge @!p0 [sflag:s19], $0x400  }
0x9a: {  	[sflag:s19] =	ssyncset.done @!p0 $0x0  }
0x9b: {  	[sflag:s19] =	ssyncadd.s32 @!p0 $0xFFFFFC00  }
0x9c: {  	[spmem:s29] =	stream.linear.scatter @!p0 [tilespmem:s8], [sflag:$0x6], $0x400, $0x38;
	[tilespmem:$0x1CD80] =	vst v63  }
0x9d: {  	_ =	swait.ge @!p0 [sflag:s19], $0x400  }
0x9e: {  	[sflag:s19] =	ssyncset.done @!p0 $0x0  }
0x9f: {  	[sflag:s19] =	ssyncadd.s32 @!p0 $0xFFFFFC00  }
0xa0: {  	[spmem:s30] =	stream.linear.scatter @!p0 [tilespmem:s8], [sflag:$0x6], $0x400, $0x38;
	[tilespmem:$0x1CD80] =	vst v63  }
0xa1: {  	_ =	swait.ge @!p0 [sflag:s19], $0x400  }
0xa2: {  	[sflag:s19] =	ssyncset.done @!p0 $0x0  }
0xa3: {  	[sflag:s19] =	ssyncadd.s32 @!p0 $0xFFFFFC00  }
0xa4: {  	[bflag:$0x0] =	sbarrier.arrive $0xFFFF  }
0xa5: {  	_ =	swait.ge [sflag:s6], $0x3E80  }
0xa6: {  	[sflag:s6] =	ssyncset.done $0x0  }
0xa7: {  	s20 =	simm.s32 $0x0;
	[sflag:s6] =	ssyncadd.s32 $0xFFFFC180  }
0xa8: {  	[tilespmem:s10], [sflag:$0x1] =	stream.indirect.gather [hbm4b:s4+s9], $0x80, s20, s9, $0xb8;
	[tilespmem:$0x1CD80] =	vst v63  }
0xa9: {  	_ = 	snop  }
0xaa: {  	[tilespmem:s11], [sflag:$0x3] =	stream.linear.gather [hbm4b:s25+s20], $0x50, $0x38;
	[tilespmem:$0x1CD80] =	vst v63  }
0xab: {  	s21 =	simm.s32 $0x80  }
0xac: {  	[tilespmem:s12], [sflag:$0x2] =	stream.indirect.gather [hbm4b:s4+s9], $0x80, s21, s9, $0xb8;
	[tilespmem:$0x1CD80] =	vst v63  }
0xad: {  	s22 =	rddreg [dreg:$0x4]  }
0xae: {  	[tilespmem:s13], [sflag:$0x4] =	stream.linear.gather [hbm4b:s22+s20], $0x50, $0x38;
	[tilespmem:$0x1CD80] =	vst v63  }
0xaf: {  	_ =	swait.ge [sflag:s14], $0x2800  }
0xb0: {  	[sflag:s14] =	ssyncset.done $0x0  }
0xb1: {  	[sflag:s14] =	ssyncadd.s32 $0xFFFFD800  }
0xb2: {  	_ =	swait.ge [sflag:s15], $0x50  }
0xb3: {  	[sflag:s15] =	ssyncset.done $0x0  }
0xb4: {  	[sflag:s15] =	ssyncadd.s32 $0xFFFFFFB0  }
0xb5: {  	[spmem:s1] =	stream.indirect.scatter.add.f32 [tilespmem:s10], [sflag:$0x6], $0x80, s11, s9, $0xb8;
	[tilespmem:$0x1CD80] =	vst v63  }
0xb6: {  	_ =	swait.ge [sflag:s2], $0x2800  }
0xb7: {  	[sflag:s2] =	ssyncset.done $0x0  }
0xb8: {  	s19 =	simm.s32 $0x100;
	s20 =	sshrl.u32 s23, $0x3;
	[sflag:s2] =	ssyncadd.s32 $0xFFFFD800  }
0xb9: {  	[tilespmem:s10], [sflag:$0x1] =	stream.indirect.gather [hbm4b:s4+s9], $0x80, s19, s9, $0xb8;
	[tilespmem:$0x1CD80] =	vst v63  }
0xba: {  	s21 =	sadd.s32 s5, s20  }
0xbb: {  	[tilespmem:s11], [sflag:$0x3] =	stream.linear.gather [hbm4b:s21+s3], $0x50, $0x38;
	[tilespmem:$0x1CD80] =	vst v63  }
0xbc: {  	_ =	swait.ge [sflag:s16], $0x2800  }
0xbd: {  	[sflag:s16] =	ssyncset.done $0x0  }
0xbe: {  	[sflag:s16] =	ssyncadd.s32 $0xFFFFD800  }
0xbf: {  	_ =	swait.ge [sflag:s17], $0x50  }
0xc0: {  	[sflag:s17] =	ssyncset.done $0x0  }
0xc1: {  	[sflag:s17] =	ssyncadd.s32 $0xFFFFFFB0  }
0xc2: {  	[spmem:s1] =	stream.indirect.scatter.add.f32 [tilespmem:s12], [sflag:$0x6], $0x80, s13, s9, $0xb8;
	[tilespmem:$0x1CD80] =	vst v63  }
0xc3: {  	s8 =	sadd.s32 $0x0, s24;
	_ =	swait.ge [sflag:s2], $0x2800  }
0xc4: {  	s22 =	simm.s32 $0x180;
	s20 =	simm.s32 $0x200;
	[sflag:s2] =	ssyncset.done $0x0  }
0xc5: {  	s19 =	simm.s32 $0x14;
	s21 =	sadd.s32 $0xA0, s23;
	[sflag:s2] =	ssyncadd.s32 $0xFFFFD800  }
0xc6: {  	[tilespmem:s12], [sflag:$0x2] =	stream.indirect.gather [hbm4b:s4+s9], $0x80, s22, s9, $0xb8;
	[tilespmem:$0x1CD80] =	vst v63  }
.LBB2_4:
0xc7: {  	[tilespmem:s13], [sflag:$0x4] =	stream.linear.gather [hbm4b:s8+s3], $0x50, $0x38;
	[tilespmem:$0x1CD80] =	vst v63  }
0xc8: {  	s8 =	smov.u32 s19  }
0xc9: {  	p1 =	sne.s32 s19, $0x4B0;
	s19 =	sadd.s32 $0x14, s19;
	_ =	swait.ge [sflag:s14], $0x2800  }
0xca: {  	[sflag:s14] =	ssyncset.done $0x0  }
0xcb: {  	[sflag:s14] =	ssyncadd.s32 $0xFFFFD800  }
0xcc: {  	_ =	swait.ge [sflag:s15], $0x50  }
0xcd: {  	[sflag:s15] =	ssyncset.done $0x0  }
0xce: {  	[sflag:s15] =	ssyncadd.s32 $0xFFFFFFB0  }
0xcf: {  	[spmem:s1] =	stream.indirect.scatter.add.f32 [tilespmem:s10], [sflag:$0x6], $0x80, s11, s9, $0xb8;
	[tilespmem:$0x1CD80] =	vst v63  }
0xd0: {  	_ =	swait.ge [sflag:s2], $0x2800  }
0xd1: {  	[sflag:s2] =	ssyncset.done $0x0  }
0xd2: {  	s22 =	sshrl.u32 s21, $0x3;
	[sflag:s2] =	ssyncadd.s32 $0xFFFFD800  }
0xd3: {  	[tilespmem:s10], [sflag:$0x1] =	stream.indirect.gather [hbm4b:s4+s9], $0x80, s20, s9, $0xb8;
	[tilespmem:$0x1CD80] =	vst v63  }
0xd4: {  	s22 =	sadd.s32 s5, s22  }
0xd5: {  	[tilespmem:s11], [sflag:$0x3] =	stream.linear.gather [hbm4b:s22+s3], $0x50, $0x38;
	[tilespmem:$0x1CD80] =	vst v63  }
0xd6: {  	_ =	swait.ge [sflag:s16], $0x2800  }
0xd7: {  	[sflag:s16] =	ssyncset.done $0x0  }
0xd8: {  	[sflag:s16] =	ssyncadd.s32 $0xFFFFD800  }
0xd9: {  	_ =	swait.ge [sflag:s17], $0x50  }
0xda: {  	[sflag:s17] =	ssyncset.done $0x0  }
0xdb: {  	[sflag:s17] =	ssyncadd.s32 $0xFFFFFFB0  }
0xdc: {  	[spmem:s1] =	stream.indirect.scatter.add.f32 [tilespmem:s12], [sflag:$0x6], $0x80, s13, s9, $0xb8;
	[tilespmem:$0x1CD80] =	vst v63  }
.Ltmp1:
0xdd: {  	_ =	swait.ge [sflag:s2], $0x2800;
	(pc) =	sbr.rel @p1 .LBB2_4-.Ltmp1, $4  }
0xde: {  	[sflag:s2] =	ssyncset.done $0x0  }
0xdf: {  	s22 =	sadd.s32 $0x80, s20;
	[sflag:s2] =	ssyncadd.s32 $0xFFFFD800  }
0xe0: {  	[tilespmem:s12], [sflag:$0x2] =	stream.indirect.gather [hbm4b:s4+s9], $0x80, s22, s9, $0xb8;
	[tilespmem:$0x1CD80] =	vst v63  }
0xe1: {  	s21 =	sadd.s32 $0xA0, s21;
	s8 =	sadd.s32 s8, s24;
	s20 =	sadd.s32 $0x100, s20  }
0xe2: {  	[tilespmem:s13], [sflag:$0x4] =	stream.linear.gather [hbm4b:s8+s3], $0x50, $0x38;
	[tilespmem:$0x1CD80] =	vst v63  }
0xe3: {  	_ =	swait.ge [sflag:s14], $0x2800  }
0xe4: {  	[sflag:s14] =	ssyncset.done $0x0  }
0xe5: {  	[sflag:s14] =	ssyncadd.s32 $0xFFFFD800  }
0xe6: {  	_ =	swait.ge [sflag:s15], $0x50  }
0xe7: {  	[sflag:s15] =	ssyncset.done $0x0  }
0xe8: {  	[sflag:s15] =	ssyncadd.s32 $0xFFFFFFB0  }
0xe9: {  	[spmem:s1] =	stream.indirect.scatter.add.f32 [tilespmem:s10], [sflag:$0x6], $0x80, s11, s9, $0xb8;
	[tilespmem:$0x1CD80] =	vst v63  }
0xea: {  	_ =	swait.ge [sflag:s2], $0x2800  }
0xeb: {  	[sflag:s2] =	ssyncset.done $0x0  }
0xec: {  	s20 =	simm.s32 $0x3E00;
	[sflag:s2] =	ssyncadd.s32 $0xFFFFD800  }
0xed: {  	[tilespmem:s10], [sflag:$0x1] =	stream.indirect.gather [hbm4b:s4+s9], $0x80, s20, s9, $0xb8;
	[tilespmem:$0x1CD80] =	vst v63  }
0xee: {  	_ = 	snop  }
0xef: {  	[tilespmem:s11], [sflag:$0x3] =	stream.linear.gather [hbm4b:s31+s3], $0x50, $0x38;
	[tilespmem:$0x1CD80] =	vst v63  }
0xf0: {  	_ =	swait.ge [sflag:s16], $0x2800  }
0xf1: {  	[sflag:s16] =	ssyncset.done $0x0  }
0xf2: {  	[sflag:s16] =	ssyncadd.s32 $0xFFFFD800  }
0xf3: {  	_ =	swait.ge [sflag:s17], $0x50  }
0xf4: {  	[sflag:s17] =	ssyncset.done $0x0  }
0xf5: {  	[sflag:s17] =	ssyncadd.s32 $0xFFFFFFB0  }
0xf6: {  	[spmem:s1] =	stream.indirect.scatter.add.f32 [tilespmem:s12], [sflag:$0x6], $0x80, s13, s9, $0xb8;
	[tilespmem:$0x1CD80] =	vst v63  }
0xf7: {  	_ =	swait.ge [sflag:s2], $0x2800  }
0xf8: {  	[sflag:s2] =	ssyncset.done $0x0  }
0xf9: {  	[sflag:s2] =	ssyncadd.s32 $0xFFFFD800  }
0xfa: {  	_ =	swait.ge [sflag:s14], $0x2800  }
0xfb: {  	[sflag:s14] =	ssyncset.done $0x0  }
0xfc: {  	[sflag:s14] =	ssyncadd.s32 $0xFFFFD800  }
0xfd: {  	_ =	swait.ge [sflag:s15], $0x50  }
0xfe: {  	[sflag:s15] =	ssyncset.done $0x0  }
0xff: {  	[sflag:s15] =	ssyncadd.s32 $0xFFFFFFB0  }
0x100: {  	[spmem:s1] =	stream.indirect.scatter.add.f32 [tilespmem:s10], [sflag:$0x6], $0x80, s11, s9, $0xb8;
	[tilespmem:$0x1CD80] =	vst v63  }
0x101: {  	_ =	swait.ge [sflag:s2], $0x2800  }
0x102: {  	[sflag:s2] =	ssyncset.done $0x0  }
0x103: {  	s21 =	stileid.u32;
	[sflag:s2] =	ssyncadd.s32 $0xFFFFD800  }
0x104: {  	s8 =	sshll.u32 s21, $0x6;
	[bflag:$0x0] =	sbarrier.arrive $0xFFFF  }
0x105: {  	s19 =	sshrl.u32 s7, $0x3;
	s8 =	sor.u32 $0x1C06, s8;
	s20 =	rddreg [dreg:$0x5]  }
0x106: {  	[hbm:s20], [sflag:s8] =	dma.local [spmem:s19], $0x2080  }
0x107: {  	_ =	swait.ge [sflag:s2], $0x2080  }
0x108: {  	[sflag:s2] =	ssyncset.done $0x0;
	s19 =	rddreg [dreg:$0x6]  }
0x109: {  	s20 =	rddreg [dreg:$0x12];
	[sflag:s2] =	ssyncadd.s32 $0xFFFFDF80  }
0x10a: {  	[hbm:s19], [sflag:s8] =	dma.local @!p0 [spmem:s20], $0x700  }
0x10b: {  	s8 =	simm.s32 @!p0 $0x6  }
0x10c: {  	_ =	swait.ge @!p0 [sflag:s8], $0x700  }
0x10d: {  	s18 =	sadd.s32 $0x1, s18;
	s22 =	rddreg [dreg:$0x7]  }
0x10e: {  	p1 =	sne.s32 s18, s22  }
.Ltmp2:
0x10f: {  	_ = 	snop;
	(pc) =	sbr.rel @p1 .LBB2_1-.Ltmp2, $3  }
0x110: {  	_ =	sdelay $0x1  }
0x111: {  	[sflag:s8] =	ssyncset.done @!p0 $0x0  }
0x112: {  	[sflag:s8] =	ssyncadd.s32 @!p0 $0xFFFFF900  }
0x113: {  	_ =	sfence.sel $0x180000  }
0x114: {  	[bflag:$0x0] =	sbarrier.arrive $0xFFFF  }
0x115: {  	_ =	strace $0x90000050  }
0x116: {  	s0 =	stileid.u32;
	[bflag:$0x2] =	sbarrier.arrive $0xFFFF  }
0x117: {  	p0 =	sne.s32 s0, $0x0;
	s0 =	rddreg [dreg:$0x2]  }
0x118: {  	s0 =	sadd.s32 @!p0 $0x100000, s0  }
0x119: {  	[sflag:s0] =	ssyncadd.tile.s32 @!p0 $0x1;
	_ =	shalt  }
.Lfunc_end2:
_tile_overlayer_lowered:
.L_overlay_start_2:
0x11a: {  	(tag) =	ssettag $0x2  }
0x11b: {  	s0 =	rddreg [dreg:$0x0];
	s2 =	stileid.u32  }
0x11c: {  	s1 =	rddreg [dreg:$0x1];
	p0 =	sne.s32 s2, $0x0  }
0x11d: {  	s3 =	rddreg [dreg:$0x2];
	[bflag:$0x3] =	sbarrier.arrive $0xFFFF;
	s2 =	simm.s32 @!p0 $0x1C06  }
0x11e: {  	[timem:s3], [sflag:s2] =	dma.local @!p0 [hbm:s0], s1  }
0x11f: {  	s0 =	simm.s32 @!p0 $0x6  }
0x120: {  	_ =	swait.ge @!p0 [sflag:s0], s1  }
0x121: {  	s1 =	ssub.s32 @!p0 $0x0, s1;
	[sflag:s0] =	ssyncset.done @!p0 $0x0  }
0x122: {  	[sflag:s0] =	ssyncadd.s32 @!p0 s1  }
0x123: {  	[bflag:$0x3] =	sbarrier.arrive $0xFFFF  }
0x124: {  	_ =	shalt  }

</sc_bundles>
